<compile_context>
chip_gen: v7x
topology: tpu7x:2x2x1
jax: 0.10.2.dev20260603
libtpu: 0.0.44.dev20260713+nightly
codegen_flags: <defaults>
</compile_context>

<pallas_src>
import functools

import jax
import jax.numpy as jnp
from jax import lax
from jax.experimental import pallas as pl
from jax.experimental.pallas import tpu as pltpu
from jax.experimental.pallas import tpu_sc as plsc

N_EMBD = 64
LANES = 16
NC = 2
NS = 16
NW = NC * NS

CH = 512
SUB = 128
NSUB = CH // SUB
UNROLL = 4


def _fire_gather(table_hbm, idx_all, rows, sem, g):
    for j in range(NSUB):
        pltpu.async_copy(
            table_hbm.at[idx_all.at[pl.ds(g * CH + j * SUB, SUB)]],
            rows.at[pl.ds(j * SUB, SUB)],
            sem,
        )


def _wait_gather(table_hbm, idx_all, rows, sem):
    for j in range(NSUB):
        pltpu.make_async_copy(
            table_hbm.at[idx_all.at[pl.ds(j * SUB, SUB)]],
            rows.at[pl.ds(j * SUB, SUB)],
            sem,
        ).wait()


def _wait_out(rows, out_hbm, sem):
    pltpu.make_async_copy(rows, out_hbm.at[pl.ds(0, CH)], sem).wait()


def _compute(rows):
    ii = lax.iota(jnp.int32, LANES)

    def quad(r, rcarry):
        rb = r * UNROLL
        for k in range(UNROLL):
            row = rb + k
            va = rows[row, pl.ds(0, LANES)]
            vb = rows[row, pl.ds(LANES, LANES)]
            vc = rows[row, pl.ds(2 * LANES, LANES)]
            vd = rows[row, pl.ds(3 * LANES, LANES)]
            s = va * va + vb * vb + vc * vc + vd * vd
            for step in (8, 4, 2, 1):
                s = s + s.at[ii ^ step].get(mode="promise_in_bounds")
            i = lax.bitcast_convert_type(s, jnp.int32)
            i = jnp.full((LANES,), 0x5F3759DF, jnp.int32) - lax.shift_right_logical(i, 1)
            y = lax.bitcast_convert_type(i, jnp.float32)
            h = 0.5 * s
            y = y * (1.5 - h * y * y)
            y = y * (1.5 - h * y * y)
            y = y * (1.5 - h * y * y)
            rows[row, pl.ds(0, LANES)] = va * y
            rows[row, pl.ds(LANES, LANES)] = vb * y
            rows[row, pl.ds(2 * LANES, LANES)] = vc * y
            rows[row, pl.ds(3 * LANES, LANES)] = vd * y
        return rcarry

    lax.fori_loop(0, CH // UNROLL, quad, 0)


def _body(x_hbm, table_hbm, out_hbm, idx_all, rows0, rows1,
          gsem0, gsem1, osem0, osem1):
    wid = lax.axis_index("s") * NC + lax.axis_index("c")
    b_per_w = x_hbm.shape[0] // NW
    nch = b_per_w // CH
    base = wid * b_per_w

    rows = (rows0, rows1)
    gsem = (gsem0, gsem1)
    osem = (osem0, osem1)

    pltpu.sync_copy(x_hbm.at[pl.ds(base, b_per_w)], idx_all)

    _fire_gather(table_hbm, idx_all, rows0, gsem0, 0)
    _fire_gather(table_hbm, idx_all, rows1, gsem1, 1)
    _wait_gather(table_hbm, idx_all, rows0, gsem0)
    _compute(rows0)
    pltpu.async_copy(rows0, out_hbm.at[pl.ds(base, CH)], osem0)

    def pair(i, carry):
        for off in range(2):
            g = 1 + 2 * i + off
            b = (1 + off) % 2
            nb = 1 - b
            _wait_out(rows[nb], out_hbm, osem[nb])
            _fire_gather(table_hbm, idx_all, rows[nb], gsem[nb], g + 1)
            _wait_gather(table_hbm, idx_all, rows[b], gsem[b])
            _compute(rows[b])
            pltpu.async_copy(rows[b], out_hbm.at[pl.ds(base + g * CH, CH)], osem[b])
        return carry

    lax.fori_loop(0, (nch - 2) // 2, pair, 0)

    gl = nch - 1
    bl = gl % 2
    _wait_gather(table_hbm, idx_all, rows[bl], gsem[bl])
    _compute(rows[bl])
    pltpu.async_copy(rows[bl], out_hbm.at[pl.ds(base + gl * CH, CH)], osem[bl])
    _wait_out(rows[0], out_hbm, osem[0])
    _wait_out(rows[1], out_hbm, osem[1])


def kernel(x, table):
    B = x.shape[0] * x.shape[1]
    b_per_w = B // NW
    nch = b_per_w // CH
    assert B % NW == 0 and b_per_w % CH == 0 and nch % 2 == 0 and nch >= 4
    xf = jnp.reshape(x, (B,)).astype(jnp.int32)
    mesh = plsc.VectorSubcoreMesh(core_axis_name="c", subcore_axis_name="s")
    run = functools.partial(
        pl.kernel,
        out_type=jax.ShapeDtypeStruct((B, N_EMBD), jnp.float32),
        mesh=mesh,
        scratch_types=[
            pltpu.VMEM((b_per_w,), jnp.int32),
            pltpu.VMEM((CH, N_EMBD), jnp.float32),
            pltpu.VMEM((CH, N_EMBD), jnp.float32),
            pltpu.SemaphoreType.DMA,
            pltpu.SemaphoreType.DMA,
            pltpu.SemaphoreType.DMA,
            pltpu.SemaphoreType.DMA,
        ],
        compiler_params=pltpu.CompilerParams(use_tc_tiling_on_sc=False),
    )(_body)
    out = run(xf, table)
    return jnp.reshape(out, (x.shape[0], x.shape[1], N_EMBD))

# --- scband reference (transcript-rebuilt; emitter-appended) ---
"""Pipeline reference for scband-normalized-embedding-37263136260645 (READ-ONLY COPY).

The authoritative reference and input builder live on the scoring server;
editing this copy changes nothing except your own understanding.
"""

import jax, jax.numpy as jnp
import numpy as np

VOCAB = 1000000
N_EMBD = 64

def setup_inputs(seed: int = 0) -> dict:
    key = jax.random.key(seed)
    k1, k2 = jax.random.split(key)
    x = jax.random.randint(k1, (4096, 200), 0, VOCAB, dtype=jnp.int64 if jax.config.jax_enable_x64 else jnp.int32)
    table = jax.random.normal(k2, (VOCAB, N_EMBD), dtype=jnp.float32) * 0.02
    return {"x": x, "table": table}

def reference(x, table):
    emb = jnp.take(table, x, axis=0)
    norm = jnp.sqrt(jnp.sum(emb * emb, axis=-1, keepdims=True))
    return emb / norm

if __name__ == "__main__":
    import jax
    _d = setup_inputs()
    print(jax.jit(kernel)(*tuple(_d.values())))

</pallas_src>

<mosaic_0001>
#map = affine_map<(d0, d1) -> (0)>
#map1 = affine_map<(d0, d1) -> (0, 0)>
module attributes {stable_mosaic.version = 14 : i64} {
  func.func @_body(%arg0: i32, %arg1: i32, %arg2: memref<819200xi32, #tpu.memory_space<hbm>>, %arg3: memref<1000000x64xf32, #tpu.memory_space<hbm>>, %arg4: memref<819200x64xf32, #tpu.memory_space<hbm>>, %arg5: memref<25600xi32, #tpu.memory_space<vmem>>, %arg6: memref<512x64xf32, #tpu.memory_space<vmem>>, %arg7: memref<512x64xf32, #tpu.memory_space<vmem>>, %arg8: memref<!tpu.dma_semaphore, #tpu.memory_space<semaphore_mem>>, %arg9: memref<!tpu.dma_semaphore, #tpu.memory_space<semaphore_mem>>, %arg10: memref<!tpu.dma_semaphore, #tpu.memory_space<semaphore_mem>>, %arg11: memref<!tpu.dma_semaphore, #tpu.memory_space<semaphore_mem>>) attributes {dimension_semantics = [#tpu.dimension_semantics<core_parallel>, #tpu.dimension_semantics<subcore_parallel>], iteration_bounds = array<i64: 2, 16>, scalar_prefetch = 0 : i64, scratch_operands = 7 : i64, tpu.core_type = #tpu.core_type<sc_vector_subcore>, window_params = [{transform_indices = #map}, {transform_indices = #map1}, {transform_indices = #map1}]} {
    %mul3A = arith.constant 2 : i32
    %mul3A_0 = arith.muli %arg1, %mul3A : i32
    %add3A = arith.addi %mul3A_0, %arg0 : i32
    %mul3A_1 = arith.constant 25600 : i32
    %mul3A_2 = arith.muli %add3A, %mul3A_1 : i32
    "tpu.region"() ({
      %run_scoped3A = tpu.sem_alloc : memref<!tpu.dma_semaphore, #tpu.memory_space<semaphore_mem>>
      %dma_start3A_169 = tpu.memref_slice %arg2[%mul3A_2] : memref<819200xi32, #tpu.memory_space<hbm>> -> memref<25600xi32, #tpu.memory_space<hbm>>
      %dma_start3A_170 = tpu.memref_slice %arg2[%mul3A_2] : memref<819200xi32, #tpu.memory_space<hbm>> -> memref<25600xi32, #tpu.memory_space<hbm>>
      tpu.enqueue_dma source(%dma_start3A_170 : memref<25600xi32, #tpu.memory_space<hbm>>) target(%arg5 : memref<25600xi32, #tpu.memory_space<vmem>>) target_semaphore(%run_scoped3A : memref<!tpu.dma_semaphore, #tpu.memory_space<semaphore_mem>>)
      %dma_wait3A_171 = tpu.memref_slice %arg2[%mul3A_2] : memref<819200xi32, #tpu.memory_space<hbm>> -> memref<25600xi32, #tpu.memory_space<hbm>>
      %dma_wait3A_172 = tpu.memref_slice %arg2[%mul3A_2] : memref<819200xi32, #tpu.memory_space<hbm>> -> memref<25600xi32, #tpu.memory_space<hbm>>
      tpu.wait_dma2 semaphore(%run_scoped3A : memref<!tpu.dma_semaphore, #tpu.memory_space<semaphore_mem>>) src(%dma_wait3A_172 : memref<25600xi32, #tpu.memory_space<hbm>>) dst(%arg5 : memref<25600xi32, #tpu.memory_space<vmem>>)
      tpu.yield
    }) : () -> ()
    %dma_start3A = arith.constant 0 : i32
    %dma_start3A_3 = arith.constant 0 : i32
    %dma_start3A_4 = tpu.memref_slice %arg6[%dma_start3A, %dma_start3A_3] : memref<512x64xf32, #tpu.memory_space<vmem>> -> memref<128x64xf32, #tpu.memory_space<vmem>>
    %dma_start3A_5 = arith.constant 0 : i32
    %dma_start3A_6 = tpu.memref_slice %arg5[%dma_start3A_5] : memref<25600xi32, #tpu.memory_space<vmem>> -> memref<128xi32, #tpu.memory_space<vmem>>
    %dma_start3A_7 = arith.constant 0 : i32
    %dma_start3A_8 = arith.constant 0 : i32
    %dma_start3A_9 = tpu.memref_slice %arg3[%dma_start3A_7, %dma_start3A_8] : memref<1000000x64xf32, #tpu.memory_space<hbm>> -> memref<1000000x64xf32, #tpu.memory_space<hbm>>
    tpu.enqueue_indirect_dma source(%dma_start3A_9 : memref<1000000x64xf32, #tpu.memory_space<hbm>>) target(%dma_start3A_4 : memref<128x64xf32, #tpu.memory_space<vmem>>) offsets(%dma_start3A_6 : memref<128xi32, #tpu.memory_space<vmem>>) semaphore(%arg8 : memref<!tpu.dma_semaphore, #tpu.memory_space<semaphore_mem>>)
    %dma_start3A_10 = arith.constant 128 : i32
    %dma_start3A_11 = arith.constant 0 : i32
    %dma_start3A_12 = tpu.memref_slice %arg6[%dma_start3A_10, %dma_start3A_11] : memref<512x64xf32, #tpu.memory_space<vmem>> -> memref<128x64xf32, #tpu.memory_space<vmem>>
    %dma_start3A_13 = arith.constant 128 : i32
    %dma_start3A_14 = tpu.memref_slice %arg5[%dma_start3A_13] : memref<25600xi32, #tpu.memory_space<vmem>> -> memref<128xi32, #tpu.memory_space<vmem>>
    %dma_start3A_15 = arith.constant 0 : i32
    %dma_start3A_16 = arith.constant 0 : i32
    %dma_start3A_17 = tpu.memref_slice %arg3[%dma_start3A_15, %dma_start3A_16] : memref<1000000x64xf32, #tpu.memory_space<hbm>> -> memref<1000000x64xf32, #tpu.memory_space<hbm>>
    tpu.enqueue_indirect_dma source(%dma_start3A_17 : memref<1000000x64xf32, #tpu.memory_space<hbm>>) target(%dma_start3A_12 : memref<128x64xf32, #tpu.memory_space<vmem>>) offsets(%dma_start3A_14 : memref<128xi32, #tpu.memory_space<vmem>>) semaphore(%arg8 : memref<!tpu.dma_semaphore, #tpu.memory_space<semaphore_mem>>)
    %dma_start3A_18 = arith.constant 256 : i32
    %dma_start3A_19 = arith.constant 0 : i32
    %dma_start3A_20 = tpu.memref_slice %arg6[%dma_start3A_18, %dma_start3A_19] : memref<512x64xf32, #tpu.memory_space<vmem>> -> memref<128x64xf32, #tpu.memory_space<vmem>>
    %dma_start3A_21 = arith.constant 256 : i32
    %dma_start3A_22 = tpu.memref_slice %arg5[%dma_start3A_21] : memref<25600xi32, #tpu.memory_space<vmem>> -> memref<128xi32, #tpu.memory_space<vmem>>
    %dma_start3A_23 = arith.constant 0 : i32
    %dma_start3A_24 = arith.constant 0 : i32
    %dma_start3A_25 = tpu.memref_slice %arg3[%dma_start3A_23, %dma_start3A_24] : memref<1000000x64xf32, #tpu.memory_space<hbm>> -> memref<1000000x64xf32, #tpu.memory_space<hbm>>
    tpu.enqueue_indirect_dma source(%dma_start3A_25 : memref<1000000x64xf32, #tpu.memory_space<hbm>>) target(%dma_start3A_20 : memref<128x64xf32, #tpu.memory_space<vmem>>) offsets(%dma_start3A_22 : memref<128xi32, #tpu.memory_space<vmem>>) semaphore(%arg8 : memref<!tpu.dma_semaphore, #tpu.memory_space<semaphore_mem>>)
    %dma_start3A_26 = arith.constant 384 : i32
    %dma_start3A_27 = arith.constant 0 : i32
    %dma_start3A_28 = tpu.memref_slice %arg6[%dma_start3A_26, %dma_start3A_27] : memref<512x64xf32, #tpu.memory_space<vmem>> -> memref<128x64xf32, #tpu.memory_space<vmem>>
    %dma_start3A_29 = arith.constant 384 : i32
    %dma_start3A_30 = tpu.memref_slice %arg5[%dma_start3A_29] : memref<25600xi32, #tpu.memory_space<vmem>> -> memref<128xi32, #tpu.memory_space<vmem>>
    %dma_start3A_31 = arith.constant 0 : i32
    %dma_start3A_32 = arith.constant 0 : i32
    %dma_start3A_33 = tpu.memref_slice %arg3[%dma_start3A_31, %dma_start3A_32] : memref<1000000x64xf32, #tpu.memory_space<hbm>> -> memref<1000000x64xf32, #tpu.memory_space<hbm>>
    tpu.enqueue_indirect_dma source(%dma_start3A_33 : memref<1000000x64xf32, #tpu.memory_space<hbm>>) target(%dma_start3A_28 : memref<128x64xf32, #tpu.memory_space<vmem>>) offsets(%dma_start3A_30 : memref<128xi32, #tpu.memory_space<vmem>>) semaphore(%arg8 : memref<!tpu.dma_semaphore, #tpu.memory_space<semaphore_mem>>)
    %dma_start3A_34 = arith.constant 0 : i32
    %dma_start3A_35 = arith.constant 0 : i32
    %dma_start3A_36 = tpu.memref_slice %arg7[%dma_start3A_34, %dma_start3A_35] : memref<512x64xf32, #tpu.memory_space<vmem>> -> memref<128x64xf32, #tpu.memory_space<vmem>>
    %dma_start3A_37 = arith.constant 512 : i32
    %dma_start3A_38 = tpu.memref_slice %arg5[%dma_start3A_37] : memref<25600xi32, #tpu.memory_space<vmem>> -> memref<128xi32, #tpu.memory_space<vmem>>
    %dma_start3A_39 = arith.constant 0 : i32
    %dma_start3A_40 = arith.constant 0 : i32
    %dma_start3A_41 = tpu.memref_slice %arg3[%dma_start3A_39, %dma_start3A_40] : memref<1000000x64xf32, #tpu.memory_space<hbm>> -> memref<1000000x64xf32, #tpu.memory_space<hbm>>
    tpu.enqueue_indirect_dma source(%dma_start3A_41 : memref<1000000x64xf32, #tpu.memory_space<hbm>>) target(%dma_start3A_36 : memref<128x64xf32, #tpu.memory_space<vmem>>) offsets(%dma_start3A_38 : memref<128xi32, #tpu.memory_space<vmem>>) semaphore(%arg9 : memref<!tpu.dma_semaphore, #tpu.memory_space<semaphore_mem>>)
    %dma_start3A_42 = arith.constant 128 : i32
    %dma_start3A_43 = arith.constant 0 : i32
    %dma_start3A_44 = tpu.memref_slice %arg7[%dma_start3A_42, %dma_start3A_43] : memref<512x64xf32, #tpu.memory_space<vmem>> -> memref<128x64xf32, #tpu.memory_space<vmem>>
    %dma_start3A_45 = arith.constant 640 : i32
    %dma_start3A_46 = tpu.memref_slice %arg5[%dma_start3A_45] : memref<25600xi32, #tpu.memory_space<vmem>> -> memref<128xi32, #tpu.memory_space<vmem>>
    %dma_start3A_47 = arith.constant 0 : i32
    %dma_start3A_48 = arith.constant 0 : i32
    %dma_start3A_49 = tpu.memref_slice %arg3[%dma_start3A_47, %dma_start3A_48] : memref<1000000x64xf32, #tpu.memory_space<hbm>> -> memref<1000000x64xf32, #tpu.memory_space<hbm>>
    tpu.enqueue_indirect_dma source(%dma_start3A_49 : memref<1000000x64xf32, #tpu.memory_space<hbm>>) target(%dma_start3A_44 : memref<128x64xf32, #tpu.memory_space<vmem>>) offsets(%dma_start3A_46 : memref<128xi32, #tpu.memory_space<vmem>>) semaphore(%arg9 : memref<!tpu.dma_semaphore, #tpu.memory_space<semaphore_mem>>)
    %dma_start3A_50 = arith.constant 256 : i32
    %dma_start3A_51 = arith.constant 0 : i32
    %dma_start3A_52 = tpu.memref_slice %arg7[%dma_start3A_50, %dma_start3A_51] : memref<512x64xf32, #tpu.memory_space<vmem>> -> memref<128x64xf32, #tpu.memory_space<vmem>>
    %dma_start3A_53 = arith.constant 768 : i32
    %dma_start3A_54 = tpu.memref_slice %arg5[%dma_start3A_53] : memref<25600xi32, #tpu.memory_space<vmem>> -> memref<128xi32, #tpu.memory_space<vmem>>
    %dma_start3A_55 = arith.constant 0 : i32
    %dma_start3A_56 = arith.constant 0 : i32
    %dma_start3A_57 = tpu.memref_slice %arg3[%dma_start3A_55, %dma_start3A_56] : memref<1000000x64xf32, #tpu.memory_space<hbm>> -> memref<1000000x64xf32, #tpu.memory_space<hbm>>
    tpu.enqueue_indirect_dma source(%dma_start3A_57 : memref<1000000x64xf32, #tpu.memory_space<hbm>>) target(%dma_start3A_52 : memref<128x64xf32, #tpu.memory_space<vmem>>) offsets(%dma_start3A_54 : memref<128xi32, #tpu.memory_space<vmem>>) semaphore(%arg9 : memref<!tpu.dma_semaphore, #tpu.memory_space<semaphore_mem>>)
    %dma_start3A_58 = arith.constant 384 : i32
    %dma_start3A_59 = arith.constant 0 : i32
    %dma_start3A_60 = tpu.memref_slice %arg7[%dma_start3A_58, %dma_start3A_59] : memref<512x64xf32, #tpu.memory_space<vmem>> -> memref<128x64xf32, #tpu.memory_space<vmem>>
    %dma_start3A_61 = arith.constant 896 : i32
    %dma_start3A_62 = tpu.memref_slice %arg5[%dma_start3A_61] : memref<25600xi32, #tpu.memory_space<vmem>> -> memref<128xi32, #tpu.memory_space<vmem>>
    %dma_start3A_63 = arith.constant 0 : i32
    %dma_start3A_64 = arith.constant 0 : i32
    %dma_start3A_65 = tpu.memref_slice %arg3[%dma_start3A_63, %dma_start3A_64] : memref<1000000x64xf32, #tpu.memory_space<hbm>> -> memref<1000000x64xf32, #tpu.memory_space<hbm>>
    tpu.enqueue_indirect_dma source(%dma_start3A_65 : memref<1000000x64xf32, #tpu.memory_space<hbm>>) target(%dma_start3A_60 : memref<128x64xf32, #tpu.memory_space<vmem>>) offsets(%dma_start3A_62 : memref<128xi32, #tpu.memory_space<vmem>>) semaphore(%arg9 : memref<!tpu.dma_semaphore, #tpu.memory_space<semaphore_mem>>)
    %dma_wait3A = arith.constant 0 : i32
    %dma_wait3A_66 = arith.constant 0 : i32
    %dma_wait3A_67 = tpu.memref_slice %arg6[%dma_wait3A, %dma_wait3A_66] : memref<512x64xf32, #tpu.memory_space<vmem>> -> memref<128x64xf32, #tpu.memory_space<vmem>>
    %dma_wait3A_68 = arith.constant 0 : i32
    %dma_wait3A_69 = tpu.memref_slice %arg5[%dma_wait3A_68] : memref<25600xi32, #tpu.memory_space<vmem>> -> memref<128xi32, #tpu.memory_space<vmem>>
    %dma_wait3A_70 = arith.constant 0 : i32
    %dma_wait3A_71 = arith.constant 0 : i32
    %dma_wait3A_72 = tpu.memref_slice %arg3[%dma_wait3A_70, %dma_wait3A_71] : memref<1000000x64xf32, #tpu.memory_space<hbm>> -> memref<1000000x64xf32, #tpu.memory_space<hbm>>
    tpu.wait_indirect_dma semaphore(%arg8 : memref<!tpu.dma_semaphore, #tpu.memory_space<semaphore_mem>>) src(%dma_wait3A_72 : memref<1000000x64xf32, #tpu.memory_space<hbm>>) dst(%dma_wait3A_67 : memref<128x64xf32, #tpu.memory_space<vmem>>)
    %dma_wait3A_73 = arith.constant 128 : i32
    %dma_wait3A_74 = arith.constant 0 : i32
    %dma_wait3A_75 = tpu.memref_slice %arg6[%dma_wait3A_73, %dma_wait3A_74] : memref<512x64xf32, #tpu.memory_space<vmem>> -> memref<128x64xf32, #tpu.memory_space<vmem>>
    %dma_wait3A_76 = arith.constant 128 : i32
    %dma_wait3A_77 = tpu.memref_slice %arg5[%dma_wait3A_76] : memref<25600xi32, #tpu.memory_space<vmem>> -> memref<128xi32, #tpu.memory_space<vmem>>
    %dma_wait3A_78 = arith.constant 0 : i32
    %dma_wait3A_79 = arith.constant 0 : i32
    %dma_wait3A_80 = tpu.memref_slice %arg3[%dma_wait3A_78, %dma_wait3A_79] : memref<1000000x64xf32, #tpu.memory_space<hbm>> -> memref<1000000x64xf32, #tpu.memory_space<hbm>>
    tpu.wait_indirect_dma semaphore(%arg8 : memref<!tpu.dma_semaphore, #tpu.memory_space<semaphore_mem>>) src(%dma_wait3A_80 : memref<1000000x64xf32, #tpu.memory_space<hbm>>) dst(%dma_wait3A_75 : memref<128x64xf32, #tpu.memory_space<vmem>>)
    %dma_wait3A_81 = arith.constant 256 : i32
    %dma_wait3A_82 = arith.constant 0 : i32
    %dma_wait3A_83 = tpu.memref_slice %arg6[%dma_wait3A_81, %dma_wait3A_82] : memref<512x64xf32, #tpu.memory_space<vmem>> -> memref<128x64xf32, #tpu.memory_space<vmem>>
    %dma_wait3A_84 = arith.constant 256 : i32
    %dma_wait3A_85 = tpu.memref_slice %arg5[%dma_wait3A_84] : memref<25600xi32, #tpu.memory_space<vmem>> -> memref<128xi32, #tpu.memory_space<vmem>>
    %dma_wait3A_86 = arith.constant 0 : i32
    %dma_wait3A_87 = arith.constant 0 : i32
    %dma_wait3A_88 = tpu.memref_slice %arg3[%dma_wait3A_86, %dma_wait3A_87] : memref<1000000x64xf32, #tpu.memory_space<hbm>> -> memref<1000000x64xf32, #tpu.memory_space<hbm>>
    tpu.wait_indirect_dma semaphore(%arg8 : memref<!tpu.dma_semaphore, #tpu.memory_space<semaphore_mem>>) src(%dma_wait3A_88 : memref<1000000x64xf32, #tpu.memory_space<hbm>>) dst(%dma_wait3A_83 : memref<128x64xf32, #tpu.memory_space<vmem>>)
    %dma_wait3A_89 = arith.constant 384 : i32
    %dma_wait3A_90 = arith.constant 0 : i32
    %dma_wait3A_91 = tpu.memref_slice %arg6[%dma_wait3A_89, %dma_wait3A_90] : memref<512x64xf32, #tpu.memory_space<vmem>> -> memref<128x64xf32, #tpu.memory_space<vmem>>
    %dma_wait3A_92 = arith.constant 384 : i32
    %dma_wait3A_93 = tpu.memref_slice %arg5[%dma_wait3A_92] : memref<25600xi32, #tpu.memory_space<vmem>> -> memref<128xi32, #tpu.memory_space<vmem>>
    %dma_wait3A_94 = arith.constant 0 : i32
    %dma_wait3A_95 = arith.constant 0 : i32
    %dma_wait3A_96 = tpu.memref_slice %arg3[%dma_wait3A_94, %dma_wait3A_95] : memref<1000000x64xf32, #tpu.memory_space<hbm>> -> memref<1000000x64xf32, #tpu.memory_space<hbm>>
    tpu.wait_indirect_dma semaphore(%arg8 : memref<!tpu.dma_semaphore, #tpu.memory_space<semaphore_mem>>) src(%dma_wait3A_96 : memref<1000000x64xf32, #tpu.memory_space<hbm>>) dst(%dma_wait3A_91 : memref<128x64xf32, #tpu.memory_space<vmem>>)
    %iota3A = tpu.iota {dimensions = array<i32: 0>} : vector<16xi32>
    %scan3A = arith.constant 0 : i32
    %scan3A_97 = arith.constant 0 : i32
    %scan3A_98 = arith.constant 128 : i32
    %scan3A_99 = arith.addi %scan3A_97, %scan3A_98 : i32
    %scan3A_100 = arith.constant 1 : i32
    scf.for %scan3A_169 = %scan3A_97 to %scan3A_99 step %scan3A_100  : i32 {
      %mul3A_170 = arith.constant 4 : i32
      %mul3A_171 = arith.muli %scan3A_169, %mul3A_170 : i32
      %add3A_172 = arith.constant 0 : i32
      %add3A_173 = arith.addi %mul3A_171, %add3A_172 : i32
      %get3A = arith.index_cast %add3A_173 : i32 to index
      %get3A_174 = arith.constant 0 : index
      %get3A_175 = tpu.vector_load %arg6[%get3A, %get3A_174] {strides = array<i32>} : memref<512x64xf32, #tpu.memory_space<vmem>>, vector<1x16xf32>,
      %get3A_176 = vector.shape_cast %get3A_175 : vector<1x16xf32> to vector<16xf32>
      %get3A_177 = arith.index_cast %add3A_173 : i32 to index
      %get3A_178 = arith.constant 16 : index
      %get3A_179 = tpu.vector_load %arg6[%get3A_177, %get3A_178] {strides = array<i32>} : memref<512x64xf32, #tpu.memory_space<vmem>>, vector<1x16xf32>,
      %get3A_180 = vector.shape_cast %get3A_179 : vector<1x16xf32> to vector<16xf32>
      %get3A_181 = arith.index_cast %add3A_173 : i32 to index
      %get3A_182 = arith.constant 32 : index
      %get3A_183 = tpu.vector_load %arg6[%get3A_181, %get3A_182] {strides = array<i32>} : memref<512x64xf32, #tpu.memory_space<vmem>>, vector<1x16xf32>,
      %get3A_184 = vector.shape_cast %get3A_183 : vector<1x16xf32> to vector<16xf32>
      %get3A_185 = arith.index_cast %add3A_173 : i32 to index
      %get3A_186 = arith.constant 48 : index
      %get3A_187 = tpu.vector_load %arg6[%get3A_185, %get3A_186] {strides = array<i32>} : memref<512x64xf32, #tpu.memory_space<vmem>>, vector<1x16xf32>,
      %get3A_188 = vector.shape_cast %get3A_187 : vector<1x16xf32> to vector<16xf32>
      %mul3A_189 = arith.mulf %get3A_176, %get3A_176 : vector<16xf32>
      %mul3A_190 = arith.mulf %get3A_180, %get3A_180 : vector<16xf32>
      %add3A_191 = arith.addf %mul3A_189, %mul3A_190 : vector<16xf32>
      %mul3A_192 = arith.mulf %get3A_184, %get3A_184 : vector<16xf32>
      %add3A_193 = arith.addf %add3A_191, %mul3A_192 : vector<16xf32>
      %mul3A_194 = arith.mulf %get3A_188, %get3A_188 : vector<16xf32>
      %add3A_195 = arith.addf %add3A_193, %mul3A_194 : vector<16xf32>
      %xor3A = arith.constant 8 : i32
      %xor3A_196 = vector.broadcast %xor3A : i32 to vector<16xi32>
      %xor3A_197 = arith.xori %iota3A, %xor3A_196 : vector<16xi32>
      %lt3A = arith.constant 0 : i32
      %lt3A_198 = vector.broadcast %lt3A : i32 to vector<16xi32>
      %lt3A_199 = arith.cmpi slt, %xor3A_197, %lt3A_198 : vector<16xi32>
      %add3A_200 = arith.constant 16 : i32
      %add3A_201 = vector.broadcast %add3A_200 : i32 to vector<16xi32>
      %add3A_202 = arith.addi %xor3A_197, %add3A_201 : vector<16xi32>
      %select_n3A = arith.select %lt3A_199, %add3A_202, %xor3A_197 : vector<16xi1>, vector<16xi32>
      %broadcast_in_dim3A = vector.shape_cast %select_n3A : vector<16xi32> to vector<16x1xi32>
      %gather3A = vector.shape_cast %broadcast_in_dim3A : vector<16x1xi32> to vector<16xi32>
      %gather3A_203 = tpu.dynamic_gather %add3A_195[%gather3A] in [0] : vector<16xf32>, vector<16xi32> -> vector<16xf32>
      %add3A_204 = arith.addf %add3A_195, %gather3A_203 : vector<16xf32>
      %xor3A_205 = arith.constant 4 : i32
      %xor3A_206 = vector.broadcast %xor3A_205 : i32 to vector<16xi32>
      %xor3A_207 = arith.xori %iota3A, %xor3A_206 : vector<16xi32>
      %lt3A_208 = arith.constant 0 : i32
      %lt3A_209 = vector.broadcast %lt3A_208 : i32 to vector<16xi32>
      %lt3A_210 = arith.cmpi slt, %xor3A_207, %lt3A_209 : vector<16xi32>
      %add3A_211 = arith.constant 16 : i32
      %add3A_212 = vector.broadcast %add3A_211 : i32 to vector<16xi32>
      %add3A_213 = arith.addi %xor3A_207, %add3A_212 : vector<16xi32>
      %select_n3A_214 = arith.select %lt3A_210, %add3A_213, %xor3A_207 : vector<16xi1>, vector<16xi32>
      %broadcast_in_dim3A_215 = vector.shape_cast %select_n3A_214 : vector<16xi32> to vector<16x1xi32>
      %gather3A_216 = vector.shape_cast %broadcast_in_dim3A_215 : vector<16x1xi32> to vector<16xi32>
      %gather3A_217 = tpu.dynamic_gather %add3A_204[%gather3A_216] in [0] : vector<16xf32>, vector<16xi32> -> vector<16xf32>
      %add3A_218 = arith.addf %add3A_204, %gather3A_217 : vector<16xf32>
      %xor3A_219 = arith.constant 2 : i32
      %xor3A_220 = vector.broadcast %xor3A_219 : i32 to vector<16xi32>
      %xor3A_221 = arith.xori %iota3A, %xor3A_220 : vector<16xi32>
      %lt3A_222 = arith.constant 0 : i32
      %lt3A_223 = vector.broadcast %lt3A_222 : i32 to vector<16xi32>
      %lt3A_224 = arith.cmpi slt, %xor3A_221, %lt3A_223 : vector<16xi32>
      %add3A_225 = arith.constant 16 : i32
      %add3A_226 = vector.broadcast %add3A_225 : i32 to vector<16xi32>
      %add3A_227 = arith.addi %xor3A_221, %add3A_226 : vector<16xi32>
      %select_n3A_228 = arith.select %lt3A_224, %add3A_227, %xor3A_221 : vector<16xi1>, vector<16xi32>
      %broadcast_in_dim3A_229 = vector.shape_cast %select_n3A_228 : vector<16xi32> to vector<16x1xi32>
      %gather3A_230 = vector.shape_cast %broadcast_in_dim3A_229 : vector<16x1xi32> to vector<16xi32>
      %gather3A_231 = tpu.dynamic_gather %add3A_218[%gather3A_230] in [0] : vector<16xf32>, vector<16xi32> -> vector<16xf32>
      %add3A_232 = arith.addf %add3A_218, %gather3A_231 : vector<16xf32>
      %xor3A_233 = arith.constant 1 : i32
      %xor3A_234 = vector.broadcast %xor3A_233 : i32 to vector<16xi32>
      %xor3A_235 = arith.xori %iota3A, %xor3A_234 : vector<16xi32>
      %lt3A_236 = arith.constant 0 : i32
      %lt3A_237 = vector.broadcast %lt3A_236 : i32 to vector<16xi32>
      %lt3A_238 = arith.cmpi slt, %xor3A_235, %lt3A_237 : vector<16xi32>
      %add3A_239 = arith.constant 16 : i32
      %add3A_240 = vector.broadcast %add3A_239 : i32 to vector<16xi32>
      %add3A_241 = arith.addi %xor3A_235, %add3A_240 : vector<16xi32>
      %select_n3A_242 = arith.select %lt3A_238, %add3A_241, %xor3A_235 : vector<16xi1>, vector<16xi32>
      %broadcast_in_dim3A_243 = vector.shape_cast %select_n3A_242 : vector<16xi32> to vector<16x1xi32>
      %gather3A_244 = vector.shape_cast %broadcast_in_dim3A_243 : vector<16x1xi32> to vector<16xi32>
      %gather3A_245 = tpu.dynamic_gather %add3A_232[%gather3A_244] in [0] : vector<16xf32>, vector<16xi32> -> vector<16xf32>
      %add3A_246 = arith.addf %add3A_232, %gather3A_245 : vector<16xf32>
      %bitcast_convert_type3A = tpu.bitcast %add3A_246 : vector<16xf32> -> vector<16xi32>
      %broadcast_in_dim3A_247 = arith.constant 1597463007 : i32
      %broadcast_in_dim3A_248 = vector.broadcast %broadcast_in_dim3A_247 : i32 to vector<16xi32>
      %shift_right_logical3A = arith.constant 1 : i32
      %shift_right_logical3A_249 = vector.broadcast %shift_right_logical3A : i32 to vector<16xi32>
      %shift_right_logical3A_250 = arith.shrui %bitcast_convert_type3A, %shift_right_logical3A_249 : vector<16xi32>
      %sub3A = arith.subi %broadcast_in_dim3A_248, %shift_right_logical3A_250 : vector<16xi32>
      %bitcast_convert_type3A_251 = tpu.bitcast %sub3A : vector<16xi32> -> vector<16xf32>
      %mul3A_252 = arith.constant 5.000000e-01 : f32
      %mul3A_253 = vector.broadcast %mul3A_252 : f32 to vector<16xf32>
      %mul3A_254 = arith.mulf %mul3A_253, %add3A_246 : vector<16xf32>
      %mul3A_255 = arith.mulf %mul3A_254, %bitcast_convert_type3A_251 : vector<16xf32>
      %mul3A_256 = arith.mulf %mul3A_255, %bitcast_convert_type3A_251 : vector<16xf32>
      %sub3A_257 = arith.constant 1.500000e+00 : f32
      %sub3A_258 = vector.broadcast %sub3A_257 : f32 to vector<16xf32>
      %sub3A_259 = arith.subf %sub3A_258, %mul3A_256 : vector<16xf32>
      %mul3A_260 = arith.mulf %bitcast_convert_type3A_251, %sub3A_259 : vector<16xf32>
      %mul3A_261 = arith.mulf %mul3A_254, %mul3A_260 : vector<16xf32>
      %mul3A_262 = arith.mulf %mul3A_261, %mul3A_260 : vector<16xf32>
      %sub3A_263 = arith.constant 1.500000e+00 : f32
      %sub3A_264 = vector.broadcast %sub3A_263 : f32 to vector<16xf32>
      %sub3A_265 = arith.subf %sub3A_264, %mul3A_262 : vector<16xf32>
      %mul3A_266 = arith.mulf %mul3A_260, %sub3A_265 : vector<16xf32>
      %mul3A_267 = arith.mulf %mul3A_254, %mul3A_266 : vector<16xf32>
      %mul3A_268 = arith.mulf %mul3A_267, %mul3A_266 : vector<16xf32>
      %sub3A_269 = arith.constant 1.500000e+00 : f32
      %sub3A_270 = vector.broadcast %sub3A_269 : f32 to vector<16xf32>
      %sub3A_271 = arith.subf %sub3A_270, %mul3A_268 : vector<16xf32>
      %mul3A_272 = arith.mulf %mul3A_266, %sub3A_271 : vector<16xf32>
      %mul3A_273 = arith.mulf %get3A_176, %mul3A_272 : vector<16xf32>
      %swap3A = arith.index_cast %add3A_173 : i32 to index
      %swap3A_274 = arith.constant 0 : index
      %swap3A_275 = tpu.vector_load %arg6[%swap3A, %swap3A_274] {strides = array<i32>} : memref<512x64xf32, #tpu.memory_space<vmem>>, vector<1x16xf32>,
      %swap3A_276 = vector.shape_cast %swap3A_275 : vector<1x16xf32> to vector<16xf32>
      %swap3A_277 = vector.shape_cast %mul3A_273 : vector<16xf32> to vector<1x16xf32>
      tpu.vector_store %arg6[%swap3A, %swap3A_274], %swap3A_277 {strides = array<i32>} : memref<512x64xf32, #tpu.memory_space<vmem>>, vector<1x16xf32>,
      %mul3A_278 = arith.mulf %get3A_180, %mul3A_272 : vector<16xf32>
      %swap3A_279 = arith.index_cast %add3A_173 : i32 to index
      %swap3A_280 = arith.constant 16 : index
      %swap3A_281 = tpu.vector_load %arg6[%swap3A_279, %swap3A_280] {strides = array<i32>} : memref<512x64xf32, #tpu.memory_space<vmem>>, vector<1x16xf32>,
      %swap3A_282 = vector.shape_cast %swap3A_281 : vector<1x16xf32> to vector<16xf32>
      %swap3A_283 = vector.shape_cast %mul3A_278 : vector<16xf32> to vector<1x16xf32>
      tpu.vector_store %arg6[%swap3A_279, %swap3A_280], %swap3A_283 {strides = array<i32>} : memref<512x64xf32, #tpu.memory_space<vmem>>, vector<1x16xf32>,
      %mul3A_284 = arith.mulf %get3A_184, %mul3A_272 : vector<16xf32>
      %swap3A_285 = arith.index_cast %add3A_173 : i32 to index
      %swap3A_286 = arith.constant 32 : index
      %swap3A_287 = tpu.vector_load %arg6[%swap3A_285, %swap3A_286] {strides = array<i32>} : memref<512x64xf32, #tpu.memory_space<vmem>>, vector<1x16xf32>,
      %swap3A_288 = vector.shape_cast %swap3A_287 : vector<1x16xf32> to vector<16xf32>
      %swap3A_289 = vector.shape_cast %mul3A_284 : vector<16xf32> to vector<1x16xf32>
      tpu.vector_store %arg6[%swap3A_285, %swap3A_286], %swap3A_289 {strides = array<i32>} : memref<512x64xf32, #tpu.memory_space<vmem>>, vector<1x16xf32>,
      %mul3A_290 = arith.mulf %get3A_188, %mul3A_272 : vector<16xf32>
      %swap3A_291 = arith.index_cast %add3A_173 : i32 to index
      %swap3A_292 = arith.constant 48 : index
      %swap3A_293 = tpu.vector_load %arg6[%swap3A_291, %swap3A_292] {strides = array<i32>} : memref<512x64xf32, #tpu.memory_space<vmem>>, vector<1x16xf32>,
      %swap3A_294 = vector.shape_cast %swap3A_293 : vector<1x16xf32> to vector<16xf32>
      %swap3A_295 = vector.shape_cast %mul3A_290 : vector<16xf32> to vector<1x16xf32>
      tpu.vector_store %arg6[%swap3A_291, %swap3A_292], %swap3A_295 {strides = array<i32>} : memref<512x64xf32, #tpu.memory_space<vmem>>, vector<1x16xf32>,
      %add3A_296 = arith.constant 1 : i32
      %add3A_297 = arith.addi %mul3A_171, %add3A_296 : i32
      %get3A_298 = arith.index_cast %add3A_297 : i32 to index
      %get3A_299 = arith.constant 0 : index
      %get3A_300 = tpu.vector_load %arg6[%get3A_298, %get3A_299] {strides = array<i32>} : memref<512x64xf32, #tpu.memory_space<vmem>>, vector<1x16xf32>,
      %get3A_301 = vector.shape_cast %get3A_300 : vector<1x16xf32> to vector<16xf32>
      %get3A_302 = arith.index_cast %add3A_297 : i32 to index
      %get3A_303 = arith.constant 16 : index
      %get3A_304 = tpu.vector_load %arg6[%get3A_302, %get3A_303] {strides = array<i32>} : memref<512x64xf32, #tpu.memory_space<vmem>>, vector<1x16xf32>,
      %get3A_305 = vector.shape_cast %get3A_304 : vector<1x16xf32> to vector<16xf32>
      %get3A_306 = arith.index_cast %add3A_297 : i32 to index
      %get3A_307 = arith.constant 32 : index
      %get3A_308 = tpu.vector_load %arg6[%get3A_306, %get3A_307] {strides = array<i32>} : memref<512x64xf32, #tpu.memory_space<vmem>>, vector<1x16xf32>,
      %get3A_309 = vector.shape_cast %get3A_308 : vector<1x16xf32> to vector<16xf32>
      %get3A_310 = arith.index_cast %add3A_297 : i32 to index
      %get3A_311 = arith.constant 48 : index
      %get3A_312 = tpu.vector_load %arg6[%get3A_310, %get3A_311] {strides = array<i32>} : memref<512x64xf32, #tpu.memory_space<vmem>>, vector<1x16xf32>,
      %get3A_313 = vector.shape_cast %get3A_312 : vector<1x16xf32> to vector<16xf32>
      %mul3A_314 = arith.mulf %get3A_301, %get3A_301 : vector<16xf32>
      %mul3A_315 = arith.mulf %get3A_305, %get3A_305 : vector<16xf32>
      %add3A_316 = arith.addf %mul3A_314, %mul3A_315 : vector<16xf32>
      %mul3A_317 = arith.mulf %get3A_309, %get3A_309 : vector<16xf32>
      %add3A_318 = arith.addf %add3A_316, %mul3A_317 : vector<16xf32>
      %mul3A_319 = arith.mulf %get3A_313, %get3A_313 : vector<16xf32>
      %add3A_320 = arith.addf %add3A_318, %mul3A_319 : vector<16xf32>
      %xor3A_321 = arith.constant 8 : i32
      %xor3A_322 = vector.broadcast %xor3A_321 : i32 to vector<16xi32>
      %xor3A_323 = arith.xori %iota3A, %xor3A_322 : vector<16xi32>
      %lt3A_324 = arith.constant 0 : i32
      %lt3A_325 = vector.broadcast %lt3A_324 : i32 to vector<16xi32>
      %lt3A_326 = arith.cmpi slt, %xor3A_323, %lt3A_325 : vector<16xi32>
      %add3A_327 = arith.constant 16 : i32
      %add3A_328 = vector.broadcast %add3A_327 : i32 to vector<16xi32>
      %add3A_329 = arith.addi %xor3A_323, %add3A_328 : vector<16xi32>
      %select_n3A_330 = arith.select %lt3A_326, %add3A_329, %xor3A_323 : vector<16xi1>, vector<16xi32>
      %broadcast_in_dim3A_331 = vector.shape_cast %select_n3A_330 : vector<16xi32> to vector<16x1xi32>
      %gather3A_332 = vector.shape_cast %broadcast_in_dim3A_331 : vector<16x1xi32> to vector<16xi32>
      %gather3A_333 = tpu.dynamic_gather %add3A_320[%gather3A_332] in [0] : vector<16xf32>, vector<16xi32> -> vector<16xf32>
      %add3A_334 = arith.addf %add3A_320, %gather3A_333 : vector<16xf32>
      %xor3A_335 = arith.constant 4 : i32
      %xor3A_336 = vector.broadcast %xor3A_335 : i32 to vector<16xi32>
      %xor3A_337 = arith.xori %iota3A, %xor3A_336 : vector<16xi32>
      %lt3A_338 = arith.constant 0 : i32
      %lt3A_339 = vector.broadcast %lt3A_338 : i32 to vector<16xi32>
      %lt3A_340 = arith.cmpi slt, %xor3A_337, %lt3A_339 : vector<16xi32>
      %add3A_341 = arith.constant 16 : i32
      %add3A_342 = vector.broadcast %add3A_341 : i32 to vector<16xi32>
      %add3A_343 = arith.addi %xor3A_337, %add3A_342 : vector<16xi32>
      %select_n3A_344 = arith.select %lt3A_340, %add3A_343, %xor3A_337 : vector<16xi1>, vector<16xi32>
      %broadcast_in_dim3A_345 = vector.shape_cast %select_n3A_344 : vector<16xi32> to vector<16x1xi32>
      %gather3A_346 = vector.shape_cast %broadcast_in_dim3A_345 : vector<16x1xi32> to vector<16xi32>
      %gather3A_347 = tpu.dynamic_gather %add3A_334[%gather3A_346] in [0] : vector<16xf32>, vector<16xi32> -> vector<16xf32>
      %add3A_348 = arith.addf %add3A_334, %gather3A_347 : vector<16xf32>
      %xor3A_349 = arith.constant 2 : i32
      %xor3A_350 = vector.broadcast %xor3A_349 : i32 to vector<16xi32>
      %xor3A_351 = arith.xori %iota3A, %xor3A_350 : vector<16xi32>
      %lt3A_352 = arith.constant 0 : i32
      %lt3A_353 = vector.broadcast %lt3A_352 : i32 to vector<16xi32>
      %lt3A_354 = arith.cmpi slt, %xor3A_351, %lt3A_353 : vector<16xi32>
      %add3A_355 = arith.constant 16 : i32
      %add3A_356 = vector.broadcast %add3A_355 : i32 to vector<16xi32>
      %add3A_357 = arith.addi %xor3A_351, %add3A_356 : vector<16xi32>
      %select_n3A_358 = arith.select %lt3A_354, %add3A_357, %xor3A_351 : vector<16xi1>, vector<16xi32>
      %broadcast_in_dim3A_359 = vector.shape_cast %select_n3A_358 : vector<16xi32> to vector<16x1xi32>
      %gather3A_360 = vector.shape_cast %broadcast_in_dim3A_359 : vector<16x1xi32> to vector<16xi32>
      %gather3A_361 = tpu.dynamic_gather %add3A_348[%gather3A_360] in [0] : vector<16xf32>, vector<16xi32> -> vector<16xf32>
      %add3A_362 = arith.addf %add3A_348, %gather3A_361 : vector<16xf32>
      %xor3A_363 = arith.constant 1 : i32
      %xor3A_364 = vector.broadcast %xor3A_363 : i32 to vector<16xi32>
      %xor3A_365 = arith.xori %iota3A, %xor3A_364 : vector<16xi32>
      %lt3A_366 = arith.constant 0 : i32
      %lt3A_367 = vector.broadcast %lt3A_366 : i32 to vector<16xi32>
      %lt3A_368 = arith.cmpi slt, %xor3A_365, %lt3A_367 : vector<16xi32>
      %add3A_369 = arith.constant 16 : i32
      %add3A_370 = vector.broadcast %add3A_369 : i32 to vector<16xi32>
      %add3A_371 = arith.addi %xor3A_365, %add3A_370 : vector<16xi32>
      %select_n3A_372 = arith.select %lt3A_368, %add3A_371, %xor3A_365 : vector<16xi1>, vector<16xi32>
      %broadcast_in_dim3A_373 = vector.shape_cast %select_n3A_372 : vector<16xi32> to vector<16x1xi32>
      %gather3A_374 = vector.shape_cast %broadcast_in_dim3A_373 : vector<16x1xi32> to vector<16xi32>
      %gather3A_375 = tpu.dynamic_gather %add3A_362[%gather3A_374] in [0] : vector<16xf32>, vector<16xi32> -> vector<16xf32>
      %add3A_376 = arith.addf %add3A_362, %gather3A_375 : vector<16xf32>
      %bitcast_convert_type3A_377 = tpu.bitcast %add3A_376 : vector<16xf32> -> vector<16xi32>
      %broadcast_in_dim3A_378 = arith.constant 1597463007 : i32
      %broadcast_in_dim3A_379 = vector.broadcast %broadcast_in_dim3A_378 : i32 to vector<16xi32>
      %shift_right_logical3A_380 = arith.constant 1 : i32
      %shift_right_logical3A_381 = vector.broadcast %shift_right_logical3A_380 : i32 to vector<16xi32>
      %shift_right_logical3A_382 = arith.shrui %bitcast_convert_type3A_377, %shift_right_logical3A_381 : vector<16xi32>
      %sub3A_383 = arith.subi %broadcast_in_dim3A_379, %shift_right_logical3A_382 : vector<16xi32>
      %bitcast_convert_type3A_384 = tpu.bitcast %sub3A_383 : vector<16xi32> -> vector<16xf32>
      %mul3A_385 = arith.constant 5.000000e-01 : f32
      %mul3A_386 = vector.broadcast %mul3A_385 : f32 to vector<16xf32>
      %mul3A_387 = arith.mulf %mul3A_386, %add3A_376 : vector<16xf32>
      %mul3A_388 = arith.mulf %mul3A_387, %bitcast_convert_type3A_384 : vector<16xf32>
      %mul3A_389 = arith.mulf %mul3A_388, %bitcast_convert_type3A_384 : vector<16xf32>
      %sub3A_390 = arith.constant 1.500000e+00 : f32
      %sub3A_391 = vector.broadcast %sub3A_390 : f32 to vector<16xf32>
      %sub3A_392 = arith.subf %sub3A_391, %mul3A_389 : vector<16xf32>
      %mul3A_393 = arith.mulf %bitcast_convert_type3A_384, %sub3A_392 : vector<16xf32>
      %mul3A_394 = arith.mulf %mul3A_387, %mul3A_393 : vector<16xf32>
      %mul3A_395 = arith.mulf %mul3A_394, %mul3A_393 : vector<16xf32>
      %sub3A_396 = arith.constant 1.500000e+00 : f32
      %sub3A_397 = vector.broadcast %sub3A_396 : f32 to vector<16xf32>
      %sub3A_398 = arith.subf %sub3A_397, %mul3A_395 : vector<16xf32>
      %mul3A_399 = arith.mulf %mul3A_393, %sub3A_398 : vector<16xf32>
      %mul3A_400 = arith.mulf %mul3A_387, %mul3A_399 : vector<16xf32>
      %mul3A_401 = arith.mulf %mul3A_400, %mul3A_399 : vector<16xf32>
      %sub3A_402 = arith.constant 1.500000e+00 : f32
      %sub3A_403 = vector.broadcast %sub3A_402 : f32 to vector<16xf32>
      %sub3A_404 = arith.subf %sub3A_403, %mul3A_401 : vector<16xf32>
      %mul3A_405 = arith.mulf %mul3A_399, %sub3A_404 : vector<16xf32>
      %mul3A_406 = arith.mulf %get3A_301, %mul3A_405 : vector<16xf32>
      %swap3A_407 = arith.index_cast %add3A_297 : i32 to index
      %swap3A_408 = arith.constant 0 : index
      %swap3A_409 = tpu.vector_load %arg6[%swap3A_407, %swap3A_408] {strides = array<i32>} : memref<512x64xf32, #tpu.memory_space<vmem>>, vector<1x16xf32>,
      %swap3A_410 = vector.shape_cast %swap3A_409 : vector<1x16xf32> to vector<16xf32>
      %swap3A_411 = vector.shape_cast %mul3A_406 : vector<16xf32> to vector<1x16xf32>
      tpu.vector_store %arg6[%swap3A_407, %swap3A_408], %swap3A_411 {strides = array<i32>} : memref<512x64xf32, #tpu.memory_space<vmem>>, vector<1x16xf32>,
      %mul3A_412 = arith.mulf %get3A_305, %mul3A_405 : vector<16xf32>
      %swap3A_413 = arith.index_cast %add3A_297 : i32 to index
      %swap3A_414 = arith.constant 16 : index
      %swap3A_415 = tpu.vector_load %arg6[%swap3A_413, %swap3A_414] {strides = array<i32>} : memref<512x64xf32, #tpu.memory_space<vmem>>, vector<1x16xf32>,
      %swap3A_416 = vector.shape_cast %swap3A_415 : vector<1x16xf32> to vector<16xf32>
      %swap3A_417 = vector.shape_cast %mul3A_412 : vector<16xf32> to vector<1x16xf32>
      tpu.vector_store %arg6[%swap3A_413, %swap3A_414], %swap3A_417 {strides = array<i32>} : memref<512x64xf32, #tpu.memory_space<vmem>>, vector<1x16xf32>,
      %mul3A_418 = arith.mulf %get3A_309, %mul3A_405 : vector<16xf32>
      %swap3A_419 = arith.index_cast %add3A_297 : i32 to index
      %swap3A_420 = arith.constant 32 : index
      %swap3A_421 = tpu.vector_load %arg6[%swap3A_419, %swap3A_420] {strides = array<i32>} : memref<512x64xf32, #tpu.memory_space<vmem>>, vector<1x16xf32>,
      %swap3A_422 = vector.shape_cast %swap3A_421 : vector<1x16xf32> to vector<16xf32>
      %swap3A_423 = vector.shape_cast %mul3A_418 : vector<16xf32> to vector<1x16xf32>
      tpu.vector_store %arg6[%swap3A_419, %swap3A_420], %swap3A_423 {strides = array<i32>} : memref<512x64xf32, #tpu.memory_space<vmem>>, vector<1x16xf32>,
      %mul3A_424 = arith.mulf %get3A_313, %mul3A_405 : vector<16xf32>
      %swap3A_425 = arith.index_cast %add3A_297 : i32 to index
      %swap3A_426 = arith.constant 48 : index
      %swap3A_427 = tpu.vector_load %arg6[%swap3A_425, %swap3A_426] {strides = array<i32>} : memref<512x64xf32, #tpu.memory_space<vmem>>, vector<1x16xf32>,
      %swap3A_428 = vector.shape_cast %swap3A_427 : vector<1x16xf32> to vector<16xf32>
      %swap3A_429 = vector.shape_cast %mul3A_424 : vector<16xf32> to vector<1x16xf32>
      tpu.vector_store %arg6[%swap3A_425, %swap3A_426], %swap3A_429 {strides = array<i32>} : memref<512x64xf32, #tpu.memory_space<vmem>>, vector<1x16xf32>,
      %add3A_430 = arith.constant 2 : i32
      %add3A_431 = arith.addi %mul3A_171, %add3A_430 : i32
      %get3A_432 = arith.index_cast %add3A_431 : i32 to index
      %get3A_433 = arith.constant 0 : index
      %get3A_434 = tpu.vector_load %arg6[%get3A_432, %get3A_433] {strides = array<i32>} : memref<512x64xf32, #tpu.memory_space<vmem>>, vector<1x16xf32>,
      %get3A_435 = vector.shape_cast %get3A_434 : vector<1x16xf32> to vector<16xf32>
      %get3A_436 = arith.index_cast %add3A_431 : i32 to index
      %get3A_437 = arith.constant 16 : index
      %get3A_438 = tpu.vector_load %arg6[%get3A_436, %get3A_437] {strides = array<i32>} : memref<512x64xf32, #tpu.memory_space<vmem>>, vector<1x16xf32>,
      %get3A_439 = vector.shape_cast %get3A_438 : vector<1x16xf32> to vector<16xf32>
      %get3A_440 = arith.index_cast %add3A_431 : i32 to index
      %get3A_441 = arith.constant 32 : index
      %get3A_442 = tpu.vector_load %arg6[%get3A_440, %get3A_441] {strides = array<i32>} : memref<512x64xf32, #tpu.memory_space<vmem>>, vector<1x16xf32>,
      %get3A_443 = vector.shape_cast %get3A_442 : vector<1x16xf32> to vector<16xf32>
      %get3A_444 = arith.index_cast %add3A_431 : i32 to index
      %get3A_445 = arith.constant 48 : index
      %get3A_446 = tpu.vector_load %arg6[%get3A_444, %get3A_445] {strides = array<i32>} : memref<512x64xf32, #tpu.memory_space<vmem>>, vector<1x16xf32>,
      %get3A_447 = vector.shape_cast %get3A_446 : vector<1x16xf32> to vector<16xf32>
      %mul3A_448 = arith.mulf %get3A_435, %get3A_435 : vector<16xf32>
      %mul3A_449 = arith.mulf %get3A_439, %get3A_439 : vector<16xf32>
      %add3A_450 = arith.addf %mul3A_448, %mul3A_449 : vector<16xf32>
      %mul3A_451 = arith.mulf %get3A_443, %get3A_443 : vector<16xf32>
      %add3A_452 = arith.addf %add3A_450, %mul3A_451 : vector<16xf32>
      %mul3A_453 = arith.mulf %get3A_447, %get3A_447 : vector<16xf32>
      %add3A_454 = arith.addf %add3A_452, %mul3A_453 : vector<16xf32>
      %xor3A_455 = arith.constant 8 : i32
      %xor3A_456 = vector.broadcast %xor3A_455 : i32 to vector<16xi32>
      %xor3A_457 = arith.xori %iota3A, %xor3A_456 : vector<16xi32>
      %lt3A_458 = arith.constant 0 : i32
      %lt3A_459 = vector.broadcast %lt3A_458 : i32 to vector<16xi32>
      %lt3A_460 = arith.cmpi slt, %xor3A_457, %lt3A_459 : vector<16xi32>
      %add3A_461 = arith.constant 16 : i32
      %add3A_462 = vector.broadcast %add3A_461 : i32 to vector<16xi32>
      %add3A_463 = arith.addi %xor3A_457, %add3A_462 : vector<16xi32>
      %select_n3A_464 = arith.select %lt3A_460, %add3A_463, %xor3A_457 : vector<16xi1>, vector<16xi32>
      %broadcast_in_dim3A_465 = vector.shape_cast %select_n3A_464 : vector<16xi32> to vector<16x1xi32>
      %gather3A_466 = vector.shape_cast %broadcast_in_dim3A_465 : vector<16x1xi32> to vector<16xi32>
      %gather3A_467 = tpu.dynamic_gather %add3A_454[%gather3A_466] in [0] : vector<16xf32>, vector<16xi32> -> vector<16xf32>
      %add3A_468 = arith.addf %add3A_454, %gather3A_467 : vector<16xf32>
      %xor3A_469 = arith.constant 4 : i32
      %xor3A_470 = vector.broadcast %xor3A_469 : i32 to vector<16xi32>
      %xor3A_471 = arith.xori %iota3A, %xor3A_470 : vector<16xi32>
      %lt3A_472 = arith.constant 0 : i32
      %lt3A_473 = vector.broadcast %lt3A_472 : i32 to vector<16xi32>
      %lt3A_474 = arith.cmpi slt, %xor3A_471, %lt3A_473 : vector<16xi32>
      %add3A_475 = arith.constant 16 : i32
      %add3A_476 = vector.broadcast %add3A_475 : i32 to vector<16xi32>
      %add3A_477 = arith.addi %xor3A_471, %add3A_476 : vector<16xi32>
      %select_n3A_478 = arith.select %lt3A_474, %add3A_477, %xor3A_471 : vector<16xi1>, vector<16xi32>
      %broadcast_in_dim3A_479 = vector.shape_cast %select_n3A_478 : vector<16xi32> to vector<16x1xi32>
      %gather3A_480 = vector.shape_cast %broadcast_in_dim3A_479 : vector<16x1xi32> to vector<16xi32>
      %gather3A_481 = tpu.dynamic_gather %add3A_468[%gather3A_480] in [0] : vector<16xf32>, vector<16xi32> -> vector<16xf32>
      %add3A_482 = arith.addf %add3A_468, %gather3A_481 : vector<16xf32>
      %xor3A_483 = arith.constant 2 : i32
      %xor3A_484 = vector.broadcast %xor3A_483 : i32 to vector<16xi32>
      %xor3A_485 = arith.xori %iota3A, %xor3A_484 : vector<16xi32>
      %lt3A_486 = arith.constant 0 : i32
      %lt3A_487 = vector.broadcast %lt3A_486 : i32 to vector<16xi32>
      %lt3A_488 = arith.cmpi slt, %xor3A_485, %lt3A_487 : vector<16xi32>
      %add3A_489 = arith.constant 16 : i32
      %add3A_490 = vector.broadcast %add3A_489 : i32 to vector<16xi32>
      %add3A_491 = arith.addi %xor3A_485, %add3A_490 : vector<16xi32>
      %select_n3A_492 = arith.select %lt3A_488, %add3A_491, %xor3A_485 : vector<16xi1>, vector<16xi32>
      %broadcast_in_dim3A_493 = vector.shape_cast %select_n3A_492 : vector<16xi32> to vector<16x1xi32>
      %gather3A_494 = vector.shape_cast %broadcast_in_dim3A_493 : vector<16x1xi32> to vector<16xi32>
      %gather3A_495 = tpu.dynamic_gather %add3A_482[%gather3A_494] in [0] : vector<16xf32>, vector<16xi32> -> vector<16xf32>
      %add3A_496 = arith.addf %add3A_482, %gather3A_495 : vector<16xf32>
      %xor3A_497 = arith.constant 1 : i32
      %xor3A_498 = vector.broadcast %xor3A_497 : i32 to vector<16xi32>
      %xor3A_499 = arith.xori %iota3A, %xor3A_498 : vector<16xi32>
      %lt3A_500 = arith.constant 0 : i32
      %lt3A_501 = vector.broadcast %lt3A_500 : i32 to vector<16xi32>
      %lt3A_502 = arith.cmpi slt, %xor3A_499, %lt3A_501 : vector<16xi32>
      %add3A_503 = arith.constant 16 : i32
      %add3A_504 = vector.broadcast %add3A_503 : i32 to vector<16xi32>
      %add3A_505 = arith.addi %xor3A_499, %add3A_504 : vector<16xi32>
      %select_n3A_506 = arith.select %lt3A_502, %add3A_505, %xor3A_499 : vector<16xi1>, vector<16xi32>
      %broadcast_in_dim3A_507 = vector.shape_cast %select_n3A_506 : vector<16xi32> to vector<16x1xi32>
      %gather3A_508 = vector.shape_cast %broadcast_in_dim3A_507 : vector<16x1xi32> to vector<16xi32>
      %gather3A_509 = tpu.dynamic_gather %add3A_496[%gather3A_508] in [0] : vector<16xf32>, vector<16xi32> -> vector<16xf32>
      %add3A_510 = arith.addf %add3A_496, %gather3A_509 : vector<16xf32>
      %bitcast_convert_type3A_511 = tpu.bitcast %add3A_510 : vector<16xf32> -> vector<16xi32>
      %broadcast_in_dim3A_512 = arith.constant 1597463007 : i32
      %broadcast_in_dim3A_513 = vector.broadcast %broadcast_in_dim3A_512 : i32 to vector<16xi32>
      %shift_right_logical3A_514 = arith.constant 1 : i32
      %shift_right_logical3A_515 = vector.broadcast %shift_right_logical3A_514 : i32 to vector<16xi32>
      %shift_right_logical3A_516 = arith.shrui %bitcast_convert_type3A_511, %shift_right_logical3A_515 : vector<16xi32>
      %sub3A_517 = arith.subi %broadcast_in_dim3A_513, %shift_right_logical3A_516 : vector<16xi32>
      %bitcast_convert_type3A_518 = tpu.bitcast %sub3A_517 : vector<16xi32> -> vector<16xf32>
      %mul3A_519 = arith.constant 5.000000e-01 : f32
      %mul3A_520 = vector.broadcast %mul3A_519 : f32 to vector<16xf32>
      %mul3A_521 = arith.mulf %mul3A_520, %add3A_510 : vector<16xf32>
      %mul3A_522 = arith.mulf %mul3A_521, %bitcast_convert_type3A_518 : vector<16xf32>
      %mul3A_523 = arith.mulf %mul3A_522, %bitcast_convert_type3A_518 : vector<16xf32>
      %sub3A_524 = arith.constant 1.500000e+00 : f32
      %sub3A_525 = vector.broadcast %sub3A_524 : f32 to vector<16xf32>
      %sub3A_526 = arith.subf %sub3A_525, %mul3A_523 : vector<16xf32>
      %mul3A_527 = arith.mulf %bitcast_convert_type3A_518, %sub3A_526 : vector<16xf32>
      %mul3A_528 = arith.mulf %mul3A_521, %mul3A_527 : vector<16xf32>
      %mul3A_529 = arith.mulf %mul3A_528, %mul3A_527 : vector<16xf32>
      %sub3A_530 = arith.constant 1.500000e+00 : f32
      %sub3A_531 = vector.broadcast %sub3A_530 : f32 to vector<16xf32>
      %sub3A_532 = arith.subf %sub3A_531, %mul3A_529 : vector<16xf32>
      %mul3A_533 = arith.mulf %mul3A_527, %sub3A_532 : vector<16xf32>
      %mul3A_534 = arith.mulf %mul3A_521, %mul3A_533 : vector<16xf32>
      %mul3A_535 = arith.mulf %mul3A_534, %mul3A_533 : vector<16xf32>
      %sub3A_536 = arith.constant 1.500000e+00 : f32
      %sub3A_537 = vector.broadcast %sub3A_536 : f32 to vector<16xf32>
      %sub3A_538 = arith.subf %sub3A_537, %mul3A_535 : vector<16xf32>
      %mul3A_539 = arith.mulf %mul3A_533, %sub3A_538 : vector<16xf32>
      %mul3A_540 = arith.mulf %get3A_435, %mul3A_539 : vector<16xf32>
      %swap3A_541 = arith.index_cast %add3A_431 : i32 to index
      %swap3A_542 = arith.constant 0 : index
      %swap3A_543 = tpu.vector_load %arg6[%swap3A_541, %swap3A_542] {strides = array<i32>} : memref<512x64xf32, #tpu.memory_space<vmem>>, vector<1x16xf32>,
      %swap3A_544 = vector.shape_cast %swap3A_543 : vector<1x16xf32> to vector<16xf32>
      %swap3A_545 = vector.shape_cast %mul3A_540 : vector<16xf32> to vector<1x16xf32>
      tpu.vector_store %arg6[%swap3A_541, %swap3A_542], %swap3A_545 {strides = array<i32>} : memref<512x64xf32, #tpu.memory_space<vmem>>, vector<1x16xf32>,
      %mul3A_546 = arith.mulf %get3A_439, %mul3A_539 : vector<16xf32>
      %swap3A_547 = arith.index_cast %add3A_431 : i32 to index
      %swap3A_548 = arith.constant 16 : index
      %swap3A_549 = tpu.vector_load %arg6[%swap3A_547, %swap3A_548] {strides = array<i32>} : memref<512x64xf32, #tpu.memory_space<vmem>>, vector<1x16xf32>,
      %swap3A_550 = vector.shape_cast %swap3A_549 : vector<1x16xf32> to vector<16xf32>
      %swap3A_551 = vector.shape_cast %mul3A_546 : vector<16xf32> to vector<1x16xf32>
      tpu.vector_store %arg6[%swap3A_547, %swap3A_548], %swap3A_551 {strides = array<i32>} : memref<512x64xf32, #tpu.memory_space<vmem>>, vector<1x16xf32>,
      %mul3A_552 = arith.mulf %get3A_443, %mul3A_539 : vector<16xf32>
      %swap3A_553 = arith.index_cast %add3A_431 : i32 to index
      %swap3A_554 = arith.constant 32 : index
      %swap3A_555 = tpu.vector_load %arg6[%swap3A_553, %swap3A_554] {strides = array<i32>} : memref<512x64xf32, #tpu.memory_space<vmem>>, vector<1x16xf32>,
      %swap3A_556 = vector.shape_cast %swap3A_555 : vector<1x16xf32> to vector<16xf32>
      %swap3A_557 = vector.shape_cast %mul3A_552 : vector<16xf32> to vector<1x16xf32>
      tpu.vector_store %arg6[%swap3A_553, %swap3A_554], %swap3A_557 {strides = array<i32>} : memref<512x64xf32, #tpu.memory_space<vmem>>, vector<1x16xf32>,
      %mul3A_558 = arith.mulf %get3A_447, %mul3A_539 : vector<16xf32>
      %swap3A_559 = arith.index_cast %add3A_431 : i32 to index
      %swap3A_560 = arith.constant 48 : index
      %swap3A_561 = tpu.vector_load %arg6[%swap3A_559, %swap3A_560] {strides = array<i32>} : memref<512x64xf32, #tpu.memory_space<vmem>>, vector<1x16xf32>,
      %swap3A_562 = vector.shape_cast %swap3A_561 : vector<1x16xf32> to vector<16xf32>
      %swap3A_563 = vector.shape_cast %mul3A_558 : vector<16xf32> to vector<1x16xf32>
      tpu.vector_store %arg6[%swap3A_559, %swap3A_560], %swap3A_563 {strides = array<i32>} : memref<512x64xf32, #tpu.memory_space<vmem>>, vector<1x16xf32>,
      %add3A_564 = arith.constant 3 : i32
      %add3A_565 = arith.addi %mul3A_171, %add3A_564 : i32
      %get3A_566 = arith.index_cast %add3A_565 : i32 to index
      %get3A_567 = arith.constant 0 : index
      %get3A_568 = tpu.vector_load %arg6[%get3A_566, %get3A_567] {strides = array<i32>} : memref<512x64xf32, #tpu.memory_space<vmem>>, vector<1x16xf32>,
      %get3A_569 = vector.shape_cast %get3A_568 : vector<1x16xf32> to vector<16xf32>
      %get3A_570 = arith.index_cast %add3A_565 : i32 to index
      %get3A_571 = arith.constant 16 : index
      %get3A_572 = tpu.vector_load %arg6[%get3A_570, %get3A_571] {strides = array<i32>} : memref<512x64xf32, #tpu.memory_space<vmem>>, vector<1x16xf32>,
      %get3A_573 = vector.shape_cast %get3A_572 : vector<1x16xf32> to vector<16xf32>
      %get3A_574 = arith.index_cast %add3A_565 : i32 to index
      %get3A_575 = arith.constant 32 : index
      %get3A_576 = tpu.vector_load %arg6[%get3A_574, %get3A_575] {strides = array<i32>} : memref<512x64xf32, #tpu.memory_space<vmem>>, vector<1x16xf32>,
      %get3A_577 = vector.shape_cast %get3A_576 : vector<1x16xf32> to vector<16xf32>
      %get3A_578 = arith.index_cast %add3A_565 : i32 to index
      %get3A_579 = arith.constant 48 : index
      %get3A_580 = tpu.vector_load %arg6[%get3A_578, %get3A_579] {strides = array<i32>} : memref<512x64xf32, #tpu.memory_space<vmem>>, vector<1x16xf32>,
      %get3A_581 = vector.shape_cast %get3A_580 : vector<1x16xf32> to vector<16xf32>
      %mul3A_582 = arith.mulf %get3A_569, %get3A_569 : vector<16xf32>
      %mul3A_583 = arith.mulf %get3A_573, %get3A_573 : vector<16xf32>
      %add3A_584 = arith.addf %mul3A_582, %mul3A_583 : vector<16xf32>
      %mul3A_585 = arith.mulf %get3A_577, %get3A_577 : vector<16xf32>
      %add3A_586 = arith.addf %add3A_584, %mul3A_585 : vector<16xf32>
      %mul3A_587 = arith.mulf %get3A_581, %get3A_581 : vector<16xf32>
      %add3A_588 = arith.addf %add3A_586, %mul3A_587 : vector<16xf32>
      %xor3A_589 = arith.constant 8 : i32
      %xor3A_590 = vector.broadcast %xor3A_589 : i32 to vector<16xi32>
      %xor3A_591 = arith.xori %iota3A, %xor3A_590 : vector<16xi32>
      %lt3A_592 = arith.constant 0 : i32
      %lt3A_593 = vector.broadcast %lt3A_592 : i32 to vector<16xi32>
      %lt3A_594 = arith.cmpi slt, %xor3A_591, %lt3A_593 : vector<16xi32>
      %add3A_595 = arith.constant 16 : i32
      %add3A_596 = vector.broadcast %add3A_595 : i32 to vector<16xi32>
      %add3A_597 = arith.addi %xor3A_591, %add3A_596 : vector<16xi32>
      %select_n3A_598 = arith.select %lt3A_594, %add3A_597, %xor3A_591 : vector<16xi1>, vector<16xi32>
      %broadcast_in_dim3A_599 = vector.shape_cast %select_n3A_598 : vector<16xi32> to vector<16x1xi32>
      %gather3A_600 = vector.shape_cast %broadcast_in_dim3A_599 : vector<16x1xi32> to vector<16xi32>
      %gather3A_601 = tpu.dynamic_gather %add3A_588[%gather3A_600] in [0] : vector<16xf32>, vector<16xi32> -> vector<16xf32>
      %add3A_602 = arith.addf %add3A_588, %gather3A_601 : vector<16xf32>
      %xor3A_603 = arith.constant 4 : i32
      %xor3A_604 = vector.broadcast %xor3A_603 : i32 to vector<16xi32>
      %xor3A_605 = arith.xori %iota3A, %xor3A_604 : vector<16xi32>
      %lt3A_606 = arith.constant 0 : i32
      %lt3A_607 = vector.broadcast %lt3A_606 : i32 to vector<16xi32>
      %lt3A_608 = arith.cmpi slt, %xor3A_605, %lt3A_607 : vector<16xi32>
      %add3A_609 = arith.constant 16 : i32
      %add3A_610 = vector.broadcast %add3A_609 : i32 to vector<16xi32>
      %add3A_611 = arith.addi %xor3A_605, %add3A_610 : vector<16xi32>
      %select_n3A_612 = arith.select %lt3A_608, %add3A_611, %xor3A_605 : vector<16xi1>, vector<16xi32>
      %broadcast_in_dim3A_613 = vector.shape_cast %select_n3A_612 : vector<16xi32> to vector<16x1xi32>
      %gather3A_614 = vector.shape_cast %broadcast_in_dim3A_613 : vector<16x1xi32> to vector<16xi32>
      %gather3A_615 = tpu.dynamic_gather %add3A_602[%gather3A_614] in [0] : vector<16xf32>, vector<16xi32> -> vector<16xf32>
      %add3A_616 = arith.addf %add3A_602, %gather3A_615 : vector<16xf32>
      %xor3A_617 = arith.constant 2 : i32
      %xor3A_618 = vector.broadcast %xor3A_617 : i32 to vector<16xi32>
      %xor3A_619 = arith.xori %iota3A, %xor3A_618 : vector<16xi32>
      %lt3A_620 = arith.constant 0 : i32
      %lt3A_621 = vector.broadcast %lt3A_620 : i32 to vector<16xi32>
      %lt3A_622 = arith.cmpi slt, %xor3A_619, %lt3A_621 : vector<16xi32>
      %add3A_623 = arith.constant 16 : i32
      %add3A_624 = vector.broadcast %add3A_623 : i32 to vector<16xi32>
      %add3A_625 = arith.addi %xor3A_619, %add3A_624 : vector<16xi32>
      %select_n3A_626 = arith.select %lt3A_622, %add3A_625, %xor3A_619 : vector<16xi1>, vector<16xi32>
      %broadcast_in_dim3A_627 = vector.shape_cast %select_n3A_626 : vector<16xi32> to vector<16x1xi32>
      %gather3A_628 = vector.shape_cast %broadcast_in_dim3A_627 : vector<16x1xi32> to vector<16xi32>
      %gather3A_629 = tpu.dynamic_gather %add3A_616[%gather3A_628] in [0] : vector<16xf32>, vector<16xi32> -> vector<16xf32>
      %add3A_630 = arith.addf %add3A_616, %gather3A_629 : vector<16xf32>
      %xor3A_631 = arith.constant 1 : i32
      %xor3A_632 = vector.broadcast %xor3A_631 : i32 to vector<16xi32>
      %xor3A_633 = arith.xori %iota3A, %xor3A_632 : vector<16xi32>
      %lt3A_634 = arith.constant 0 : i32
      %lt3A_635 = vector.broadcast %lt3A_634 : i32 to vector<16xi32>
      %lt3A_636 = arith.cmpi slt, %xor3A_633, %lt3A_635 : vector<16xi32>
      %add3A_637 = arith.constant 16 : i32
      %add3A_638 = vector.broadcast %add3A_637 : i32 to vector<16xi32>
      %add3A_639 = arith.addi %xor3A_633, %add3A_638 : vector<16xi32>
      %select_n3A_640 = arith.select %lt3A_636, %add3A_639, %xor3A_633 : vector<16xi1>, vector<16xi32>
      %broadcast_in_dim3A_641 = vector.shape_cast %select_n3A_640 : vector<16xi32> to vector<16x1xi32>
      %gather3A_642 = vector.shape_cast %broadcast_in_dim3A_641 : vector<16x1xi32> to vector<16xi32>
      %gather3A_643 = tpu.dynamic_gather %add3A_630[%gather3A_642] in [0] : vector<16xf32>, vector<16xi32> -> vector<16xf32>
      %add3A_644 = arith.addf %add3A_630, %gather3A_643 : vector<16xf32>
      %bitcast_convert_type3A_645 = tpu.bitcast %add3A_644 : vector<16xf32> -> vector<16xi32>
      %broadcast_in_dim3A_646 = arith.constant 1597463007 : i32
      %broadcast_in_dim3A_647 = vector.broadcast %broadcast_in_dim3A_646 : i32 to vector<16xi32>
      %shift_right_logical3A_648 = arith.constant 1 : i32
      %shift_right_logical3A_649 = vector.broadcast %shift_right_logical3A_648 : i32 to vector<16xi32>
      %shift_right_logical3A_650 = arith.shrui %bitcast_convert_type3A_645, %shift_right_logical3A_649 : vector<16xi32>
      %sub3A_651 = arith.subi %broadcast_in_dim3A_647, %shift_right_logical3A_650 : vector<16xi32>
      %bitcast_convert_type3A_652 = tpu.bitcast %sub3A_651 : vector<16xi32> -> vector<16xf32>
      %mul3A_653 = arith.constant 5.000000e-01 : f32
      %mul3A_654 = vector.broadcast %mul3A_653 : f32 to vector<16xf32>
      %mul3A_655 = arith.mulf %mul3A_654, %add3A_644 : vector<16xf32>
      %mul3A_656 = arith.mulf %mul3A_655, %bitcast_convert_type3A_652 : vector<16xf32>
      %mul3A_657 = arith.mulf %mul3A_656, %bitcast_convert_type3A_652 : vector<16xf32>
      %sub3A_658 = arith.constant 1.500000e+00 : f32
      %sub3A_659 = vector.broadcast %sub3A_658 : f32 to vector<16xf32>
      %sub3A_660 = arith.subf %sub3A_659, %mul3A_657 : vector<16xf32>
      %mul3A_661 = arith.mulf %bitcast_convert_type3A_652, %sub3A_660 : vector<16xf32>
      %mul3A_662 = arith.mulf %mul3A_655, %mul3A_661 : vector<16xf32>
      %mul3A_663 = arith.mulf %mul3A_662, %mul3A_661 : vector<16xf32>
      %sub3A_664 = arith.constant 1.500000e+00 : f32
      %sub3A_665 = vector.broadcast %sub3A_664 : f32 to vector<16xf32>
      %sub3A_666 = arith.subf %sub3A_665, %mul3A_663 : vector<16xf32>
      %mul3A_667 = arith.mulf %mul3A_661, %sub3A_666 : vector<16xf32>
      %mul3A_668 = arith.mulf %mul3A_655, %mul3A_667 : vector<16xf32>
      %mul3A_669 = arith.mulf %mul3A_668, %mul3A_667 : vector<16xf32>
      %sub3A_670 = arith.constant 1.500000e+00 : f32
      %sub3A_671 = vector.broadcast %sub3A_670 : f32 to vector<16xf32>
      %sub3A_672 = arith.subf %sub3A_671, %mul3A_669 : vector<16xf32>
      %mul3A_673 = arith.mulf %mul3A_667, %sub3A_672 : vector<16xf32>
      %mul3A_674 = arith.mulf %get3A_569, %mul3A_673 : vector<16xf32>
      %swap3A_675 = arith.index_cast %add3A_565 : i32 to index
      %swap3A_676 = arith.constant 0 : index
      %swap3A_677 = tpu.vector_load %arg6[%swap3A_675, %swap3A_676] {strides = array<i32>} : memref<512x64xf32, #tpu.memory_space<vmem>>, vector<1x16xf32>,
      %swap3A_678 = vector.shape_cast %swap3A_677 : vector<1x16xf32> to vector<16xf32>
      %swap3A_679 = vector.shape_cast %mul3A_674 : vector<16xf32> to vector<1x16xf32>
      tpu.vector_store %arg6[%swap3A_675, %swap3A_676], %swap3A_679 {strides = array<i32>} : memref<512x64xf32, #tpu.memory_space<vmem>>, vector<1x16xf32>,
      %mul3A_680 = arith.mulf %get3A_573, %mul3A_673 : vector<16xf32>
      %swap3A_681 = arith.index_cast %add3A_565 : i32 to index
      %swap3A_682 = arith.constant 16 : index
      %swap3A_683 = tpu.vector_load %arg6[%swap3A_681, %swap3A_682] {strides = array<i32>} : memref<512x64xf32, #tpu.memory_space<vmem>>, vector<1x16xf32>,
      %swap3A_684 = vector.shape_cast %swap3A_683 : vector<1x16xf32> to vector<16xf32>
      %swap3A_685 = vector.shape_cast %mul3A_680 : vector<16xf32> to vector<1x16xf32>
      tpu.vector_store %arg6[%swap3A_681, %swap3A_682], %swap3A_685 {strides = array<i32>} : memref<512x64xf32, #tpu.memory_space<vmem>>, vector<1x16xf32>,
      %mul3A_686 = arith.mulf %get3A_577, %mul3A_673 : vector<16xf32>
      %swap3A_687 = arith.index_cast %add3A_565 : i32 to index
      %swap3A_688 = arith.constant 32 : index
      %swap3A_689 = tpu.vector_load %arg6[%swap3A_687, %swap3A_688] {strides = array<i32>} : memref<512x64xf32, #tpu.memory_space<vmem>>, vector<1x16xf32>,
      %swap3A_690 = vector.shape_cast %swap3A_689 : vector<1x16xf32> to vector<16xf32>
      %swap3A_691 = vector.shape_cast %mul3A_686 : vector<16xf32> to vector<1x16xf32>
      tpu.vector_store %arg6[%swap3A_687, %swap3A_688], %swap3A_691 {strides = array<i32>} : memref<512x64xf32, #tpu.memory_space<vmem>>, vector<1x16xf32>,
      %mul3A_692 = arith.mulf %get3A_581, %mul3A_673 : vector<16xf32>
      %swap3A_693 = arith.index_cast %add3A_565 : i32 to index
      %swap3A_694 = arith.constant 48 : index
      %swap3A_695 = tpu.vector_load %arg6[%swap3A_693, %swap3A_694] {strides = array<i32>} : memref<512x64xf32, #tpu.memory_space<vmem>>, vector<1x16xf32>,
      %swap3A_696 = vector.shape_cast %swap3A_695 : vector<1x16xf32> to vector<16xf32>
      %swap3A_697 = vector.shape_cast %mul3A_692 : vector<16xf32> to vector<1x16xf32>
      tpu.vector_store %arg6[%swap3A_693, %swap3A_694], %swap3A_697 {strides = array<i32>} : memref<512x64xf32, #tpu.memory_space<vmem>>, vector<1x16xf32>,
    }
    %scan3A_101 = arith.constant 128 : i32
    %dma_start3A_102 = arith.constant 0 : i32
    %dma_start3A_103 = tpu.memref_slice %arg4[%mul3A_2, %dma_start3A_102] : memref<819200x64xf32, #tpu.memory_space<hbm>> -> memref<512x64xf32, #tpu.memory_space<hbm>>
    %dma_start3A_104 = arith.constant 0 : i32
    %dma_start3A_105 = tpu.memref_slice %arg4[%mul3A_2, %dma_start3A_104] : memref<819200x64xf32, #tpu.memory_space<hbm>> -> memref<512x64xf32, #tpu.memory_space<hbm>>
    tpu.enqueue_dma source(%arg6 : memref<512x64xf32, #tpu.memory_space<vmem>>) target(%dma_start3A_105 : memref<512x64xf32, #tpu.memory_space<hbm>>) target_semaphore(%arg10 : memref<!tpu.dma_semaphore, #tpu.memory_space<semaphore_mem>>)
    %scan3A_106 = arith.constant 0 : i32
    %scan3A_107 = arith.constant 0 : i32
    %scan3A_108 = arith.constant 24 : i32
    %scan3A_109 = arith.addi %scan3A_107, %scan3A_108 : i32
    %scan3A_110 = arith.constant 1 : i32
    scf.for %scan3A_169 = %scan3A_107 to %scan3A_109 step %scan3A_110  : i32 {
      %mul3A_170 = arith.constant 2 : i32
      %mul3A_171 = arith.muli %mul3A_170, %scan3A_169 : i32
      %add3A_172 = arith.constant 1 : i32
      %add3A_173 = arith.addi %add3A_172, %mul3A_171 : i32
      %add3A_174 = arith.constant 0 : i32
      %add3A_175 = arith.addi %add3A_173, %add3A_174 : i32
      %dma_wait3A_176 = arith.constant 0 : i32
      %dma_wait3A_177 = arith.constant 0 : i32
      %dma_wait3A_178 = tpu.memref_slice %arg4[%dma_wait3A_176, %dma_wait3A_177] : memref<819200x64xf32, #tpu.memory_space<hbm>> -> memref<512x64xf32, #tpu.memory_space<hbm>>
      %dma_wait3A_179 = arith.constant 0 : i32
      %dma_wait3A_180 = arith.constant 0 : i32
      %dma_wait3A_181 = tpu.memref_slice %arg4[%dma_wait3A_179, %dma_wait3A_180] : memref<819200x64xf32, #tpu.memory_space<hbm>> -> memref<512x64xf32, #tpu.memory_space<hbm>>
      tpu.wait_dma2 semaphore(%arg10 : memref<!tpu.dma_semaphore, #tpu.memory_space<semaphore_mem>>) src(%arg6 : memref<512x64xf32, #tpu.memory_space<vmem>>) dst(%dma_wait3A_181 : memref<512x64xf32, #tpu.memory_space<hbm>>)
      %add3A_182 = arith.constant 1 : i32
      %add3A_183 = arith.addi %add3A_175, %add3A_182 : i32
      %mul3A_184 = arith.constant 512 : i32
      %mul3A_185 = arith.muli %add3A_183, %mul3A_184 : i32
      %add3A_186 = arith.constant 0 : i32
      %add3A_187 = arith.addi %mul3A_185, %add3A_186 : i32
      %dma_start3A_188 = arith.constant 0 : i32
      %dma_start3A_189 = arith.constant 0 : i32
      %dma_start3A_190 = tpu.memref_slice %arg6[%dma_start3A_188, %dma_start3A_189] : memref<512x64xf32, #tpu.memory_space<vmem>> -> memref<128x64xf32, #tpu.memory_space<vmem>>
      %dma_start3A_191 = tpu.memref_slice %arg5[%add3A_187] : memref<25600xi32, #tpu.memory_space<vmem>> -> memref<128xi32, #tpu.memory_space<vmem>>
      %dma_start3A_192 = arith.constant 0 : i32
      %dma_start3A_193 = arith.constant 0 : i32
      %dma_start3A_194 = tpu.memref_slice %arg3[%dma_start3A_192, %dma_start3A_193] : memref<1000000x64xf32, #tpu.memory_space<hbm>> -> memref<1000000x64xf32, #tpu.memory_space<hbm>>
      tpu.enqueue_indirect_dma source(%dma_start3A_194 : memref<1000000x64xf32, #tpu.memory_space<hbm>>) target(%dma_start3A_190 : memref<128x64xf32, #tpu.memory_space<vmem>>) offsets(%dma_start3A_191 : memref<128xi32, #tpu.memory_space<vmem>>) semaphore(%arg8 : memref<!tpu.dma_semaphore, #tpu.memory_space<semaphore_mem>>)
      %mul3A_195 = arith.constant 512 : i32
      %mul3A_196 = arith.muli %add3A_183, %mul3A_195 : i32
      %add3A_197 = arith.constant 128 : i32
      %add3A_198 = arith.addi %mul3A_196, %add3A_197 : i32
      %dma_start3A_199 = arith.constant 128 : i32
      %dma_start3A_200 = arith.constant 0 : i32
      %dma_start3A_201 = tpu.memref_slice %arg6[%dma_start3A_199, %dma_start3A_200] : memref<512x64xf32, #tpu.memory_space<vmem>> -> memref<128x64xf32, #tpu.memory_space<vmem>>
      %dma_start3A_202 = tpu.memref_slice %arg5[%add3A_198] : memref<25600xi32, #tpu.memory_space<vmem>> -> memref<128xi32, #tpu.memory_space<vmem>>
      %dma_start3A_203 = arith.constant 0 : i32
      %dma_start3A_204 = arith.constant 0 : i32
      %dma_start3A_205 = tpu.memref_slice %arg3[%dma_start3A_203, %dma_start3A_204] : memref<1000000x64xf32, #tpu.memory_space<hbm>> -> memref<1000000x64xf32, #tpu.memory_space<hbm>>
      tpu.enqueue_indirect_dma source(%dma_start3A_205 : memref<1000000x64xf32, #tpu.memory_space<hbm>>) target(%dma_start3A_201 : memref<128x64xf32, #tpu.memory_space<vmem>>) offsets(%dma_start3A_202 : memref<128xi32, #tpu.memory_space<vmem>>) semaphore(%arg8 : memref<!tpu.dma_semaphore, #tpu.memory_space<semaphore_mem>>)
      %mul3A_206 = arith.constant 512 : i32
      %mul3A_207 = arith.muli %add3A_183, %mul3A_206 : i32
      %add3A_208 = arith.constant 256 : i32
      %add3A_209 = arith.addi %mul3A_207, %add3A_208 : i32
      %dma_start3A_210 = arith.constant 256 : i32
      %dma_start3A_211 = arith.constant 0 : i32
      %dma_start3A_212 = tpu.memref_slice %arg6[%dma_start3A_210, %dma_start3A_211] : memref<512x64xf32, #tpu.memory_space<vmem>> -> memref<128x64xf32, #tpu.memory_space<vmem>>
      %dma_start3A_213 = tpu.memref_slice %arg5[%add3A_209] : memref<25600xi32, #tpu.memory_space<vmem>> -> memref<128xi32, #tpu.memory_space<vmem>>
      %dma_start3A_214 = arith.constant 0 : i32
      %dma_start3A_215 = arith.constant 0 : i32
      %dma_start3A_216 = tpu.memref_slice %arg3[%dma_start3A_214, %dma_start3A_215] : memref<1000000x64xf32, #tpu.memory_space<hbm>> -> memref<1000000x64xf32, #tpu.memory_space<hbm>>
      tpu.enqueue_indirect_dma source(%dma_start3A_216 : memref<1000000x64xf32, #tpu.memory_space<hbm>>) target(%dma_start3A_212 : memref<128x64xf32, #tpu.memory_space<vmem>>) offsets(%dma_start3A_213 : memref<128xi32, #tpu.memory_space<vmem>>) semaphore(%arg8 : memref<!tpu.dma_semaphore, #tpu.memory_space<semaphore_mem>>)
      %mul3A_217 = arith.constant 512 : i32
      %mul3A_218 = arith.muli %add3A_183, %mul3A_217 : i32
      %add3A_219 = arith.constant 384 : i32
      %add3A_220 = arith.addi %mul3A_218, %add3A_219 : i32
      %dma_start3A_221 = arith.constant 384 : i32
      %dma_start3A_222 = arith.constant 0 : i32
      %dma_start3A_223 = tpu.memref_slice %arg6[%dma_start3A_221, %dma_start3A_222] : memref<512x64xf32, #tpu.memory_space<vmem>> -> memref<128x64xf32, #tpu.memory_space<vmem>>
      %dma_start3A_224 = tpu.memref_slice %arg5[%add3A_220] : memref<25600xi32, #tpu.memory_space<vmem>> -> memref<128xi32, #tpu.memory_space<vmem>>
      %dma_start3A_225 = arith.constant 0 : i32
      %dma_start3A_226 = arith.constant 0 : i32
      %dma_start3A_227 = tpu.memref_slice %arg3[%dma_start3A_225, %dma_start3A_226] : memref<1000000x64xf32, #tpu.memory_space<hbm>> -> memref<1000000x64xf32, #tpu.memory_space<hbm>>
      tpu.enqueue_indirect_dma source(%dma_start3A_227 : memref<1000000x64xf32, #tpu.memory_space<hbm>>) target(%dma_start3A_223 : memref<128x64xf32, #tpu.memory_space<vmem>>) offsets(%dma_start3A_224 : memref<128xi32, #tpu.memory_space<vmem>>) semaphore(%arg8 : memref<!tpu.dma_semaphore, #tpu.memory_space<semaphore_mem>>)
      %dma_wait3A_228 = arith.constant 0 : i32
      %dma_wait3A_229 = arith.constant 0 : i32
      %dma_wait3A_230 = tpu.memref_slice %arg7[%dma_wait3A_228, %dma_wait3A_229] : memref<512x64xf32, #tpu.memory_space<vmem>> -> memref<128x64xf32, #tpu.memory_space<vmem>>
      %dma_wait3A_231 = arith.constant 0 : i32
      %dma_wait3A_232 = tpu.memref_slice %arg5[%dma_wait3A_231] : memref<25600xi32, #tpu.memory_space<vmem>> -> memref<128xi32, #tpu.memory_space<vmem>>
      %dma_wait3A_233 = arith.constant 0 : i32
      %dma_wait3A_234 = arith.constant 0 : i32
      %dma_wait3A_235 = tpu.memref_slice %arg3[%dma_wait3A_233, %dma_wait3A_234] : memref<1000000x64xf32, #tpu.memory_space<hbm>> -> memref<1000000x64xf32, #tpu.memory_space<hbm>>
      tpu.wait_indirect_dma semaphore(%arg9 : memref<!tpu.dma_semaphore, #tpu.memory_space<semaphore_mem>>) src(%dma_wait3A_235 : memref<1000000x64xf32, #tpu.memory_space<hbm>>) dst(%dma_wait3A_230 : memref<128x64xf32, #tpu.memory_space<vmem>>)
      %dma_wait3A_236 = arith.constant 128 : i32
      %dma_wait3A_237 = arith.constant 0 : i32
      %dma_wait3A_238 = tpu.memref_slice %arg7[%dma_wait3A_236, %dma_wait3A_237] : memref<512x64xf32, #tpu.memory_space<vmem>> -> memref<128x64xf32, #tpu.memory_space<vmem>>
      %dma_wait3A_239 = arith.constant 128 : i32
      %dma_wait3A_240 = tpu.memref_slice %arg5[%dma_wait3A_239] : memref<25600xi32, #tpu.memory_space<vmem>> -> memref<128xi32, #tpu.memory_space<vmem>>
      %dma_wait3A_241 = arith.constant 0 : i32
      %dma_wait3A_242 = arith.constant 0 : i32
      %dma_wait3A_243 = tpu.memref_slice %arg3[%dma_wait3A_241, %dma_wait3A_242] : memref<1000000x64xf32, #tpu.memory_space<hbm>> -> memref<1000000x64xf32, #tpu.memory_space<hbm>>
      tpu.wait_indirect_dma semaphore(%arg9 : memref<!tpu.dma_semaphore, #tpu.memory_space<semaphore_mem>>) src(%dma_wait3A_243 : memref<1000000x64xf32, #tpu.memory_space<hbm>>) dst(%dma_wait3A_238 : memref<128x64xf32, #tpu.memory_space<vmem>>)
      %dma_wait3A_244 = arith.constant 256 : i32
      %dma_wait3A_245 = arith.constant 0 : i32
      %dma_wait3A_246 = tpu.memref_slice %arg7[%dma_wait3A_244, %dma_wait3A_245] : memref<512x64xf32, #tpu.memory_space<vmem>> -> memref<128x64xf32, #tpu.memory_space<vmem>>
      %dma_wait3A_247 = arith.constant 256 : i32
      %dma_wait3A_248 = tpu.memref_slice %arg5[%dma_wait3A_247] : memref<25600xi32, #tpu.memory_space<vmem>> -> memref<128xi32, #tpu.memory_space<vmem>>
      %dma_wait3A_249 = arith.constant 0 : i32
      %dma_wait3A_250 = arith.constant 0 : i32
      %dma_wait3A_251 = tpu.memref_slice %arg3[%dma_wait3A_249, %dma_wait3A_250] : memref<1000000x64xf32, #tpu.memory_space<hbm>> -> memref<1000000x64xf32, #tpu.memory_space<hbm>>
      tpu.wait_indirect_dma semaphore(%arg9 : memref<!tpu.dma_semaphore, #tpu.memory_space<semaphore_mem>>) src(%dma_wait3A_251 : memref<1000000x64xf32, #tpu.memory_space<hbm>>) dst(%dma_wait3A_246 : memref<128x64xf32, #tpu.memory_space<vmem>>)
      %dma_wait3A_252 = arith.constant 384 : i32
      %dma_wait3A_253 = arith.constant 0 : i32
      %dma_wait3A_254 = tpu.memref_slice %arg7[%dma_wait3A_252, %dma_wait3A_253] : memref<512x64xf32, #tpu.memory_space<vmem>> -> memref<128x64xf32, #tpu.memory_space<vmem>>
      %dma_wait3A_255 = arith.constant 384 : i32
      %dma_wait3A_256 = tpu.memref_slice %arg5[%dma_wait3A_255] : memref<25600xi32, #tpu.memory_space<vmem>> -> memref<128xi32, #tpu.memory_space<vmem>>
      %dma_wait3A_257 = arith.constant 0 : i32
      %dma_wait3A_258 = arith.constant 0 : i32
      %dma_wait3A_259 = tpu.memref_slice %arg3[%dma_wait3A_257, %dma_wait3A_258] : memref<1000000x64xf32, #tpu.memory_space<hbm>> -> memref<1000000x64xf32, #tpu.memory_space<hbm>>
      tpu.wait_indirect_dma semaphore(%arg9 : memref<!tpu.dma_semaphore, #tpu.memory_space<semaphore_mem>>) src(%dma_wait3A_259 : memref<1000000x64xf32, #tpu.memory_space<hbm>>) dst(%dma_wait3A_254 : memref<128x64xf32, #tpu.memory_space<vmem>>)
      %iota3A_260 = tpu.iota {dimensions = array<i32: 0>} : vector<16xi32>
      %scan3A_261 = arith.constant 0 : i32
      %scan3A_262 = arith.constant 0 : i32
      %scan3A_263 = arith.constant 128 : i32
      %scan3A_264 = arith.addi %scan3A_262, %scan3A_263 : i32
      %scan3A_265 = arith.constant 1 : i32
      scf.for %scan3A_378 = %scan3A_262 to %scan3A_264 step %scan3A_265  : i32 {
        %mul3A_379 = arith.constant 4 : i32
        %mul3A_380 = arith.muli %scan3A_378, %mul3A_379 : i32
        %add3A_381 = arith.constant 0 : i32
        %add3A_382 = arith.addi %mul3A_380, %add3A_381 : i32
        %get3A = arith.index_cast %add3A_382 : i32 to index
        %get3A_383 = arith.constant 0 : index
        %get3A_384 = tpu.vector_load %arg7[%get3A, %get3A_383] {strides = array<i32>} : memref<512x64xf32, #tpu.memory_space<vmem>>, vector<1x16xf32>,
        %get3A_385 = vector.shape_cast %get3A_384 : vector<1x16xf32> to vector<16xf32>
        %get3A_386 = arith.index_cast %add3A_382 : i32 to index
        %get3A_387 = arith.constant 16 : index
        %get3A_388 = tpu.vector_load %arg7[%get3A_386, %get3A_387] {strides = array<i32>} : memref<512x64xf32, #tpu.memory_space<vmem>>, vector<1x16xf32>,
        %get3A_389 = vector.shape_cast %get3A_388 : vector<1x16xf32> to vector<16xf32>
        %get3A_390 = arith.index_cast %add3A_382 : i32 to index
        %get3A_391 = arith.constant 32 : index
        %get3A_392 = tpu.vector_load %arg7[%get3A_390, %get3A_391] {strides = array<i32>} : memref<512x64xf32, #tpu.memory_space<vmem>>, vector<1x16xf32>,
        %get3A_393 = vector.shape_cast %get3A_392 : vector<1x16xf32> to vector<16xf32>
        %get3A_394 = arith.index_cast %add3A_382 : i32 to index
        %get3A_395 = arith.constant 48 : index
        %get3A_396 = tpu.vector_load %arg7[%get3A_394, %get3A_395] {strides = array<i32>} : memref<512x64xf32, #tpu.memory_space<vmem>>, vector<1x16xf32>,
        %get3A_397 = vector.shape_cast %get3A_396 : vector<1x16xf32> to vector<16xf32>
        %mul3A_398 = arith.mulf %get3A_385, %get3A_385 : vector<16xf32>
        %mul3A_399 = arith.mulf %get3A_389, %get3A_389 : vector<16xf32>
        %add3A_400 = arith.addf %mul3A_398, %mul3A_399 : vector<16xf32>
        %mul3A_401 = arith.mulf %get3A_393, %get3A_393 : vector<16xf32>
        %add3A_402 = arith.addf %add3A_400, %mul3A_401 : vector<16xf32>
        %mul3A_403 = arith.mulf %get3A_397, %get3A_397 : vector<16xf32>
        %add3A_404 = arith.addf %add3A_402, %mul3A_403 : vector<16xf32>
        %xor3A = arith.constant 8 : i32
        %xor3A_405 = vector.broadcast %xor3A : i32 to vector<16xi32>
        %xor3A_406 = arith.xori %iota3A_260, %xor3A_405 : vector<16xi32>
        %lt3A = arith.constant 0 : i32
        %lt3A_407 = vector.broadcast %lt3A : i32 to vector<16xi32>
        %lt3A_408 = arith.cmpi slt, %xor3A_406, %lt3A_407 : vector<16xi32>
        %add3A_409 = arith.constant 16 : i32
        %add3A_410 = vector.broadcast %add3A_409 : i32 to vector<16xi32>
        %add3A_411 = arith.addi %xor3A_406, %add3A_410 : vector<16xi32>
        %select_n3A = arith.select %lt3A_408, %add3A_411, %xor3A_406 : vector<16xi1>, vector<16xi32>
        %broadcast_in_dim3A = vector.shape_cast %select_n3A : vector<16xi32> to vector<16x1xi32>
        %gather3A = vector.shape_cast %broadcast_in_dim3A : vector<16x1xi32> to vector<16xi32>
        %gather3A_412 = tpu.dynamic_gather %add3A_404[%gather3A] in [0] : vector<16xf32>, vector<16xi32> -> vector<16xf32>
        %add3A_413 = arith.addf %add3A_404, %gather3A_412 : vector<16xf32>
        %xor3A_414 = arith.constant 4 : i32
        %xor3A_415 = vector.broadcast %xor3A_414 : i32 to vector<16xi32>
        %xor3A_416 = arith.xori %iota3A_260, %xor3A_415 : vector<16xi32>
        %lt3A_417 = arith.constant 0 : i32
        %lt3A_418 = vector.broadcast %lt3A_417 : i32 to vector<16xi32>
        %lt3A_419 = arith.cmpi slt, %xor3A_416, %lt3A_418 : vector<16xi32>
        %add3A_420 = arith.constant 16 : i32
        %add3A_421 = vector.broadcast %add3A_420 : i32 to vector<16xi32>
        %add3A_422 = arith.addi %xor3A_416, %add3A_421 : vector<16xi32>
        %select_n3A_423 = arith.select %lt3A_419, %add3A_422, %xor3A_416 : vector<16xi1>, vector<16xi32>
        %broadcast_in_dim3A_424 = vector.shape_cast %select_n3A_423 : vector<16xi32> to vector<16x1xi32>
        %gather3A_425 = vector.shape_cast %broadcast_in_dim3A_424 : vector<16x1xi32> to vector<16xi32>
        %gather3A_426 = tpu.dynamic_gather %add3A_413[%gather3A_425] in [0] : vector<16xf32>, vector<16xi32> -> vector<16xf32>
        %add3A_427 = arith.addf %add3A_413, %gather3A_426 : vector<16xf32>
        %xor3A_428 = arith.constant 2 : i32
        %xor3A_429 = vector.broadcast %xor3A_428 : i32 to vector<16xi32>
        %xor3A_430 = arith.xori %iota3A_260, %xor3A_429 : vector<16xi32>
        %lt3A_431 = arith.constant 0 : i32
        %lt3A_432 = vector.broadcast %lt3A_431 : i32 to vector<16xi32>
        %lt3A_433 = arith.cmpi slt, %xor3A_430, %lt3A_432 : vector<16xi32>
        %add3A_434 = arith.constant 16 : i32
        %add3A_435 = vector.broadcast %add3A_434 : i32 to vector<16xi32>
        %add3A_436 = arith.addi %xor3A_430, %add3A_435 : vector<16xi32>
        %select_n3A_437 = arith.select %lt3A_433, %add3A_436, %xor3A_430 : vector<16xi1>, vector<16xi32>
        %broadcast_in_dim3A_438 = vector.shape_cast %select_n3A_437 : vector<16xi32> to vector<16x1xi32>
        %gather3A_439 = vector.shape_cast %broadcast_in_dim3A_438 : vector<16x1xi32> to vector<16xi32>
        %gather3A_440 = tpu.dynamic_gather %add3A_427[%gather3A_439] in [0] : vector<16xf32>, vector<16xi32> -> vector<16xf32>
        %add3A_441 = arith.addf %add3A_427, %gather3A_440 : vector<16xf32>
        %xor3A_442 = arith.constant 1 : i32
        %xor3A_443 = vector.broadcast %xor3A_442 : i32 to vector<16xi32>
        %xor3A_444 = arith.xori %iota3A_260, %xor3A_443 : vector<16xi32>
        %lt3A_445 = arith.constant 0 : i32
        %lt3A_446 = vector.broadcast %lt3A_445 : i32 to vector<16xi32>
        %lt3A_447 = arith.cmpi slt, %xor3A_444, %lt3A_446 : vector<16xi32>
        %add3A_448 = arith.constant 16 : i32
        %add3A_449 = vector.broadcast %add3A_448 : i32 to vector<16xi32>
        %add3A_450 = arith.addi %xor3A_444, %add3A_449 : vector<16xi32>
        %select_n3A_451 = arith.select %lt3A_447, %add3A_450, %xor3A_444 : vector<16xi1>, vector<16xi32>
        %broadcast_in_dim3A_452 = vector.shape_cast %select_n3A_451 : vector<16xi32> to vector<16x1xi32>
        %gather3A_453 = vector.shape_cast %broadcast_in_dim3A_452 : vector<16x1xi32> to vector<16xi32>
        %gather3A_454 = tpu.dynamic_gather %add3A_441[%gather3A_453] in [0] : vector<16xf32>, vector<16xi32> -> vector<16xf32>
        %add3A_455 = arith.addf %add3A_441, %gather3A_454 : vector<16xf32>
        %bitcast_convert_type3A = tpu.bitcast %add3A_455 : vector<16xf32> -> vector<16xi32>
        %broadcast_in_dim3A_456 = arith.constant 1597463007 : i32
        %broadcast_in_dim3A_457 = vector.broadcast %broadcast_in_dim3A_456 : i32 to vector<16xi32>
        %shift_right_logical3A = arith.constant 1 : i32
        %shift_right_logical3A_458 = vector.broadcast %shift_right_logical3A : i32 to vector<16xi32>
        %shift_right_logical3A_459 = arith.shrui %bitcast_convert_type3A, %shift_right_logical3A_458 : vector<16xi32>
        %sub3A = arith.subi %broadcast_in_dim3A_457, %shift_right_logical3A_459 : vector<16xi32>
        %bitcast_convert_type3A_460 = tpu.bitcast %sub3A : vector<16xi32> -> vector<16xf32>
        %mul3A_461 = arith.constant 5.000000e-01 : f32
        %mul3A_462 = vector.broadcast %mul3A_461 : f32 to vector<16xf32>
        %mul3A_463 = arith.mulf %mul3A_462, %add3A_455 : vector<16xf32>
        %mul3A_464 = arith.mulf %mul3A_463, %bitcast_convert_type3A_460 : vector<16xf32>
        %mul3A_465 = arith.mulf %mul3A_464, %bitcast_convert_type3A_460 : vector<16xf32>
        %sub3A_466 = arith.constant 1.500000e+00 : f32
        %sub3A_467 = vector.broadcast %sub3A_466 : f32 to vector<16xf32>
        %sub3A_468 = arith.subf %sub3A_467, %mul3A_465 : vector<16xf32>
        %mul3A_469 = arith.mulf %bitcast_convert_type3A_460, %sub3A_468 : vector<16xf32>
        %mul3A_470 = arith.mulf %mul3A_463, %mul3A_469 : vector<16xf32>
        %mul3A_471 = arith.mulf %mul3A_470, %mul3A_469 : vector<16xf32>
        %sub3A_472 = arith.constant 1.500000e+00 : f32
        %sub3A_473 = vector.broadcast %sub3A_472 : f32 to vector<16xf32>
        %sub3A_474 = arith.subf %sub3A_473, %mul3A_471 : vector<16xf32>
        %mul3A_475 = arith.mulf %mul3A_469, %sub3A_474 : vector<16xf32>
        %mul3A_476 = arith.mulf %mul3A_463, %mul3A_475 : vector<16xf32>
        %mul3A_477 = arith.mulf %mul3A_476, %mul3A_475 : vector<16xf32>
        %sub3A_478 = arith.constant 1.500000e+00 : f32
        %sub3A_479 = vector.broadcast %sub3A_478 : f32 to vector<16xf32>
        %sub3A_480 = arith.subf %sub3A_479, %mul3A_477 : vector<16xf32>
        %mul3A_481 = arith.mulf %mul3A_475, %sub3A_480 : vector<16xf32>
        %mul3A_482 = arith.mulf %get3A_385, %mul3A_481 : vector<16xf32>
        %swap3A = arith.index_cast %add3A_382 : i32 to index
        %swap3A_483 = arith.constant 0 : index
        %swap3A_484 = tpu.vector_load %arg7[%swap3A, %swap3A_483] {strides = array<i32>} : memref<512x64xf32, #tpu.memory_space<vmem>>, vector<1x16xf32>,
        %swap3A_485 = vector.shape_cast %swap3A_484 : vector<1x16xf32> to vector<16xf32>
        %swap3A_486 = vector.shape_cast %mul3A_482 : vector<16xf32> to vector<1x16xf32>
        tpu.vector_store %arg7[%swap3A, %swap3A_483], %swap3A_486 {strides = array<i32>} : memref<512x64xf32, #tpu.memory_space<vmem>>, vector<1x16xf32>,
        %mul3A_487 = arith.mulf %get3A_389, %mul3A_481 : vector<16xf32>
        %swap3A_488 = arith.index_cast %add3A_382 : i32 to index
        %swap3A_489 = arith.constant 16 : index
        %swap3A_490 = tpu.vector_load %arg7[%swap3A_488, %swap3A_489] {strides = array<i32>} : memref<512x64xf32, #tpu.memory_space<vmem>>, vector<1x16xf32>,
        %swap3A_491 = vector.shape_cast %swap3A_490 : vector<1x16xf32> to vector<16xf32>
        %swap3A_492 = vector.shape_cast %mul3A_487 : vector<16xf32> to vector<1x16xf32>
        tpu.vector_store %arg7[%swap3A_488, %swap3A_489], %swap3A_492 {strides = array<i32>} : memref<512x64xf32, #tpu.memory_space<vmem>>, vector<1x16xf32>,
        %mul3A_493 = arith.mulf %get3A_393, %mul3A_481 : vector<16xf32>
        %swap3A_494 = arith.index_cast %add3A_382 : i32 to index
        %swap3A_495 = arith.constant 32 : index
        %swap3A_496 = tpu.vector_load %arg7[%swap3A_494, %swap3A_495] {strides = array<i32>} : memref<512x64xf32, #tpu.memory_space<vmem>>, vector<1x16xf32>,
        %swap3A_497 = vector.shape_cast %swap3A_496 : vector<1x16xf32> to vector<16xf32>
        %swap3A_498 = vector.shape_cast %mul3A_493 : vector<16xf32> to vector<1x16xf32>
        tpu.vector_store %arg7[%swap3A_494, %swap3A_495], %swap3A_498 {strides = array<i32>} : memref<512x64xf32, #tpu.memory_space<vmem>>, vector<1x16xf32>,
        %mul3A_499 = arith.mulf %get3A_397, %mul3A_481 : vector<16xf32>
        %swap3A_500 = arith.index_cast %add3A_382 : i32 to index
        %swap3A_501 = arith.constant 48 : index
        %swap3A_502 = tpu.vector_load %arg7[%swap3A_500, %swap3A_501] {strides = array<i32>} : memref<512x64xf32, #tpu.memory_space<vmem>>, vector<1x16xf32>,
        %swap3A_503 = vector.shape_cast %swap3A_502 : vector<1x16xf32> to vector<16xf32>
        %swap3A_504 = vector.shape_cast %mul3A_499 : vector<16xf32> to vector<1x16xf32>
        tpu.vector_store %arg7[%swap3A_500, %swap3A_501], %swap3A_504 {strides = array<i32>} : memref<512x64xf32, #tpu.memory_space<vmem>>, vector<1x16xf32>,
        %add3A_505 = arith.constant 1 : i32
        %add3A_506 = arith.addi %mul3A_380, %add3A_505 : i32
        %get3A_507 = arith.index_cast %add3A_506 : i32 to index
        %get3A_508 = arith.constant 0 : index
        %get3A_509 = tpu.vector_load %arg7[%get3A_507, %get3A_508] {strides = array<i32>} : memref<512x64xf32, #tpu.memory_space<vmem>>, vector<1x16xf32>,
        %get3A_510 = vector.shape_cast %get3A_509 : vector<1x16xf32> to vector<16xf32>
        %get3A_511 = arith.index_cast %add3A_506 : i32 to index
        %get3A_512 = arith.constant 16 : index
        %get3A_513 = tpu.vector_load %arg7[%get3A_511, %get3A_512] {strides = array<i32>} : memref<512x64xf32, #tpu.memory_space<vmem>>, vector<1x16xf32>,
        %get3A_514 = vector.shape_cast %get3A_513 : vector<1x16xf32> to vector<16xf32>
        %get3A_515 = arith.index_cast %add3A_506 : i32 to index
        %get3A_516 = arith.constant 32 : index
        %get3A_517 = tpu.vector_load %arg7[%get3A_515, %get3A_516] {strides = array<i32>} : memref<512x64xf32, #tpu.memory_space<vmem>>, vector<1x16xf32>,
        %get3A_518 = vector.shape_cast %get3A_517 : vector<1x16xf32> to vector<16xf32>
        %get3A_519 = arith.index_cast %add3A_506 : i32 to index
        %get3A_520 = arith.constant 48 : index
        %get3A_521 = tpu.vector_load %arg7[%get3A_519, %get3A_520] {strides = array<i32>} : memref<512x64xf32, #tpu.memory_space<vmem>>, vector<1x16xf32>,
        %get3A_522 = vector.shape_cast %get3A_521 : vector<1x16xf32> to vector<16xf32>
        %mul3A_523 = arith.mulf %get3A_510, %get3A_510 : vector<16xf32>
        %mul3A_524 = arith.mulf %get3A_514, %get3A_514 : vector<16xf32>
        %add3A_525 = arith.addf %mul3A_523, %mul3A_524 : vector<16xf32>
        %mul3A_526 = arith.mulf %get3A_518, %get3A_518 : vector<16xf32>
        %add3A_527 = arith.addf %add3A_525, %mul3A_526 : vector<16xf32>
        %mul3A_528 = arith.mulf %get3A_522, %get3A_522 : vector<16xf32>
        %add3A_529 = arith.addf %add3A_527, %mul3A_528 : vector<16xf32>
        %xor3A_530 = arith.constant 8 : i32
        %xor3A_531 = vector.broadcast %xor3A_530 : i32 to vector<16xi32>
        %xor3A_532 = arith.xori %iota3A_260, %xor3A_531 : vector<16xi32>
        %lt3A_533 = arith.constant 0 : i32
        %lt3A_534 = vector.broadcast %lt3A_533 : i32 to vector<16xi32>
        %lt3A_535 = arith.cmpi slt, %xor3A_532, %lt3A_534 : vector<16xi32>
        %add3A_536 = arith.constant 16 : i32
        %add3A_537 = vector.broadcast %add3A_536 : i32 to vector<16xi32>
        %add3A_538 = arith.addi %xor3A_532, %add3A_537 : vector<16xi32>
        %select_n3A_539 = arith.select %lt3A_535, %add3A_538, %xor3A_532 : vector<16xi1>, vector<16xi32>
        %broadcast_in_dim3A_540 = vector.shape_cast %select_n3A_539 : vector<16xi32> to vector<16x1xi32>
        %gather3A_541 = vector.shape_cast %broadcast_in_dim3A_540 : vector<16x1xi32> to vector<16xi32>
        %gather3A_542 = tpu.dynamic_gather %add3A_529[%gather3A_541] in [0] : vector<16xf32>, vector<16xi32> -> vector<16xf32>
        %add3A_543 = arith.addf %add3A_529, %gather3A_542 : vector<16xf32>
        %xor3A_544 = arith.constant 4 : i32
        %xor3A_545 = vector.broadcast %xor3A_544 : i32 to vector<16xi32>
        %xor3A_546 = arith.xori %iota3A_260, %xor3A_545 : vector<16xi32>
        %lt3A_547 = arith.constant 0 : i32
        %lt3A_548 = vector.broadcast %lt3A_547 : i32 to vector<16xi32>
        %lt3A_549 = arith.cmpi slt, %xor3A_546, %lt3A_548 : vector<16xi32>
        %add3A_550 = arith.constant 16 : i32
        %add3A_551 = vector.broadcast %add3A_550 : i32 to vector<16xi32>
        %add3A_552 = arith.addi %xor3A_546, %add3A_551 : vector<16xi32>
        %select_n3A_553 = arith.select %lt3A_549, %add3A_552, %xor3A_546 : vector<16xi1>, vector<16xi32>
        %broadcast_in_dim3A_554 = vector.shape_cast %select_n3A_553 : vector<16xi32> to vector<16x1xi32>
        %gather3A_555 = vector.shape_cast %broadcast_in_dim3A_554 : vector<16x1xi32> to vector<16xi32>
        %gather3A_556 = tpu.dynamic_gather %add3A_543[%gather3A_555] in [0] : vector<16xf32>, vector<16xi32> -> vector<16xf32>
        %add3A_557 = arith.addf %add3A_543, %gather3A_556 : vector<16xf32>
        %xor3A_558 = arith.constant 2 : i32
        %xor3A_559 = vector.broadcast %xor3A_558 : i32 to vector<16xi32>
        %xor3A_560 = arith.xori %iota3A_260, %xor3A_559 : vector<16xi32>
        %lt3A_561 = arith.constant 0 : i32
        %lt3A_562 = vector.broadcast %lt3A_561 : i32 to vector<16xi32>
        %lt3A_563 = arith.cmpi slt, %xor3A_560, %lt3A_562 : vector<16xi32>
        %add3A_564 = arith.constant 16 : i32
        %add3A_565 = vector.broadcast %add3A_564 : i32 to vector<16xi32>
        %add3A_566 = arith.addi %xor3A_560, %add3A_565 : vector<16xi32>
        %select_n3A_567 = arith.select %lt3A_563, %add3A_566, %xor3A_560 : vector<16xi1>, vector<16xi32>
        %broadcast_in_dim3A_568 = vector.shape_cast %select_n3A_567 : vector<16xi32> to vector<16x1xi32>
        %gather3A_569 = vector.shape_cast %broadcast_in_dim3A_568 : vector<16x1xi32> to vector<16xi32>
        %gather3A_570 = tpu.dynamic_gather %add3A_557[%gather3A_569] in [0] : vector<16xf32>, vector<16xi32> -> vector<16xf32>
        %add3A_571 = arith.addf %add3A_557, %gather3A_570 : vector<16xf32>
        %xor3A_572 = arith.constant 1 : i32
        %xor3A_573 = vector.broadcast %xor3A_572 : i32 to vector<16xi32>
        %xor3A_574 = arith.xori %iota3A_260, %xor3A_573 : vector<16xi32>
        %lt3A_575 = arith.constant 0 : i32
        %lt3A_576 = vector.broadcast %lt3A_575 : i32 to vector<16xi32>
        %lt3A_577 = arith.cmpi slt, %xor3A_574, %lt3A_576 : vector<16xi32>
        %add3A_578 = arith.constant 16 : i32
        %add3A_579 = vector.broadcast %add3A_578 : i32 to vector<16xi32>
        %add3A_580 = arith.addi %xor3A_574, %add3A_579 : vector<16xi32>
        %select_n3A_581 = arith.select %lt3A_577, %add3A_580, %xor3A_574 : vector<16xi1>, vector<16xi32>
        %broadcast_in_dim3A_582 = vector.shape_cast %select_n3A_581 : vector<16xi32> to vector<16x1xi32>
        %gather3A_583 = vector.shape_cast %broadcast_in_dim3A_582 : vector<16x1xi32> to vector<16xi32>
        %gather3A_584 = tpu.dynamic_gather %add3A_571[%gather3A_583] in [0] : vector<16xf32>, vector<16xi32> -> vector<16xf32>
        %add3A_585 = arith.addf %add3A_571, %gather3A_584 : vector<16xf32>
        %bitcast_convert_type3A_586 = tpu.bitcast %add3A_585 : vector<16xf32> -> vector<16xi32>
        %broadcast_in_dim3A_587 = arith.constant 1597463007 : i32
        %broadcast_in_dim3A_588 = vector.broadcast %broadcast_in_dim3A_587 : i32 to vector<16xi32>
        %shift_right_logical3A_589 = arith.constant 1 : i32
        %shift_right_logical3A_590 = vector.broadcast %shift_right_logical3A_589 : i32 to vector<16xi32>
        %shift_right_logical3A_591 = arith.shrui %bitcast_convert_type3A_586, %shift_right_logical3A_590 : vector<16xi32>
        %sub3A_592 = arith.subi %broadcast_in_dim3A_588, %shift_right_logical3A_591 : vector<16xi32>
        %bitcast_convert_type3A_593 = tpu.bitcast %sub3A_592 : vector<16xi32> -> vector<16xf32>
        %mul3A_594 = arith.constant 5.000000e-01 : f32
        %mul3A_595 = vector.broadcast %mul3A_594 : f32 to vector<16xf32>
        %mul3A_596 = arith.mulf %mul3A_595, %add3A_585 : vector<16xf32>
        %mul3A_597 = arith.mulf %mul3A_596, %bitcast_convert_type3A_593 : vector<16xf32>
        %mul3A_598 = arith.mulf %mul3A_597, %bitcast_convert_type3A_593 : vector<16xf32>
        %sub3A_599 = arith.constant 1.500000e+00 : f32
        %sub3A_600 = vector.broadcast %sub3A_599 : f32 to vector<16xf32>
        %sub3A_601 = arith.subf %sub3A_600, %mul3A_598 : vector<16xf32>
        %mul3A_602 = arith.mulf %bitcast_convert_type3A_593, %sub3A_601 : vector<16xf32>
        %mul3A_603 = arith.mulf %mul3A_596, %mul3A_602 : vector<16xf32>
        %mul3A_604 = arith.mulf %mul3A_603, %mul3A_602 : vector<16xf32>
        %sub3A_605 = arith.constant 1.500000e+00 : f32
        %sub3A_606 = vector.broadcast %sub3A_605 : f32 to vector<16xf32>
        %sub3A_607 = arith.subf %sub3A_606, %mul3A_604 : vector<16xf32>
        %mul3A_608 = arith.mulf %mul3A_602, %sub3A_607 : vector<16xf32>
        %mul3A_609 = arith.mulf %mul3A_596, %mul3A_608 : vector<16xf32>
        %mul3A_610 = arith.mulf %mul3A_609, %mul3A_608 : vector<16xf32>
        %sub3A_611 = arith.constant 1.500000e+00 : f32
        %sub3A_612 = vector.broadcast %sub3A_611 : f32 to vector<16xf32>
        %sub3A_613 = arith.subf %sub3A_612, %mul3A_610 : vector<16xf32>
        %mul3A_614 = arith.mulf %mul3A_608, %sub3A_613 : vector<16xf32>
        %mul3A_615 = arith.mulf %get3A_510, %mul3A_614 : vector<16xf32>
        %swap3A_616 = arith.index_cast %add3A_506 : i32 to index
        %swap3A_617 = arith.constant 0 : index
        %swap3A_618 = tpu.vector_load %arg7[%swap3A_616, %swap3A_617] {strides = array<i32>} : memref<512x64xf32, #tpu.memory_space<vmem>>, vector<1x16xf32>,
        %swap3A_619 = vector.shape_cast %swap3A_618 : vector<1x16xf32> to vector<16xf32>
        %swap3A_620 = vector.shape_cast %mul3A_615 : vector<16xf32> to vector<1x16xf32>
        tpu.vector_store %arg7[%swap3A_616, %swap3A_617], %swap3A_620 {strides = array<i32>} : memref<512x64xf32, #tpu.memory_space<vmem>>, vector<1x16xf32>,
        %mul3A_621 = arith.mulf %get3A_514, %mul3A_614 : vector<16xf32>
        %swap3A_622 = arith.index_cast %add3A_506 : i32 to index
        %swap3A_623 = arith.constant 16 : index
        %swap3A_624 = tpu.vector_load %arg7[%swap3A_622, %swap3A_623] {strides = array<i32>} : memref<512x64xf32, #tpu.memory_space<vmem>>, vector<1x16xf32>,
        %swap3A_625 = vector.shape_cast %swap3A_624 : vector<1x16xf32> to vector<16xf32>
        %swap3A_626 = vector.shape_cast %mul3A_621 : vector<16xf32> to vector<1x16xf32>
        tpu.vector_store %arg7[%swap3A_622, %swap3A_623], %swap3A_626 {strides = array<i32>} : memref<512x64xf32, #tpu.memory_space<vmem>>, vector<1x16xf32>,
        %mul3A_627 = arith.mulf %get3A_518, %mul3A_614 : vector<16xf32>
        %swap3A_628 = arith.index_cast %add3A_506 : i32 to index
        %swap3A_629 = arith.constant 32 : index
        %swap3A_630 = tpu.vector_load %arg7[%swap3A_628, %swap3A_629] {strides = array<i32>} : memref<512x64xf32, #tpu.memory_space<vmem>>, vector<1x16xf32>,
        %swap3A_631 = vector.shape_cast %swap3A_630 : vector<1x16xf32> to vector<16xf32>
        %swap3A_632 = vector.shape_cast %mul3A_627 : vector<16xf32> to vector<1x16xf32>
        tpu.vector_store %arg7[%swap3A_628, %swap3A_629], %swap3A_632 {strides = array<i32>} : memref<512x64xf32, #tpu.memory_space<vmem>>, vector<1x16xf32>,
        %mul3A_633 = arith.mulf %get3A_522, %mul3A_614 : vector<16xf32>
        %swap3A_634 = arith.index_cast %add3A_506 : i32 to index
        %swap3A_635 = arith.constant 48 : index
        %swap3A_636 = tpu.vector_load %arg7[%swap3A_634, %swap3A_635] {strides = array<i32>} : memref<512x64xf32, #tpu.memory_space<vmem>>, vector<1x16xf32>,
        %swap3A_637 = vector.shape_cast %swap3A_636 : vector<1x16xf32> to vector<16xf32>
        %swap3A_638 = vector.shape_cast %mul3A_633 : vector<16xf32> to vector<1x16xf32>
        tpu.vector_store %arg7[%swap3A_634, %swap3A_635], %swap3A_638 {strides = array<i32>} : memref<512x64xf32, #tpu.memory_space<vmem>>, vector<1x16xf32>,
        %add3A_639 = arith.constant 2 : i32
        %add3A_640 = arith.addi %mul3A_380, %add3A_639 : i32
        %get3A_641 = arith.index_cast %add3A_640 : i32 to index
        %get3A_642 = arith.constant 0 : index
        %get3A_643 = tpu.vector_load %arg7[%get3A_641, %get3A_642] {strides = array<i32>} : memref<512x64xf32, #tpu.memory_space<vmem>>, vector<1x16xf32>,
        %get3A_644 = vector.shape_cast %get3A_643 : vector<1x16xf32> to vector<16xf32>
        %get3A_645 = arith.index_cast %add3A_640 : i32 to index
        %get3A_646 = arith.constant 16 : index
        %get3A_647 = tpu.vector_load %arg7[%get3A_645, %get3A_646] {strides = array<i32>} : memref<512x64xf32, #tpu.memory_space<vmem>>, vector<1x16xf32>,
        %get3A_648 = vector.shape_cast %get3A_647 : vector<1x16xf32> to vector<16xf32>
        %get3A_649 = arith.index_cast %add3A_640 : i32 to index
        %get3A_650 = arith.constant 32 : index
        %get3A_651 = tpu.vector_load %arg7[%get3A_649, %get3A_650] {strides = array<i32>} : memref<512x64xf32, #tpu.memory_space<vmem>>, vector<1x16xf32>,
        %get3A_652 = vector.shape_cast %get3A_651 : vector<1x16xf32> to vector<16xf32>
        %get3A_653 = arith.index_cast %add3A_640 : i32 to index
        %get3A_654 = arith.constant 48 : index
        %get3A_655 = tpu.vector_load %arg7[%get3A_653, %get3A_654] {strides = array<i32>} : memref<512x64xf32, #tpu.memory_space<vmem>>, vector<1x16xf32>,
        %get3A_656 = vector.shape_cast %get3A_655 : vector<1x16xf32> to vector<16xf32>
        %mul3A_657 = arith.mulf %get3A_644, %get3A_644 : vector<16xf32>
        %mul3A_658 = arith.mulf %get3A_648, %get3A_648 : vector<16xf32>
        %add3A_659 = arith.addf %mul3A_657, %mul3A_658 : vector<16xf32>
        %mul3A_660 = arith.mulf %get3A_652, %get3A_652 : vector<16xf32>
        %add3A_661 = arith.addf %add3A_659, %mul3A_660 : vector<16xf32>
        %mul3A_662 = arith.mulf %get3A_656, %get3A_656 : vector<16xf32>
        %add3A_663 = arith.addf %add3A_661, %mul3A_662 : vector<16xf32>
        %xor3A_664 = arith.constant 8 : i32
        %xor3A_665 = vector.broadcast %xor3A_664 : i32 to vector<16xi32>
        %xor3A_666 = arith.xori %iota3A_260, %xor3A_665 : vector<16xi32>
        %lt3A_667 = arith.constant 0 : i32
        %lt3A_668 = vector.broadcast %lt3A_667 : i32 to vector<16xi32>
        %lt3A_669 = arith.cmpi slt, %xor3A_666, %lt3A_668 : vector<16xi32>
        %add3A_670 = arith.constant 16 : i32
        %add3A_671 = vector.broadcast %add3A_670 : i32 to vector<16xi32>
        %add3A_672 = arith.addi %xor3A_666, %add3A_671 : vector<16xi32>
        %select_n3A_673 = arith.select %lt3A_669, %add3A_672, %xor3A_666 : vector<16xi1>, vector<16xi32>
        %broadcast_in_dim3A_674 = vector.shape_cast %select_n3A_673 : vector<16xi32> to vector<16x1xi32>
        %gather3A_675 = vector.shape_cast %broadcast_in_dim3A_674 : vector<16x1xi32> to vector<16xi32>
        %gather3A_676 = tpu.dynamic_gather %add3A_663[%gather3A_675] in [0] : vector<16xf32>, vector<16xi32> -> vector<16xf32>
        %add3A_677 = arith.addf %add3A_663, %gather3A_676 : vector<16xf32>
        %xor3A_678 = arith.constant 4 : i32
        %xor3A_679 = vector.broadcast %xor3A_678 : i32 to vector<16xi32>
        %xor3A_680 = arith.xori %iota3A_260, %xor3A_679 : vector<16xi32>
        %lt3A_681 = arith.constant 0 : i32
        %lt3A_682 = vector.broadcast %lt3A_681 : i32 to vector<16xi32>
        %lt3A_683 = arith.cmpi slt, %xor3A_680, %lt3A_682 : vector<16xi32>
        %add3A_684 = arith.constant 16 : i32
        %add3A_685 = vector.broadcast %add3A_684 : i32 to vector<16xi32>
        %add3A_686 = arith.addi %xor3A_680, %add3A_685 : vector<16xi32>
        %select_n3A_687 = arith.select %lt3A_683, %add3A_686, %xor3A_680 : vector<16xi1>, vector<16xi32>
        %broadcast_in_dim3A_688 = vector.shape_cast %select_n3A_687 : vector<16xi32> to vector<16x1xi32>
        %gather3A_689 = vector.shape_cast %broadcast_in_dim3A_688 : vector<16x1xi32> to vector<16xi32>
        %gather3A_690 = tpu.dynamic_gather %add3A_677[%gather3A_689] in [0] : vector<16xf32>, vector<16xi32> -> vector<16xf32>
        %add3A_691 = arith.addf %add3A_677, %gather3A_690 : vector<16xf32>
        %xor3A_692 = arith.constant 2 : i32
        %xor3A_693 = vector.broadcast %xor3A_692 : i32 to vector<16xi32>
        %xor3A_694 = arith.xori %iota3A_260, %xor3A_693 : vector<16xi32>
        %lt3A_695 = arith.constant 0 : i32
        %lt3A_696 = vector.broadcast %lt3A_695 : i32 to vector<16xi32>
        %lt3A_697 = arith.cmpi slt, %xor3A_694, %lt3A_696 : vector<16xi32>
        %add3A_698 = arith.constant 16 : i32
        %add3A_699 = vector.broadcast %add3A_698 : i32 to vector<16xi32>
        %add3A_700 = arith.addi %xor3A_694, %add3A_699 : vector<16xi32>
        %select_n3A_701 = arith.select %lt3A_697, %add3A_700, %xor3A_694 : vector<16xi1>, vector<16xi32>
        %broadcast_in_dim3A_702 = vector.shape_cast %select_n3A_701 : vector<16xi32> to vector<16x1xi32>
        %gather3A_703 = vector.shape_cast %broadcast_in_dim3A_702 : vector<16x1xi32> to vector<16xi32>
        %gather3A_704 = tpu.dynamic_gather %add3A_691[%gather3A_703] in [0] : vector<16xf32>, vector<16xi32> -> vector<16xf32>
        %add3A_705 = arith.addf %add3A_691, %gather3A_704 : vector<16xf32>
        %xor3A_706 = arith.constant 1 : i32
        %xor3A_707 = vector.broadcast %xor3A_706 : i32 to vector<16xi32>
        %xor3A_708 = arith.xori %iota3A_260, %xor3A_707 : vector<16xi32>
        %lt3A_709 = arith.constant 0 : i32
        %lt3A_710 = vector.broadcast %lt3A_709 : i32 to vector<16xi32>
        %lt3A_711 = arith.cmpi slt, %xor3A_708, %lt3A_710 : vector<16xi32>
        %add3A_712 = arith.constant 16 : i32
        %add3A_713 = vector.broadcast %add3A_712 : i32 to vector<16xi32>
        %add3A_714 = arith.addi %xor3A_708, %add3A_713 : vector<16xi32>
        %select_n3A_715 = arith.select %lt3A_711, %add3A_714, %xor3A_708 : vector<16xi1>, vector<16xi32>
        %broadcast_in_dim3A_716 = vector.shape_cast %select_n3A_715 : vector<16xi32> to vector<16x1xi32>
        %gather3A_717 = vector.shape_cast %broadcast_in_dim3A_716 : vector<16x1xi32> to vector<16xi32>
        %gather3A_718 = tpu.dynamic_gather %add3A_705[%gather3A_717] in [0] : vector<16xf32>, vector<16xi32> -> vector<16xf32>
        %add3A_719 = arith.addf %add3A_705, %gather3A_718 : vector<16xf32>
        %bitcast_convert_type3A_720 = tpu.bitcast %add3A_719 : vector<16xf32> -> vector<16xi32>
        %broadcast_in_dim3A_721 = arith.constant 1597463007 : i32
        %broadcast_in_dim3A_722 = vector.broadcast %broadcast_in_dim3A_721 : i32 to vector<16xi32>
        %shift_right_logical3A_723 = arith.constant 1 : i32
        %shift_right_logical3A_724 = vector.broadcast %shift_right_logical3A_723 : i32 to vector<16xi32>
        %shift_right_logical3A_725 = arith.shrui %bitcast_convert_type3A_720, %shift_right_logical3A_724 : vector<16xi32>
        %sub3A_726 = arith.subi %broadcast_in_dim3A_722, %shift_right_logical3A_725 : vector<16xi32>
        %bitcast_convert_type3A_727 = tpu.bitcast %sub3A_726 : vector<16xi32> -> vector<16xf32>
        %mul3A_728 = arith.constant 5.000000e-01 : f32
        %mul3A_729 = vector.broadcast %mul3A_728 : f32 to vector<16xf32>
        %mul3A_730 = arith.mulf %mul3A_729, %add3A_719 : vector<16xf32>
        %mul3A_731 = arith.mulf %mul3A_730, %bitcast_convert_type3A_727 : vector<16xf32>
        %mul3A_732 = arith.mulf %mul3A_731, %bitcast_convert_type3A_727 : vector<16xf32>
        %sub3A_733 = arith.constant 1.500000e+00 : f32
        %sub3A_734 = vector.broadcast %sub3A_733 : f32 to vector<16xf32>
        %sub3A_735 = arith.subf %sub3A_734, %mul3A_732 : vector<16xf32>
        %mul3A_736 = arith.mulf %bitcast_convert_type3A_727, %sub3A_735 : vector<16xf32>
        %mul3A_737 = arith.mulf %mul3A_730, %mul3A_736 : vector<16xf32>
        %mul3A_738 = arith.mulf %mul3A_737, %mul3A_736 : vector<16xf32>
        %sub3A_739 = arith.constant 1.500000e+00 : f32
        %sub3A_740 = vector.broadcast %sub3A_739 : f32 to vector<16xf32>
        %sub3A_741 = arith.subf %sub3A_740, %mul3A_738 : vector<16xf32>
        %mul3A_742 = arith.mulf %mul3A_736, %sub3A_741 : vector<16xf32>
        %mul3A_743 = arith.mulf %mul3A_730, %mul3A_742 : vector<16xf32>
        %mul3A_744 = arith.mulf %mul3A_743, %mul3A_742 : vector<16xf32>
        %sub3A_745 = arith.constant 1.500000e+00 : f32
        %sub3A_746 = vector.broadcast %sub3A_745 : f32 to vector<16xf32>
        %sub3A_747 = arith.subf %sub3A_746, %mul3A_744 : vector<16xf32>
        %mul3A_748 = arith.mulf %mul3A_742, %sub3A_747 : vector<16xf32>
        %mul3A_749 = arith.mulf %get3A_644, %mul3A_748 : vector<16xf32>
        %swap3A_750 = arith.index_cast %add3A_640 : i32 to index
        %swap3A_751 = arith.constant 0 : index
        %swap3A_752 = tpu.vector_load %arg7[%swap3A_750, %swap3A_751] {strides = array<i32>} : memref<512x64xf32, #tpu.memory_space<vmem>>, vector<1x16xf32>,
        %swap3A_753 = vector.shape_cast %swap3A_752 : vector<1x16xf32> to vector<16xf32>
        %swap3A_754 = vector.shape_cast %mul3A_749 : vector<16xf32> to vector<1x16xf32>
        tpu.vector_store %arg7[%swap3A_750, %swap3A_751], %swap3A_754 {strides = array<i32>} : memref<512x64xf32, #tpu.memory_space<vmem>>, vector<1x16xf32>,
        %mul3A_755 = arith.mulf %get3A_648, %mul3A_748 : vector<16xf32>
        %swap3A_756 = arith.index_cast %add3A_640 : i32 to index
        %swap3A_757 = arith.constant 16 : index
        %swap3A_758 = tpu.vector_load %arg7[%swap3A_756, %swap3A_757] {strides = array<i32>} : memref<512x64xf32, #tpu.memory_space<vmem>>, vector<1x16xf32>,
        %swap3A_759 = vector.shape_cast %swap3A_758 : vector<1x16xf32> to vector<16xf32>
        %swap3A_760 = vector.shape_cast %mul3A_755 : vector<16xf32> to vector<1x16xf32>
        tpu.vector_store %arg7[%swap3A_756, %swap3A_757], %swap3A_760 {strides = array<i32>} : memref<512x64xf32, #tpu.memory_space<vmem>>, vector<1x16xf32>,
        %mul3A_761 = arith.mulf %get3A_652, %mul3A_748 : vector<16xf32>
        %swap3A_762 = arith.index_cast %add3A_640 : i32 to index
        %swap3A_763 = arith.constant 32 : index
        %swap3A_764 = tpu.vector_load %arg7[%swap3A_762, %swap3A_763] {strides = array<i32>} : memref<512x64xf32, #tpu.memory_space<vmem>>, vector<1x16xf32>,
        %swap3A_765 = vector.shape_cast %swap3A_764 : vector<1x16xf32> to vector<16xf32>
        %swap3A_766 = vector.shape_cast %mul3A_761 : vector<16xf32> to vector<1x16xf32>
        tpu.vector_store %arg7[%swap3A_762, %swap3A_763], %swap3A_766 {strides = array<i32>} : memref<512x64xf32, #tpu.memory_space<vmem>>, vector<1x16xf32>,
        %mul3A_767 = arith.mulf %get3A_656, %mul3A_748 : vector<16xf32>
        %swap3A_768 = arith.index_cast %add3A_640 : i32 to index
        %swap3A_769 = arith.constant 48 : index
        %swap3A_770 = tpu.vector_load %arg7[%swap3A_768, %swap3A_769] {strides = array<i32>} : memref<512x64xf32, #tpu.memory_space<vmem>>, vector<1x16xf32>,
        %swap3A_771 = vector.shape_cast %swap3A_770 : vector<1x16xf32> to vector<16xf32>
        %swap3A_772 = vector.shape_cast %mul3A_767 : vector<16xf32> to vector<1x16xf32>
        tpu.vector_store %arg7[%swap3A_768, %swap3A_769], %swap3A_772 {strides = array<i32>} : memref<512x64xf32, #tpu.memory_space<vmem>>, vector<1x16xf32>,
        %add3A_773 = arith.constant 3 : i32
        %add3A_774 = arith.addi %mul3A_380, %add3A_773 : i32
        %get3A_775 = arith.index_cast %add3A_774 : i32 to index
        %get3A_776 = arith.constant 0 : index
        %get3A_777 = tpu.vector_load %arg7[%get3A_775, %get3A_776] {strides = array<i32>} : memref<512x64xf32, #tpu.memory_space<vmem>>, vector<1x16xf32>,
        %get3A_778 = vector.shape_cast %get3A_777 : vector<1x16xf32> to vector<16xf32>
        %get3A_779 = arith.index_cast %add3A_774 : i32 to index
        %get3A_780 = arith.constant 16 : index
        %get3A_781 = tpu.vector_load %arg7[%get3A_779, %get3A_780] {strides = array<i32>} : memref<512x64xf32, #tpu.memory_space<vmem>>, vector<1x16xf32>,
        %get3A_782 = vector.shape_cast %get3A_781 : vector<1x16xf32> to vector<16xf32>
        %get3A_783 = arith.index_cast %add3A_774 : i32 to index
        %get3A_784 = arith.constant 32 : index
        %get3A_785 = tpu.vector_load %arg7[%get3A_783, %get3A_784] {strides = array<i32>} : memref<512x64xf32, #tpu.memory_space<vmem>>, vector<1x16xf32>,
        %get3A_786 = vector.shape_cast %get3A_785 : vector<1x16xf32> to vector<16xf32>
        %get3A_787 = arith.index_cast %add3A_774 : i32 to index
        %get3A_788 = arith.constant 48 : index
        %get3A_789 = tpu.vector_load %arg7[%get3A_787, %get3A_788] {strides = array<i32>} : memref<512x64xf32, #tpu.memory_space<vmem>>, vector<1x16xf32>,
        %get3A_790 = vector.shape_cast %get3A_789 : vector<1x16xf32> to vector<16xf32>
        %mul3A_791 = arith.mulf %get3A_778, %get3A_778 : vector<16xf32>
        %mul3A_792 = arith.mulf %get3A_782, %get3A_782 : vector<16xf32>
        %add3A_793 = arith.addf %mul3A_791, %mul3A_792 : vector<16xf32>
        %mul3A_794 = arith.mulf %get3A_786, %get3A_786 : vector<16xf32>
        %add3A_795 = arith.addf %add3A_793, %mul3A_794 : vector<16xf32>
        %mul3A_796 = arith.mulf %get3A_790, %get3A_790 : vector<16xf32>
        %add3A_797 = arith.addf %add3A_795, %mul3A_796 : vector<16xf32>
        %xor3A_798 = arith.constant 8 : i32
        %xor3A_799 = vector.broadcast %xor3A_798 : i32 to vector<16xi32>
        %xor3A_800 = arith.xori %iota3A_260, %xor3A_799 : vector<16xi32>
        %lt3A_801 = arith.constant 0 : i32
        %lt3A_802 = vector.broadcast %lt3A_801 : i32 to vector<16xi32>
        %lt3A_803 = arith.cmpi slt, %xor3A_800, %lt3A_802 : vector<16xi32>
        %add3A_804 = arith.constant 16 : i32
        %add3A_805 = vector.broadcast %add3A_804 : i32 to vector<16xi32>
        %add3A_806 = arith.addi %xor3A_800, %add3A_805 : vector<16xi32>
        %select_n3A_807 = arith.select %lt3A_803, %add3A_806, %xor3A_800 : vector<16xi1>, vector<16xi32>
        %broadcast_in_dim3A_808 = vector.shape_cast %select_n3A_807 : vector<16xi32> to vector<16x1xi32>
        %gather3A_809 = vector.shape_cast %broadcast_in_dim3A_808 : vector<16x1xi32> to vector<16xi32>
        %gather3A_810 = tpu.dynamic_gather %add3A_797[%gather3A_809] in [0] : vector<16xf32>, vector<16xi32> -> vector<16xf32>
        %add3A_811 = arith.addf %add3A_797, %gather3A_810 : vector<16xf32>
        %xor3A_812 = arith.constant 4 : i32
        %xor3A_813 = vector.broadcast %xor3A_812 : i32 to vector<16xi32>
        %xor3A_814 = arith.xori %iota3A_260, %xor3A_813 : vector<16xi32>
        %lt3A_815 = arith.constant 0 : i32
        %lt3A_816 = vector.broadcast %lt3A_815 : i32 to vector<16xi32>
        %lt3A_817 = arith.cmpi slt, %xor3A_814, %lt3A_816 : vector<16xi32>
        %add3A_818 = arith.constant 16 : i32
        %add3A_819 = vector.broadcast %add3A_818 : i32 to vector<16xi32>
        %add3A_820 = arith.addi %xor3A_814, %add3A_819 : vector<16xi32>
        %select_n3A_821 = arith.select %lt3A_817, %add3A_820, %xor3A_814 : vector<16xi1>, vector<16xi32>
        %broadcast_in_dim3A_822 = vector.shape_cast %select_n3A_821 : vector<16xi32> to vector<16x1xi32>
        %gather3A_823 = vector.shape_cast %broadcast_in_dim3A_822 : vector<16x1xi32> to vector<16xi32>
        %gather3A_824 = tpu.dynamic_gather %add3A_811[%gather3A_823] in [0] : vector<16xf32>, vector<16xi32> -> vector<16xf32>
        %add3A_825 = arith.addf %add3A_811, %gather3A_824 : vector<16xf32>
        %xor3A_826 = arith.constant 2 : i32
        %xor3A_827 = vector.broadcast %xor3A_826 : i32 to vector<16xi32>
        %xor3A_828 = arith.xori %iota3A_260, %xor3A_827 : vector<16xi32>
        %lt3A_829 = arith.constant 0 : i32
        %lt3A_830 = vector.broadcast %lt3A_829 : i32 to vector<16xi32>
        %lt3A_831 = arith.cmpi slt, %xor3A_828, %lt3A_830 : vector<16xi32>
        %add3A_832 = arith.constant 16 : i32
        %add3A_833 = vector.broadcast %add3A_832 : i32 to vector<16xi32>
        %add3A_834 = arith.addi %xor3A_828, %add3A_833 : vector<16xi32>
        %select_n3A_835 = arith.select %lt3A_831, %add3A_834, %xor3A_828 : vector<16xi1>, vector<16xi32>
        %broadcast_in_dim3A_836 = vector.shape_cast %select_n3A_835 : vector<16xi32> to vector<16x1xi32>
        %gather3A_837 = vector.shape_cast %broadcast_in_dim3A_836 : vector<16x1xi32> to vector<16xi32>
        %gather3A_838 = tpu.dynamic_gather %add3A_825[%gather3A_837] in [0] : vector<16xf32>, vector<16xi32> -> vector<16xf32>
        %add3A_839 = arith.addf %add3A_825, %gather3A_838 : vector<16xf32>
        %xor3A_840 = arith.constant 1 : i32
        %xor3A_841 = vector.broadcast %xor3A_840 : i32 to vector<16xi32>
        %xor3A_842 = arith.xori %iota3A_260, %xor3A_841 : vector<16xi32>
        %lt3A_843 = arith.constant 0 : i32
        %lt3A_844 = vector.broadcast %lt3A_843 : i32 to vector<16xi32>
        %lt3A_845 = arith.cmpi slt, %xor3A_842, %lt3A_844 : vector<16xi32>
        %add3A_846 = arith.constant 16 : i32
        %add3A_847 = vector.broadcast %add3A_846 : i32 to vector<16xi32>
        %add3A_848 = arith.addi %xor3A_842, %add3A_847 : vector<16xi32>
        %select_n3A_849 = arith.select %lt3A_845, %add3A_848, %xor3A_842 : vector<16xi1>, vector<16xi32>
        %broadcast_in_dim3A_850 = vector.shape_cast %select_n3A_849 : vector<16xi32> to vector<16x1xi32>
        %gather3A_851 = vector.shape_cast %broadcast_in_dim3A_850 : vector<16x1xi32> to vector<16xi32>
        %gather3A_852 = tpu.dynamic_gather %add3A_839[%gather3A_851] in [0] : vector<16xf32>, vector<16xi32> -> vector<16xf32>
        %add3A_853 = arith.addf %add3A_839, %gather3A_852 : vector<16xf32>
        %bitcast_convert_type3A_854 = tpu.bitcast %add3A_853 : vector<16xf32> -> vector<16xi32>
        %broadcast_in_dim3A_855 = arith.constant 1597463007 : i32
        %broadcast_in_dim3A_856 = vector.broadcast %broadcast_in_dim3A_855 : i32 to vector<16xi32>
        %shift_right_logical3A_857 = arith.constant 1 : i32
        %shift_right_logical3A_858 = vector.broadcast %shift_right_logical3A_857 : i32 to vector<16xi32>
        %shift_right_logical3A_859 = arith.shrui %bitcast_convert_type3A_854, %shift_right_logical3A_858 : vector<16xi32>
        %sub3A_860 = arith.subi %broadcast_in_dim3A_856, %shift_right_logical3A_859 : vector<16xi32>
        %bitcast_convert_type3A_861 = tpu.bitcast %sub3A_860 : vector<16xi32> -> vector<16xf32>
        %mul3A_862 = arith.constant 5.000000e-01 : f32
        %mul3A_863 = vector.broadcast %mul3A_862 : f32 to vector<16xf32>
        %mul3A_864 = arith.mulf %mul3A_863, %add3A_853 : vector<16xf32>
        %mul3A_865 = arith.mulf %mul3A_864, %bitcast_convert_type3A_861 : vector<16xf32>
        %mul3A_866 = arith.mulf %mul3A_865, %bitcast_convert_type3A_861 : vector<16xf32>
        %sub3A_867 = arith.constant 1.500000e+00 : f32
        %sub3A_868 = vector.broadcast %sub3A_867 : f32 to vector<16xf32>
        %sub3A_869 = arith.subf %sub3A_868, %mul3A_866 : vector<16xf32>
        %mul3A_870 = arith.mulf %bitcast_convert_type3A_861, %sub3A_869 : vector<16xf32>
        %mul3A_871 = arith.mulf %mul3A_864, %mul3A_870 : vector<16xf32>
        %mul3A_872 = arith.mulf %mul3A_871, %mul3A_870 : vector<16xf32>
        %sub3A_873 = arith.constant 1.500000e+00 : f32
        %sub3A_874 = vector.broadcast %sub3A_873 : f32 to vector<16xf32>
        %sub3A_875 = arith.subf %sub3A_874, %mul3A_872 : vector<16xf32>
        %mul3A_876 = arith.mulf %mul3A_870, %sub3A_875 : vector<16xf32>
        %mul3A_877 = arith.mulf %mul3A_864, %mul3A_876 : vector<16xf32>
        %mul3A_878 = arith.mulf %mul3A_877, %mul3A_876 : vector<16xf32>
        %sub3A_879 = arith.constant 1.500000e+00 : f32
        %sub3A_880 = vector.broadcast %sub3A_879 : f32 to vector<16xf32>
        %sub3A_881 = arith.subf %sub3A_880, %mul3A_878 : vector<16xf32>
        %mul3A_882 = arith.mulf %mul3A_876, %sub3A_881 : vector<16xf32>
        %mul3A_883 = arith.mulf %get3A_778, %mul3A_882 : vector<16xf32>
        %swap3A_884 = arith.index_cast %add3A_774 : i32 to index
        %swap3A_885 = arith.constant 0 : index
        %swap3A_886 = tpu.vector_load %arg7[%swap3A_884, %swap3A_885] {strides = array<i32>} : memref<512x64xf32, #tpu.memory_space<vmem>>, vector<1x16xf32>,
        %swap3A_887 = vector.shape_cast %swap3A_886 : vector<1x16xf32> to vector<16xf32>
        %swap3A_888 = vector.shape_cast %mul3A_883 : vector<16xf32> to vector<1x16xf32>
        tpu.vector_store %arg7[%swap3A_884, %swap3A_885], %swap3A_888 {strides = array<i32>} : memref<512x64xf32, #tpu.memory_space<vmem>>, vector<1x16xf32>,
        %mul3A_889 = arith.mulf %get3A_782, %mul3A_882 : vector<16xf32>
        %swap3A_890 = arith.index_cast %add3A_774 : i32 to index
        %swap3A_891 = arith.constant 16 : index
        %swap3A_892 = tpu.vector_load %arg7[%swap3A_890, %swap3A_891] {strides = array<i32>} : memref<512x64xf32, #tpu.memory_space<vmem>>, vector<1x16xf32>,
        %swap3A_893 = vector.shape_cast %swap3A_892 : vector<1x16xf32> to vector<16xf32>
        %swap3A_894 = vector.shape_cast %mul3A_889 : vector<16xf32> to vector<1x16xf32>
        tpu.vector_store %arg7[%swap3A_890, %swap3A_891], %swap3A_894 {strides = array<i32>} : memref<512x64xf32, #tpu.memory_space<vmem>>, vector<1x16xf32>,
        %mul3A_895 = arith.mulf %get3A_786, %mul3A_882 : vector<16xf32>
        %swap3A_896 = arith.index_cast %add3A_774 : i32 to index
        %swap3A_897 = arith.constant 32 : index
        %swap3A_898 = tpu.vector_load %arg7[%swap3A_896, %swap3A_897] {strides = array<i32>} : memref<512x64xf32, #tpu.memory_space<vmem>>, vector<1x16xf32>,
        %swap3A_899 = vector.shape_cast %swap3A_898 : vector<1x16xf32> to vector<16xf32>
        %swap3A_900 = vector.shape_cast %mul3A_895 : vector<16xf32> to vector<1x16xf32>
        tpu.vector_store %arg7[%swap3A_896, %swap3A_897], %swap3A_900 {strides = array<i32>} : memref<512x64xf32, #tpu.memory_space<vmem>>, vector<1x16xf32>,
        %mul3A_901 = arith.mulf %get3A_790, %mul3A_882 : vector<16xf32>
        %swap3A_902 = arith.index_cast %add3A_774 : i32 to index
        %swap3A_903 = arith.constant 48 : index
        %swap3A_904 = tpu.vector_load %arg7[%swap3A_902, %swap3A_903] {strides = array<i32>} : memref<512x64xf32, #tpu.memory_space<vmem>>, vector<1x16xf32>,
        %swap3A_905 = vector.shape_cast %swap3A_904 : vector<1x16xf32> to vector<16xf32>
        %swap3A_906 = vector.shape_cast %mul3A_901 : vector<16xf32> to vector<1x16xf32>
        tpu.vector_store %arg7[%swap3A_902, %swap3A_903], %swap3A_906 {strides = array<i32>} : memref<512x64xf32, #tpu.memory_space<vmem>>, vector<1x16xf32>,
      }
      %scan3A_266 = arith.constant 128 : i32
      %mul3A_267 = arith.constant 512 : i32
      %mul3A_268 = arith.muli %add3A_175, %mul3A_267 : i32
      %add3A_269 = arith.addi %mul3A_2, %mul3A_268 : i32
      %dma_start3A_270 = arith.constant 0 : i32
      %dma_start3A_271 = tpu.memref_slice %arg4[%add3A_269, %dma_start3A_270] : memref<819200x64xf32, #tpu.memory_space<hbm>> -> memref<512x64xf32, #tpu.memory_space<hbm>>
      %dma_start3A_272 = arith.constant 0 : i32
      %dma_start3A_273 = tpu.memref_slice %arg4[%add3A_269, %dma_start3A_272] : memref<819200x64xf32, #tpu.memory_space<hbm>> -> memref<512x64xf32, #tpu.memory_space<hbm>>
      tpu.enqueue_dma source(%arg7 : memref<512x64xf32, #tpu.memory_space<vmem>>) target(%dma_start3A_273 : memref<512x64xf32, #tpu.memory_space<hbm>>) target_semaphore(%arg11 : memref<!tpu.dma_semaphore, #tpu.memory_space<semaphore_mem>>)
      %mul3A_274 = arith.constant 2 : i32
      %mul3A_275 = arith.muli %mul3A_274, %scan3A_169 : i32
      %add3A_276 = arith.constant 1 : i32
      %add3A_277 = arith.addi %add3A_276, %mul3A_275 : i32
      %add3A_278 = arith.constant 1 : i32
      %add3A_279 = arith.addi %add3A_277, %add3A_278 : i32
      %dma_wait3A_280 = arith.constant 0 : i32
      %dma_wait3A_281 = arith.constant 0 : i32
      %dma_wait3A_282 = tpu.memref_slice %arg4[%dma_wait3A_280, %dma_wait3A_281] : memref<819200x64xf32, #tpu.memory_space<hbm>> -> memref<512x64xf32, #tpu.memory_space<hbm>>
      %dma_wait3A_283 = arith.constant 0 : i32
      %dma_wait3A_284 = arith.constant 0 : i32
      %dma_wait3A_285 = tpu.memref_slice %arg4[%dma_wait3A_283, %dma_wait3A_284] : memref<819200x64xf32, #tpu.memory_space<hbm>> -> memref<512x64xf32, #tpu.memory_space<hbm>>
      tpu.wait_dma2 semaphore(%arg11 : memref<!tpu.dma_semaphore, #tpu.memory_space<semaphore_mem>>) src(%arg7 : memref<512x64xf32, #tpu.memory_space<vmem>>) dst(%dma_wait3A_285 : memref<512x64xf32, #tpu.memory_space<hbm>>)
      %add3A_286 = arith.constant 1 : i32
      %add3A_287 = arith.addi %add3A_279, %add3A_286 : i32
      %mul3A_288 = arith.constant 512 : i32
      %mul3A_289 = arith.muli %add3A_287, %mul3A_288 : i32
      %add3A_290 = arith.constant 0 : i32
      %add3A_291 = arith.addi %mul3A_289, %add3A_290 : i32
      %dma_start3A_292 = arith.constant 0 : i32
      %dma_start3A_293 = arith.constant 0 : i32
      %dma_start3A_294 = tpu.memref_slice %arg7[%dma_start3A_292, %dma_start3A_293] : memref<512x64xf32, #tpu.memory_space<vmem>> -> memref<128x64xf32, #tpu.memory_space<vmem>>
      %dma_start3A_295 = tpu.memref_slice %arg5[%add3A_291] : memref<25600xi32, #tpu.memory_space<vmem>> -> memref<128xi32, #tpu.memory_space<vmem>>
      %dma_start3A_296 = arith.constant 0 : i32
      %dma_start3A_297 = arith.constant 0 : i32
      %dma_start3A_298 = tpu.memref_slice %arg3[%dma_start3A_296, %dma_start3A_297] : memref<1000000x64xf32, #tpu.memory_space<hbm>> -> memref<1000000x64xf32, #tpu.memory_space<hbm>>
      tpu.enqueue_indirect_dma source(%dma_start3A_298 : memref<1000000x64xf32, #tpu.memory_space<hbm>>) target(%dma_start3A_294 : memref<128x64xf32, #tpu.memory_space<vmem>>) offsets(%dma_start3A_295 : memref<128xi32, #tpu.memory_space<vmem>>) semaphore(%arg9 : memref<!tpu.dma_semaphore, #tpu.memory_space<semaphore_mem>>)
      %mul3A_299 = arith.constant 512 : i32
      %mul3A_300 = arith.muli %add3A_287, %mul3A_299 : i32
      %add3A_301 = arith.constant 128 : i32
      %add3A_302 = arith.addi %mul3A_300, %add3A_301 : i32
      %dma_start3A_303 = arith.constant 128 : i32
      %dma_start3A_304 = arith.constant 0 : i32
      %dma_start3A_305 = tpu.memref_slice %arg7[%dma_start3A_303, %dma_start3A_304] : memref<512x64xf32, #tpu.memory_space<vmem>> -> memref<128x64xf32, #tpu.memory_space<vmem>>
      %dma_start3A_306 = tpu.memref_slice %arg5[%add3A_302] : memref<25600xi32, #tpu.memory_space<vmem>> -> memref<128xi32, #tpu.memory_space<vmem>>
      %dma_start3A_307 = arith.constant 0 : i32
      %dma_start3A_308 = arith.constant 0 : i32
      %dma_start3A_309 = tpu.memref_slice %arg3[%dma_start3A_307, %dma_start3A_308] : memref<1000000x64xf32, #tpu.memory_space<hbm>> -> memref<1000000x64xf32, #tpu.memory_space<hbm>>
      tpu.enqueue_indirect_dma source(%dma_start3A_309 : memref<1000000x64xf32, #tpu.memory_space<hbm>>) target(%dma_start3A_305 : memref<128x64xf32, #tpu.memory_space<vmem>>) offsets(%dma_start3A_306 : memref<128xi32, #tpu.memory_space<vmem>>) semaphore(%arg9 : memref<!tpu.dma_semaphore, #tpu.memory_space<semaphore_mem>>)
      %mul3A_310 = arith.constant 512 : i32
      %mul3A_311 = arith.muli %add3A_287, %mul3A_310 : i32
      %add3A_312 = arith.constant 256 : i32
      %add3A_313 = arith.addi %mul3A_311, %add3A_312 : i32
      %dma_start3A_314 = arith.constant 256 : i32
      %dma_start3A_315 = arith.constant 0 : i32
      %dma_start3A_316 = tpu.memref_slice %arg7[%dma_start3A_314, %dma_start3A_315] : memref<512x64xf32, #tpu.memory_space<vmem>> -> memref<128x64xf32, #tpu.memory_space<vmem>>
      %dma_start3A_317 = tpu.memref_slice %arg5[%add3A_313] : memref<25600xi32, #tpu.memory_space<vmem>> -> memref<128xi32, #tpu.memory_space<vmem>>
      %dma_start3A_318 = arith.constant 0 : i32
      %dma_start3A_319 = arith.constant 0 : i32
      %dma_start3A_320 = tpu.memref_slice %arg3[%dma_start3A_318, %dma_start3A_319] : memref<1000000x64xf32, #tpu.memory_space<hbm>> -> memref<1000000x64xf32, #tpu.memory_space<hbm>>
      tpu.enqueue_indirect_dma source(%dma_start3A_320 : memref<1000000x64xf32, #tpu.memory_space<hbm>>) target(%dma_start3A_316 : memref<128x64xf32, #tpu.memory_space<vmem>>) offsets(%dma_start3A_317 : memref<128xi32, #tpu.memory_space<vmem>>) semaphore(%arg9 : memref<!tpu.dma_semaphore, #tpu.memory_space<semaphore_mem>>)
      %mul3A_321 = arith.constant 512 : i32
      %mul3A_322 = arith.muli %add3A_287, %mul3A_321 : i32
      %add3A_323 = arith.constant 384 : i32
      %add3A_324 = arith.addi %mul3A_322, %add3A_323 : i32
      %dma_start3A_325 = arith.constant 384 : i32
      %dma_start3A_326 = arith.constant 0 : i32
      %dma_start3A_327 = tpu.memref_slice %arg7[%dma_start3A_325, %dma_start3A_326] : memref<512x64xf32, #tpu.memory_space<vmem>> -> memref<128x64xf32, #tpu.memory_space<vmem>>
      %dma_start3A_328 = tpu.memref_slice %arg5[%add3A_324] : memref<25600xi32, #tpu.memory_space<vmem>> -> memref<128xi32, #tpu.memory_space<vmem>>
      %dma_start3A_329 = arith.constant 0 : i32
      %dma_start3A_330 = arith.constant 0 : i32
      %dma_start3A_331 = tpu.memref_slice %arg3[%dma_start3A_329, %dma_start3A_330] : memref<1000000x64xf32, #tpu.memory_space<hbm>> -> memref<1000000x64xf32, #tpu.memory_space<hbm>>
      tpu.enqueue_indirect_dma source(%dma_start3A_331 : memref<1000000x64xf32, #tpu.memory_space<hbm>>) target(%dma_start3A_327 : memref<128x64xf32, #tpu.memory_space<vmem>>) offsets(%dma_start3A_328 : memref<128xi32, #tpu.memory_space<vmem>>) semaphore(%arg9 : memref<!tpu.dma_semaphore, #tpu.memory_space<semaphore_mem>>)
      %dma_wait3A_332 = arith.constant 0 : i32
      %dma_wait3A_333 = arith.constant 0 : i32
      %dma_wait3A_334 = tpu.memref_slice %arg6[%dma_wait3A_332, %dma_wait3A_333] : memref<512x64xf32, #tpu.memory_space<vmem>> -> memref<128x64xf32, #tpu.memory_space<vmem>>
      %dma_wait3A_335 = arith.constant 0 : i32
      %dma_wait3A_336 = tpu.memref_slice %arg5[%dma_wait3A_335] : memref<25600xi32, #tpu.memory_space<vmem>> -> memref<128xi32, #tpu.memory_space<vmem>>
      %dma_wait3A_337 = arith.constant 0 : i32
      %dma_wait3A_338 = arith.constant 0 : i32
      %dma_wait3A_339 = tpu.memref_slice %arg3[%dma_wait3A_337, %dma_wait3A_338] : memref<1000000x64xf32, #tpu.memory_space<hbm>> -> memref<1000000x64xf32, #tpu.memory_space<hbm>>
      tpu.wait_indirect_dma semaphore(%arg8 : memref<!tpu.dma_semaphore, #tpu.memory_space<semaphore_mem>>) src(%dma_wait3A_339 : memref<1000000x64xf32, #tpu.memory_space<hbm>>) dst(%dma_wait3A_334 : memref<128x64xf32, #tpu.memory_space<vmem>>)
      %dma_wait3A_340 = arith.constant 128 : i32
      %dma_wait3A_341 = arith.constant 0 : i32
      %dma_wait3A_342 = tpu.memref_slice %arg6[%dma_wait3A_340, %dma_wait3A_341] : memref<512x64xf32, #tpu.memory_space<vmem>> -> memref<128x64xf32, #tpu.memory_space<vmem>>
      %dma_wait3A_343 = arith.constant 128 : i32
      %dma_wait3A_344 = tpu.memref_slice %arg5[%dma_wait3A_343] : memref<25600xi32, #tpu.memory_space<vmem>> -> memref<128xi32, #tpu.memory_space<vmem>>
      %dma_wait3A_345 = arith.constant 0 : i32
      %dma_wait3A_346 = arith.constant 0 : i32
      %dma_wait3A_347 = tpu.memref_slice %arg3[%dma_wait3A_345, %dma_wait3A_346] : memref<1000000x64xf32, #tpu.memory_space<hbm>> -> memref<1000000x64xf32, #tpu.memory_space<hbm>>
      tpu.wait_indirect_dma semaphore(%arg8 : memref<!tpu.dma_semaphore, #tpu.memory_space<semaphore_mem>>) src(%dma_wait3A_347 : memref<1000000x64xf32, #tpu.memory_space<hbm>>) dst(%dma_wait3A_342 : memref<128x64xf32, #tpu.memory_space<vmem>>)
      %dma_wait3A_348 = arith.constant 256 : i32
      %dma_wait3A_349 = arith.constant 0 : i32
      %dma_wait3A_350 = tpu.memref_slice %arg6[%dma_wait3A_348, %dma_wait3A_349] : memref<512x64xf32, #tpu.memory_space<vmem>> -> memref<128x64xf32, #tpu.memory_space<vmem>>
      %dma_wait3A_351 = arith.constant 256 : i32
      %dma_wait3A_352 = tpu.memref_slice %arg5[%dma_wait3A_351] : memref<25600xi32, #tpu.memory_space<vmem>> -> memref<128xi32, #tpu.memory_space<vmem>>
      %dma_wait3A_353 = arith.constant 0 : i32
      %dma_wait3A_354 = arith.constant 0 : i32
      %dma_wait3A_355 = tpu.memref_slice %arg3[%dma_wait3A_353, %dma_wait3A_354] : memref<1000000x64xf32, #tpu.memory_space<hbm>> -> memref<1000000x64xf32, #tpu.memory_space<hbm>>
      tpu.wait_indirect_dma semaphore(%arg8 : memref<!tpu.dma_semaphore, #tpu.memory_space<semaphore_mem>>) src(%dma_wait3A_355 : memref<1000000x64xf32, #tpu.memory_space<hbm>>) dst(%dma_wait3A_350 : memref<128x64xf32, #tpu.memory_space<vmem>>)
      %dma_wait3A_356 = arith.constant 384 : i32
      %dma_wait3A_357 = arith.constant 0 : i32
      %dma_wait3A_358 = tpu.memref_slice %arg6[%dma_wait3A_356, %dma_wait3A_357] : memref<512x64xf32, #tpu.memory_space<vmem>> -> memref<128x64xf32, #tpu.memory_space<vmem>>
      %dma_wait3A_359 = arith.constant 384 : i32
      %dma_wait3A_360 = tpu.memref_slice %arg5[%dma_wait3A_359] : memref<25600xi32, #tpu.memory_space<vmem>> -> memref<128xi32, #tpu.memory_space<vmem>>
      %dma_wait3A_361 = arith.constant 0 : i32
      %dma_wait3A_362 = arith.constant 0 : i32
      %dma_wait3A_363 = tpu.memref_slice %arg3[%dma_wait3A_361, %dma_wait3A_362] : memref<1000000x64xf32, #tpu.memory_space<hbm>> -> memref<1000000x64xf32, #tpu.memory_space<hbm>>
      tpu.wait_indirect_dma semaphore(%arg8 : memref<!tpu.dma_semaphore, #tpu.memory_space<semaphore_mem>>) src(%dma_wait3A_363 : memref<1000000x64xf32, #tpu.memory_space<hbm>>) dst(%dma_wait3A_358 : memref<128x64xf32, #tpu.memory_space<vmem>>)
      %iota3A_364 = tpu.iota {dimensions = array<i32: 0>} : vector<16xi32>
      %scan3A_365 = arith.constant 0 : i32
      %scan3A_366 = arith.constant 0 : i32
      %scan3A_367 = arith.constant 128 : i32
      %scan3A_368 = arith.addi %scan3A_366, %scan3A_367 : i32
      %scan3A_369 = arith.constant 1 : i32
      scf.for %scan3A_378 = %scan3A_366 to %scan3A_368 step %scan3A_369  : i32 {
        %mul3A_379 = arith.constant 4 : i32
        %mul3A_380 = arith.muli %scan3A_378, %mul3A_379 : i32
        %add3A_381 = arith.constant 0 : i32
        %add3A_382 = arith.addi %mul3A_380, %add3A_381 : i32
        %get3A = arith.index_cast %add3A_382 : i32 to index
        %get3A_383 = arith.constant 0 : index
        %get3A_384 = tpu.vector_load %arg6[%get3A, %get3A_383] {strides = array<i32>} : memref<512x64xf32, #tpu.memory_space<vmem>>, vector<1x16xf32>,
        %get3A_385 = vector.shape_cast %get3A_384 : vector<1x16xf32> to vector<16xf32>
        %get3A_386 = arith.index_cast %add3A_382 : i32 to index
        %get3A_387 = arith.constant 16 : index
        %get3A_388 = tpu.vector_load %arg6[%get3A_386, %get3A_387] {strides = array<i32>} : memref<512x64xf32, #tpu.memory_space<vmem>>, vector<1x16xf32>,
        %get3A_389 = vector.shape_cast %get3A_388 : vector<1x16xf32> to vector<16xf32>
        %get3A_390 = arith.index_cast %add3A_382 : i32 to index
        %get3A_391 = arith.constant 32 : index
        %get3A_392 = tpu.vector_load %arg6[%get3A_390, %get3A_391] {strides = array<i32>} : memref<512x64xf32, #tpu.memory_space<vmem>>, vector<1x16xf32>,
        %get3A_393 = vector.shape_cast %get3A_392 : vector<1x16xf32> to vector<16xf32>
        %get3A_394 = arith.index_cast %add3A_382 : i32 to index
        %get3A_395 = arith.constant 48 : index
        %get3A_396 = tpu.vector_load %arg6[%get3A_394, %get3A_395] {strides = array<i32>} : memref<512x64xf32, #tpu.memory_space<vmem>>, vector<1x16xf32>,
        %get3A_397 = vector.shape_cast %get3A_396 : vector<1x16xf32> to vector<16xf32>
        %mul3A_398 = arith.mulf %get3A_385, %get3A_385 : vector<16xf32>
        %mul3A_399 = arith.mulf %get3A_389, %get3A_389 : vector<16xf32>
        %add3A_400 = arith.addf %mul3A_398, %mul3A_399 : vector<16xf32>
        %mul3A_401 = arith.mulf %get3A_393, %get3A_393 : vector<16xf32>
        %add3A_402 = arith.addf %add3A_400, %mul3A_401 : vector<16xf32>
        %mul3A_403 = arith.mulf %get3A_397, %get3A_397 : vector<16xf32>
        %add3A_404 = arith.addf %add3A_402, %mul3A_403 : vector<16xf32>
        %xor3A = arith.constant 8 : i32
        %xor3A_405 = vector.broadcast %xor3A : i32 to vector<16xi32>
        %xor3A_406 = arith.xori %iota3A_364, %xor3A_405 : vector<16xi32>
        %lt3A = arith.constant 0 : i32
        %lt3A_407 = vector.broadcast %lt3A : i32 to vector<16xi32>
        %lt3A_408 = arith.cmpi slt, %xor3A_406, %lt3A_407 : vector<16xi32>
        %add3A_409 = arith.constant 16 : i32
        %add3A_410 = vector.broadcast %add3A_409 : i32 to vector<16xi32>
        %add3A_411 = arith.addi %xor3A_406, %add3A_410 : vector<16xi32>
        %select_n3A = arith.select %lt3A_408, %add3A_411, %xor3A_406 : vector<16xi1>, vector<16xi32>
        %broadcast_in_dim3A = vector.shape_cast %select_n3A : vector<16xi32> to vector<16x1xi32>
        %gather3A = vector.shape_cast %broadcast_in_dim3A : vector<16x1xi32> to vector<16xi32>
        %gather3A_412 = tpu.dynamic_gather %add3A_404[%gather3A] in [0] : vector<16xf32>, vector<16xi32> -> vector<16xf32>
        %add3A_413 = arith.addf %add3A_404, %gather3A_412 : vector<16xf32>
        %xor3A_414 = arith.constant 4 : i32
        %xor3A_415 = vector.broadcast %xor3A_414 : i32 to vector<16xi32>
        %xor3A_416 = arith.xori %iota3A_364, %xor3A_415 : vector<16xi32>
        %lt3A_417 = arith.constant 0 : i32
        %lt3A_418 = vector.broadcast %lt3A_417 : i32 to vector<16xi32>
        %lt3A_419 = arith.cmpi slt, %xor3A_416, %lt3A_418 : vector<16xi32>
        %add3A_420 = arith.constant 16 : i32
        %add3A_421 = vector.broadcast %add3A_420 : i32 to vector<16xi32>
        %add3A_422 = arith.addi %xor3A_416, %add3A_421 : vector<16xi32>
        %select_n3A_423 = arith.select %lt3A_419, %add3A_422, %xor3A_416 : vector<16xi1>, vector<16xi32>
        %broadcast_in_dim3A_424 = vector.shape_cast %select_n3A_423 : vector<16xi32> to vector<16x1xi32>
        %gather3A_425 = vector.shape_cast %broadcast_in_dim3A_424 : vector<16x1xi32> to vector<16xi32>
        %gather3A_426 = tpu.dynamic_gather %add3A_413[%gather3A_425] in [0] : vector<16xf32>, vector<16xi32> -> vector<16xf32>
        %add3A_427 = arith.addf %add3A_413, %gather3A_426 : vector<16xf32>
        %xor3A_428 = arith.constant 2 : i32
        %xor3A_429 = vector.broadcast %xor3A_428 : i32 to vector<16xi32>
        %xor3A_430 = arith.xori %iota3A_364, %xor3A_429 : vector<16xi32>
        %lt3A_431 = arith.constant 0 : i32
        %lt3A_432 = vector.broadcast %lt3A_431 : i32 to vector<16xi32>
        %lt3A_433 = arith.cmpi slt, %xor3A_430, %lt3A_432 : vector<16xi32>
        %add3A_434 = arith.constant 16 : i32
        %add3A_435 = vector.broadcast %add3A_434 : i32 to vector<16xi32>
        %add3A_436 = arith.addi %xor3A_430, %add3A_435 : vector<16xi32>
        %select_n3A_437 = arith.select %lt3A_433, %add3A_436, %xor3A_430 : vector<16xi1>, vector<16xi32>
        %broadcast_in_dim3A_438 = vector.shape_cast %select_n3A_437 : vector<16xi32> to vector<16x1xi32>
        %gather3A_439 = vector.shape_cast %broadcast_in_dim3A_438 : vector<16x1xi32> to vector<16xi32>
        %gather3A_440 = tpu.dynamic_gather %add3A_427[%gather3A_439] in [0] : vector<16xf32>, vector<16xi32> -> vector<16xf32>
        %add3A_441 = arith.addf %add3A_427, %gather3A_440 : vector<16xf32>
        %xor3A_442 = arith.constant 1 : i32
        %xor3A_443 = vector.broadcast %xor3A_442 : i32 to vector<16xi32>
        %xor3A_444 = arith.xori %iota3A_364, %xor3A_443 : vector<16xi32>
        %lt3A_445 = arith.constant 0 : i32
        %lt3A_446 = vector.broadcast %lt3A_445 : i32 to vector<16xi32>
        %lt3A_447 = arith.cmpi slt, %xor3A_444, %lt3A_446 : vector<16xi32>
        %add3A_448 = arith.constant 16 : i32
        %add3A_449 = vector.broadcast %add3A_448 : i32 to vector<16xi32>
        %add3A_450 = arith.addi %xor3A_444, %add3A_449 : vector<16xi32>
        %select_n3A_451 = arith.select %lt3A_447, %add3A_450, %xor3A_444 : vector<16xi1>, vector<16xi32>
        %broadcast_in_dim3A_452 = vector.shape_cast %select_n3A_451 : vector<16xi32> to vector<16x1xi32>
        %gather3A_453 = vector.shape_cast %broadcast_in_dim3A_452 : vector<16x1xi32> to vector<16xi32>
        %gather3A_454 = tpu.dynamic_gather %add3A_441[%gather3A_453] in [0] : vector<16xf32>, vector<16xi32> -> vector<16xf32>
        %add3A_455 = arith.addf %add3A_441, %gather3A_454 : vector<16xf32>
        %bitcast_convert_type3A = tpu.bitcast %add3A_455 : vector<16xf32> -> vector<16xi32>
        %broadcast_in_dim3A_456 = arith.constant 1597463007 : i32
        %broadcast_in_dim3A_457 = vector.broadcast %broadcast_in_dim3A_456 : i32 to vector<16xi32>
        %shift_right_logical3A = arith.constant 1 : i32
        %shift_right_logical3A_458 = vector.broadcast %shift_right_logical3A : i32 to vector<16xi32>
        %shift_right_logical3A_459 = arith.shrui %bitcast_convert_type3A, %shift_right_logical3A_458 : vector<16xi32>
        %sub3A = arith.subi %broadcast_in_dim3A_457, %shift_right_logical3A_459 : vector<16xi32>
        %bitcast_convert_type3A_460 = tpu.bitcast %sub3A : vector<16xi32> -> vector<16xf32>
        %mul3A_461 = arith.constant 5.000000e-01 : f32
        %mul3A_462 = vector.broadcast %mul3A_461 : f32 to vector<16xf32>
        %mul3A_463 = arith.mulf %mul3A_462, %add3A_455 : vector<16xf32>
        %mul3A_464 = arith.mulf %mul3A_463, %bitcast_convert_type3A_460 : vector<16xf32>
        %mul3A_465 = arith.mulf %mul3A_464, %bitcast_convert_type3A_460 : vector<16xf32>
        %sub3A_466 = arith.constant 1.500000e+00 : f32
        %sub3A_467 = vector.broadcast %sub3A_466 : f32 to vector<16xf32>
        %sub3A_468 = arith.subf %sub3A_467, %mul3A_465 : vector<16xf32>
        %mul3A_469 = arith.mulf %bitcast_convert_type3A_460, %sub3A_468 : vector<16xf32>
        %mul3A_470 = arith.mulf %mul3A_463, %mul3A_469 : vector<16xf32>
        %mul3A_471 = arith.mulf %mul3A_470, %mul3A_469 : vector<16xf32>
        %sub3A_472 = arith.constant 1.500000e+00 : f32
        %sub3A_473 = vector.broadcast %sub3A_472 : f32 to vector<16xf32>
        %sub3A_474 = arith.subf %sub3A_473, %mul3A_471 : vector<16xf32>
        %mul3A_475 = arith.mulf %mul3A_469, %sub3A_474 : vector<16xf32>
        %mul3A_476 = arith.mulf %mul3A_463, %mul3A_475 : vector<16xf32>
        %mul3A_477 = arith.mulf %mul3A_476, %mul3A_475 : vector<16xf32>
        %sub3A_478 = arith.constant 1.500000e+00 : f32
        %sub3A_479 = vector.broadcast %sub3A_478 : f32 to vector<16xf32>
        %sub3A_480 = arith.subf %sub3A_479, %mul3A_477 : vector<16xf32>
        %mul3A_481 = arith.mulf %mul3A_475, %sub3A_480 : vector<16xf32>
        %mul3A_482 = arith.mulf %get3A_385, %mul3A_481 : vector<16xf32>
        %swap3A = arith.index_cast %add3A_382 : i32 to index
        %swap3A_483 = arith.constant 0 : index
        %swap3A_484 = tpu.vector_load %arg6[%swap3A, %swap3A_483] {strides = array<i32>} : memref<512x64xf32, #tpu.memory_space<vmem>>, vector<1x16xf32>,
        %swap3A_485 = vector.shape_cast %swap3A_484 : vector<1x16xf32> to vector<16xf32>
        %swap3A_486 = vector.shape_cast %mul3A_482 : vector<16xf32> to vector<1x16xf32>
        tpu.vector_store %arg6[%swap3A, %swap3A_483], %swap3A_486 {strides = array<i32>} : memref<512x64xf32, #tpu.memory_space<vmem>>, vector<1x16xf32>,
        %mul3A_487 = arith.mulf %get3A_389, %mul3A_481 : vector<16xf32>
        %swap3A_488 = arith.index_cast %add3A_382 : i32 to index
        %swap3A_489 = arith.constant 16 : index
        %swap3A_490 = tpu.vector_load %arg6[%swap3A_488, %swap3A_489] {strides = array<i32>} : memref<512x64xf32, #tpu.memory_space<vmem>>, vector<1x16xf32>,
        %swap3A_491 = vector.shape_cast %swap3A_490 : vector<1x16xf32> to vector<16xf32>
        %swap3A_492 = vector.shape_cast %mul3A_487 : vector<16xf32> to vector<1x16xf32>
        tpu.vector_store %arg6[%swap3A_488, %swap3A_489], %swap3A_492 {strides = array<i32>} : memref<512x64xf32, #tpu.memory_space<vmem>>, vector<1x16xf32>,
        %mul3A_493 = arith.mulf %get3A_393, %mul3A_481 : vector<16xf32>
        %swap3A_494 = arith.index_cast %add3A_382 : i32 to index
        %swap3A_495 = arith.constant 32 : index
        %swap3A_496 = tpu.vector_load %arg6[%swap3A_494, %swap3A_495] {strides = array<i32>} : memref<512x64xf32, #tpu.memory_space<vmem>>, vector<1x16xf32>,
        %swap3A_497 = vector.shape_cast %swap3A_496 : vector<1x16xf32> to vector<16xf32>
        %swap3A_498 = vector.shape_cast %mul3A_493 : vector<16xf32> to vector<1x16xf32>
        tpu.vector_store %arg6[%swap3A_494, %swap3A_495], %swap3A_498 {strides = array<i32>} : memref<512x64xf32, #tpu.memory_space<vmem>>, vector<1x16xf32>,
        %mul3A_499 = arith.mulf %get3A_397, %mul3A_481 : vector<16xf32>
        %swap3A_500 = arith.index_cast %add3A_382 : i32 to index
        %swap3A_501 = arith.constant 48 : index
        %swap3A_502 = tpu.vector_load %arg6[%swap3A_500, %swap3A_501] {strides = array<i32>} : memref<512x64xf32, #tpu.memory_space<vmem>>, vector<1x16xf32>,
        %swap3A_503 = vector.shape_cast %swap3A_502 : vector<1x16xf32> to vector<16xf32>
        %swap3A_504 = vector.shape_cast %mul3A_499 : vector<16xf32> to vector<1x16xf32>
        tpu.vector_store %arg6[%swap3A_500, %swap3A_501], %swap3A_504 {strides = array<i32>} : memref<512x64xf32, #tpu.memory_space<vmem>>, vector<1x16xf32>,
        %add3A_505 = arith.constant 1 : i32
        %add3A_506 = arith.addi %mul3A_380, %add3A_505 : i32
        %get3A_507 = arith.index_cast %add3A_506 : i32 to index
        %get3A_508 = arith.constant 0 : index
        %get3A_509 = tpu.vector_load %arg6[%get3A_507, %get3A_508] {strides = array<i32>} : memref<512x64xf32, #tpu.memory_space<vmem>>, vector<1x16xf32>,
        %get3A_510 = vector.shape_cast %get3A_509 : vector<1x16xf32> to vector<16xf32>
        %get3A_511 = arith.index_cast %add3A_506 : i32 to index
        %get3A_512 = arith.constant 16 : index
        %get3A_513 = tpu.vector_load %arg6[%get3A_511, %get3A_512] {strides = array<i32>} : memref<512x64xf32, #tpu.memory_space<vmem>>, vector<1x16xf32>,
        %get3A_514 = vector.shape_cast %get3A_513 : vector<1x16xf32> to vector<16xf32>
        %get3A_515 = arith.index_cast %add3A_506 : i32 to index
        %get3A_516 = arith.constant 32 : index
        %get3A_517 = tpu.vector_load %arg6[%get3A_515, %get3A_516] {strides = array<i32>} : memref<512x64xf32, #tpu.memory_space<vmem>>, vector<1x16xf32>,
        %get3A_518 = vector.shape_cast %get3A_517 : vector<1x16xf32> to vector<16xf32>
        %get3A_519 = arith.index_cast %add3A_506 : i32 to index
        %get3A_520 = arith.constant 48 : index
        %get3A_521 = tpu.vector_load %arg6[%get3A_519, %get3A_520] {strides = array<i32>} : memref<512x64xf32, #tpu.memory_space<vmem>>, vector<1x16xf32>,
        %get3A_522 = vector.shape_cast %get3A_521 : vector<1x16xf32> to vector<16xf32>
        %mul3A_523 = arith.mulf %get3A_510, %get3A_510 : vector<16xf32>
        %mul3A_524 = arith.mulf %get3A_514, %get3A_514 : vector<16xf32>
        %add3A_525 = arith.addf %mul3A_523, %mul3A_524 : vector<16xf32>
        %mul3A_526 = arith.mulf %get3A_518, %get3A_518 : vector<16xf32>
        %add3A_527 = arith.addf %add3A_525, %mul3A_526 : vector<16xf32>
        %mul3A_528 = arith.mulf %get3A_522, %get3A_522 : vector<16xf32>
        %add3A_529 = arith.addf %add3A_527, %mul3A_528 : vector<16xf32>
        %xor3A_530 = arith.constant 8 : i32
        %xor3A_531 = vector.broadcast %xor3A_530 : i32 to vector<16xi32>
        %xor3A_532 = arith.xori %iota3A_364, %xor3A_531 : vector<16xi32>
        %lt3A_533 = arith.constant 0 : i32
        %lt3A_534 = vector.broadcast %lt3A_533 : i32 to vector<16xi32>
        %lt3A_535 = arith.cmpi slt, %xor3A_532, %lt3A_534 : vector<16xi32>
        %add3A_536 = arith.constant 16 : i32
        %add3A_537 = vector.broadcast %add3A_536 : i32 to vector<16xi32>
        %add3A_538 = arith.addi %xor3A_532, %add3A_537 : vector<16xi32>
        %select_n3A_539 = arith.select %lt3A_535, %add3A_538, %xor3A_532 : vector<16xi1>, vector<16xi32>
        %broadcast_in_dim3A_540 = vector.shape_cast %select_n3A_539 : vector<16xi32> to vector<16x1xi32>
        %gather3A_541 = vector.shape_cast %broadcast_in_dim3A_540 : vector<16x1xi32> to vector<16xi32>
        %gather3A_542 = tpu.dynamic_gather %add3A_529[%gather3A_541] in [0] : vector<16xf32>, vector<16xi32> -> vector<16xf32>
        %add3A_543 = arith.addf %add3A_529, %gather3A_542 : vector<16xf32>
        %xor3A_544 = arith.constant 4 : i32
        %xor3A_545 = vector.broadcast %xor3A_544 : i32 to vector<16xi32>
        %xor3A_546 = arith.xori %iota3A_364, %xor3A_545 : vector<16xi32>
        %lt3A_547 = arith.constant 0 : i32
        %lt3A_548 = vector.broadcast %lt3A_547 : i32 to vector<16xi32>
        %lt3A_549 = arith.cmpi slt, %xor3A_546, %lt3A_548 : vector<16xi32>
        %add3A_550 = arith.constant 16 : i32
        %add3A_551 = vector.broadcast %add3A_550 : i32 to vector<16xi32>
        %add3A_552 = arith.addi %xor3A_546, %add3A_551 : vector<16xi32>
        %select_n3A_553 = arith.select %lt3A_549, %add3A_552, %xor3A_546 : vector<16xi1>, vector<16xi32>
        %broadcast_in_dim3A_554 = vector.shape_cast %select_n3A_553 : vector<16xi32> to vector<16x1xi32>
        %gather3A_555 = vector.shape_cast %broadcast_in_dim3A_554 : vector<16x1xi32> to vector<16xi32>
        %gather3A_556 = tpu.dynamic_gather %add3A_543[%gather3A_555] in [0] : vector<16xf32>, vector<16xi32> -> vector<16xf32>
        %add3A_557 = arith.addf %add3A_543, %gather3A_556 : vector<16xf32>
        %xor3A_558 = arith.constant 2 : i32
        %xor3A_559 = vector.broadcast %xor3A_558 : i32 to vector<16xi32>
        %xor3A_560 = arith.xori %iota3A_364, %xor3A_559 : vector<16xi32>
        %lt3A_561 = arith.constant 0 : i32
        %lt3A_562 = vector.broadcast %lt3A_561 : i32 to vector<16xi32>
        %lt3A_563 = arith.cmpi slt, %xor3A_560, %lt3A_562 : vector<16xi32>
        %add3A_564 = arith.constant 16 : i32
        %add3A_565 = vector.broadcast %add3A_564 : i32 to vector<16xi32>
        %add3A_566 = arith.addi %xor3A_560, %add3A_565 : vector<16xi32>
        %select_n3A_567 = arith.select %lt3A_563, %add3A_566, %xor3A_560 : vector<16xi1>, vector<16xi32>
        %broadcast_in_dim3A_568 = vector.shape_cast %select_n3A_567 : vector<16xi32> to vector<16x1xi32>
        %gather3A_569 = vector.shape_cast %broadcast_in_dim3A_568 : vector<16x1xi32> to vector<16xi32>
        %gather3A_570 = tpu.dynamic_gather %add3A_557[%gather3A_569] in [0] : vector<16xf32>, vector<16xi32> -> vector<16xf32>
        %add3A_571 = arith.addf %add3A_557, %gather3A_570 : vector<16xf32>
        %xor3A_572 = arith.constant 1 : i32
        %xor3A_573 = vector.broadcast %xor3A_572 : i32 to vector<16xi32>
        %xor3A_574 = arith.xori %iota3A_364, %xor3A_573 : vector<16xi32>
        %lt3A_575 = arith.constant 0 : i32
        %lt3A_576 = vector.broadcast %lt3A_575 : i32 to vector<16xi32>
        %lt3A_577 = arith.cmpi slt, %xor3A_574, %lt3A_576 : vector<16xi32>
        %add3A_578 = arith.constant 16 : i32
        %add3A_579 = vector.broadcast %add3A_578 : i32 to vector<16xi32>
        %add3A_580 = arith.addi %xor3A_574, %add3A_579 : vector<16xi32>
        %select_n3A_581 = arith.select %lt3A_577, %add3A_580, %xor3A_574 : vector<16xi1>, vector<16xi32>
        %broadcast_in_dim3A_582 = vector.shape_cast %select_n3A_581 : vector<16xi32> to vector<16x1xi32>
        %gather3A_583 = vector.shape_cast %broadcast_in_dim3A_582 : vector<16x1xi32> to vector<16xi32>
        %gather3A_584 = tpu.dynamic_gather %add3A_571[%gather3A_583] in [0] : vector<16xf32>, vector<16xi32> -> vector<16xf32>
        %add3A_585 = arith.addf %add3A_571, %gather3A_584 : vector<16xf32>
        %bitcast_convert_type3A_586 = tpu.bitcast %add3A_585 : vector<16xf32> -> vector<16xi32>
        %broadcast_in_dim3A_587 = arith.constant 1597463007 : i32
        %broadcast_in_dim3A_588 = vector.broadcast %broadcast_in_dim3A_587 : i32 to vector<16xi32>
        %shift_right_logical3A_589 = arith.constant 1 : i32
        %shift_right_logical3A_590 = vector.broadcast %shift_right_logical3A_589 : i32 to vector<16xi32>
        %shift_right_logical3A_591 = arith.shrui %bitcast_convert_type3A_586, %shift_right_logical3A_590 : vector<16xi32>
        %sub3A_592 = arith.subi %broadcast_in_dim3A_588, %shift_right_logical3A_591 : vector<16xi32>
        %bitcast_convert_type3A_593 = tpu.bitcast %sub3A_592 : vector<16xi32> -> vector<16xf32>
        %mul3A_594 = arith.constant 5.000000e-01 : f32
        %mul3A_595 = vector.broadcast %mul3A_594 : f32 to vector<16xf32>
        %mul3A_596 = arith.mulf %mul3A_595, %add3A_585 : vector<16xf32>
        %mul3A_597 = arith.mulf %mul3A_596, %bitcast_convert_type3A_593 : vector<16xf32>
        %mul3A_598 = arith.mulf %mul3A_597, %bitcast_convert_type3A_593 : vector<16xf32>
        %sub3A_599 = arith.constant 1.500000e+00 : f32
        %sub3A_600 = vector.broadcast %sub3A_599 : f32 to vector<16xf32>
        %sub3A_601 = arith.subf %sub3A_600, %mul3A_598 : vector<16xf32>
        %mul3A_602 = arith.mulf %bitcast_convert_type3A_593, %sub3A_601 : vector<16xf32>
        %mul3A_603 = arith.mulf %mul3A_596, %mul3A_602 : vector<16xf32>
        %mul3A_604 = arith.mulf %mul3A_603, %mul3A_602 : vector<16xf32>
        %sub3A_605 = arith.constant 1.500000e+00 : f32
        %sub3A_606 = vector.broadcast %sub3A_605 : f32 to vector<16xf32>
        %sub3A_607 = arith.subf %sub3A_606, %mul3A_604 : vector<16xf32>
        %mul3A_608 = arith.mulf %mul3A_602, %sub3A_607 : vector<16xf32>
        %mul3A_609 = arith.mulf %mul3A_596, %mul3A_608 : vector<16xf32>
        %mul3A_610 = arith.mulf %mul3A_609, %mul3A_608 : vector<16xf32>
        %sub3A_611 = arith.constant 1.500000e+00 : f32
        %sub3A_612 = vector.broadcast %sub3A_611 : f32 to vector<16xf32>
        %sub3A_613 = arith.subf %sub3A_612, %mul3A_610 : vector<16xf32>
        %mul3A_614 = arith.mulf %mul3A_608, %sub3A_613 : vector<16xf32>
        %mul3A_615 = arith.mulf %get3A_510, %mul3A_614 : vector<16xf32>
        %swap3A_616 = arith.index_cast %add3A_506 : i32 to index
        %swap3A_617 = arith.constant 0 : index
        %swap3A_618 = tpu.vector_load %arg6[%swap3A_616, %swap3A_617] {strides = array<i32>} : memref<512x64xf32, #tpu.memory_space<vmem>>, vector<1x16xf32>,
        %swap3A_619 = vector.shape_cast %swap3A_618 : vector<1x16xf32> to vector<16xf32>
        %swap3A_620 = vector.shape_cast %mul3A_615 : vector<16xf32> to vector<1x16xf32>
        tpu.vector_store %arg6[%swap3A_616, %swap3A_617], %swap3A_620 {strides = array<i32>} : memref<512x64xf32, #tpu.memory_space<vmem>>, vector<1x16xf32>,
        %mul3A_621 = arith.mulf %get3A_514, %mul3A_614 : vector<16xf32>
        %swap3A_622 = arith.index_cast %add3A_506 : i32 to index
        %swap3A_623 = arith.constant 16 : index
        %swap3A_624 = tpu.vector_load %arg6[%swap3A_622, %swap3A_623] {strides = array<i32>} : memref<512x64xf32, #tpu.memory_space<vmem>>, vector<1x16xf32>,
        %swap3A_625 = vector.shape_cast %swap3A_624 : vector<1x16xf32> to vector<16xf32>
        %swap3A_626 = vector.shape_cast %mul3A_621 : vector<16xf32> to vector<1x16xf32>
        tpu.vector_store %arg6[%swap3A_622, %swap3A_623], %swap3A_626 {strides = array<i32>} : memref<512x64xf32, #tpu.memory_space<vmem>>, vector<1x16xf32>,
        %mul3A_627 = arith.mulf %get3A_518, %mul3A_614 : vector<16xf32>
        %swap3A_628 = arith.index_cast %add3A_506 : i32 to index
        %swap3A_629 = arith.constant 32 : index
        %swap3A_630 = tpu.vector_load %arg6[%swap3A_628, %swap3A_629] {strides = array<i32>} : memref<512x64xf32, #tpu.memory_space<vmem>>, vector<1x16xf32>,
        %swap3A_631 = vector.shape_cast %swap3A_630 : vector<1x16xf32> to vector<16xf32>
        %swap3A_632 = vector.shape_cast %mul3A_627 : vector<16xf32> to vector<1x16xf32>
        tpu.vector_store %arg6[%swap3A_628, %swap3A_629], %swap3A_632 {strides = array<i32>} : memref<512x64xf32, #tpu.memory_space<vmem>>, vector<1x16xf32>,
        %mul3A_633 = arith.mulf %get3A_522, %mul3A_614 : vector<16xf32>
        %swap3A_634 = arith.index_cast %add3A_506 : i32 to index
        %swap3A_635 = arith.constant 48 : index
        %swap3A_636 = tpu.vector_load %arg6[%swap3A_634, %swap3A_635] {strides = array<i32>} : memref<512x64xf32, #tpu.memory_space<vmem>>, vector<1x16xf32>,
        %swap3A_637 = vector.shape_cast %swap3A_636 : vector<1x16xf32> to vector<16xf32>
        %swap3A_638 = vector.shape_cast %mul3A_633 : vector<16xf32> to vector<1x16xf32>
        tpu.vector_store %arg6[%swap3A_634, %swap3A_635], %swap3A_638 {strides = array<i32>} : memref<512x64xf32, #tpu.memory_space<vmem>>, vector<1x16xf32>,
        %add3A_639 = arith.constant 2 : i32
        %add3A_640 = arith.addi %mul3A_380, %add3A_639 : i32
        %get3A_641 = arith.index_cast %add3A_640 : i32 to index
        %get3A_642 = arith.constant 0 : index
        %get3A_643 = tpu.vector_load %arg6[%get3A_641, %get3A_642] {strides = array<i32>} : memref<512x64xf32, #tpu.memory_space<vmem>>, vector<1x16xf32>,
        %get3A_644 = vector.shape_cast %get3A_643 : vector<1x16xf32> to vector<16xf32>
        %get3A_645 = arith.index_cast %add3A_640 : i32 to index
        %get3A_646 = arith.constant 16 : index
        %get3A_647 = tpu.vector_load %arg6[%get3A_645, %get3A_646] {strides = array<i32>} : memref<512x64xf32, #tpu.memory_space<vmem>>, vector<1x16xf32>,
        %get3A_648 = vector.shape_cast %get3A_647 : vector<1x16xf32> to vector<16xf32>
        %get3A_649 = arith.index_cast %add3A_640 : i32 to index
        %get3A_650 = arith.constant 32 : index
        %get3A_651 = tpu.vector_load %arg6[%get3A_649, %get3A_650] {strides = array<i32>} : memref<512x64xf32, #tpu.memory_space<vmem>>, vector<1x16xf32>,
        %get3A_652 = vector.shape_cast %get3A_651 : vector<1x16xf32> to vector<16xf32>
        %get3A_653 = arith.index_cast %add3A_640 : i32 to index
        %get3A_654 = arith.constant 48 : index
        %get3A_655 = tpu.vector_load %arg6[%get3A_653, %get3A_654] {strides = array<i32>} : memref<512x64xf32, #tpu.memory_space<vmem>>, vector<1x16xf32>,
        %get3A_656 = vector.shape_cast %get3A_655 : vector<1x16xf32> to vector<16xf32>
        %mul3A_657 = arith.mulf %get3A_644, %get3A_644 : vector<16xf32>
        %mul3A_658 = arith.mulf %get3A_648, %get3A_648 : vector<16xf32>
        %add3A_659 = arith.addf %mul3A_657, %mul3A_658 : vector<16xf32>
        %mul3A_660 = arith.mulf %get3A_652, %get3A_652 : vector<16xf32>
        %add3A_661 = arith.addf %add3A_659, %mul3A_660 : vector<16xf32>
        %mul3A_662 = arith.mulf %get3A_656, %get3A_656 : vector<16xf32>
        %add3A_663 = arith.addf %add3A_661, %mul3A_662 : vector<16xf32>
        %xor3A_664 = arith.constant 8 : i32
        %xor3A_665 = vector.broadcast %xor3A_664 : i32 to vector<16xi32>
        %xor3A_666 = arith.xori %iota3A_364, %xor3A_665 : vector<16xi32>
        %lt3A_667 = arith.constant 0 : i32
        %lt3A_668 = vector.broadcast %lt3A_667 : i32 to vector<16xi32>
        %lt3A_669 = arith.cmpi slt, %xor3A_666, %lt3A_668 : vector<16xi32>
        %add3A_670 = arith.constant 16 : i32
        %add3A_671 = vector.broadcast %add3A_670 : i32 to vector<16xi32>
        %add3A_672 = arith.addi %xor3A_666, %add3A_671 : vector<16xi32>
        %select_n3A_673 = arith.select %lt3A_669, %add3A_672, %xor3A_666 : vector<16xi1>, vector<16xi32>
        %broadcast_in_dim3A_674 = vector.shape_cast %select_n3A_673 : vector<16xi32> to vector<16x1xi32>
        %gather3A_675 = vector.shape_cast %broadcast_in_dim3A_674 : vector<16x1xi32> to vector<16xi32>
        %gather3A_676 = tpu.dynamic_gather %add3A_663[%gather3A_675] in [0] : vector<16xf32>, vector<16xi32> -> vector<16xf32>
        %add3A_677 = arith.addf %add3A_663, %gather3A_676 : vector<16xf32>
        %xor3A_678 = arith.constant 4 : i32
        %xor3A_679 = vector.broadcast %xor3A_678 : i32 to vector<16xi32>
        %xor3A_680 = arith.xori %iota3A_364, %xor3A_679 : vector<16xi32>
        %lt3A_681 = arith.constant 0 : i32
        %lt3A_682 = vector.broadcast %lt3A_681 : i32 to vector<16xi32>
        %lt3A_683 = arith.cmpi slt, %xor3A_680, %lt3A_682 : vector<16xi32>
        %add3A_684 = arith.constant 16 : i32
        %add3A_685 = vector.broadcast %add3A_684 : i32 to vector<16xi32>
        %add3A_686 = arith.addi %xor3A_680, %add3A_685 : vector<16xi32>
        %select_n3A_687 = arith.select %lt3A_683, %add3A_686, %xor3A_680 : vector<16xi1>, vector<16xi32>
        %broadcast_in_dim3A_688 = vector.shape_cast %select_n3A_687 : vector<16xi32> to vector<16x1xi32>
        %gather3A_689 = vector.shape_cast %broadcast_in_dim3A_688 : vector<16x1xi32> to vector<16xi32>
        %gather3A_690 = tpu.dynamic_gather %add3A_677[%gather3A_689] in [0] : vector<16xf32>, vector<16xi32> -> vector<16xf32>
        %add3A_691 = arith.addf %add3A_677, %gather3A_690 : vector<16xf32>
        %xor3A_692 = arith.constant 2 : i32
        %xor3A_693 = vector.broadcast %xor3A_692 : i32 to vector<16xi32>
        %xor3A_694 = arith.xori %iota3A_364, %xor3A_693 : vector<16xi32>
        %lt3A_695 = arith.constant 0 : i32
        %lt3A_696 = vector.broadcast %lt3A_695 : i32 to vector<16xi32>
        %lt3A_697 = arith.cmpi slt, %xor3A_694, %lt3A_696 : vector<16xi32>
        %add3A_698 = arith.constant 16 : i32
        %add3A_699 = vector.broadcast %add3A_698 : i32 to vector<16xi32>
        %add3A_700 = arith.addi %xor3A_694, %add3A_699 : vector<16xi32>
        %select_n3A_701 = arith.select %lt3A_697, %add3A_700, %xor3A_694 : vector<16xi1>, vector<16xi32>
        %broadcast_in_dim3A_702 = vector.shape_cast %select_n3A_701 : vector<16xi32> to vector<16x1xi32>
        %gather3A_703 = vector.shape_cast %broadcast_in_dim3A_702 : vector<16x1xi32> to vector<16xi32>
        %gather3A_704 = tpu.dynamic_gather %add3A_691[%gather3A_703] in [0] : vector<16xf32>, vector<16xi32> -> vector<16xf32>
        %add3A_705 = arith.addf %add3A_691, %gather3A_704 : vector<16xf32>
        %xor3A_706 = arith.constant 1 : i32
        %xor3A_707 = vector.broadcast %xor3A_706 : i32 to vector<16xi32>
        %xor3A_708 = arith.xori %iota3A_364, %xor3A_707 : vector<16xi32>
        %lt3A_709 = arith.constant 0 : i32
        %lt3A_710 = vector.broadcast %lt3A_709 : i32 to vector<16xi32>
        %lt3A_711 = arith.cmpi slt, %xor3A_708, %lt3A_710 : vector<16xi32>
        %add3A_712 = arith.constant 16 : i32
        %add3A_713 = vector.broadcast %add3A_712 : i32 to vector<16xi32>
        %add3A_714 = arith.addi %xor3A_708, %add3A_713 : vector<16xi32>
        %select_n3A_715 = arith.select %lt3A_711, %add3A_714, %xor3A_708 : vector<16xi1>, vector<16xi32>
        %broadcast_in_dim3A_716 = vector.shape_cast %select_n3A_715 : vector<16xi32> to vector<16x1xi32>
        %gather3A_717 = vector.shape_cast %broadcast_in_dim3A_716 : vector<16x1xi32> to vector<16xi32>
        %gather3A_718 = tpu.dynamic_gather %add3A_705[%gather3A_717] in [0] : vector<16xf32>, vector<16xi32> -> vector<16xf32>
        %add3A_719 = arith.addf %add3A_705, %gather3A_718 : vector<16xf32>
        %bitcast_convert_type3A_720 = tpu.bitcast %add3A_719 : vector<16xf32> -> vector<16xi32>
        %broadcast_in_dim3A_721 = arith.constant 1597463007 : i32
        %broadcast_in_dim3A_722 = vector.broadcast %broadcast_in_dim3A_721 : i32 to vector<16xi32>
        %shift_right_logical3A_723 = arith.constant 1 : i32
        %shift_right_logical3A_724 = vector.broadcast %shift_right_logical3A_723 : i32 to vector<16xi32>
        %shift_right_logical3A_725 = arith.shrui %bitcast_convert_type3A_720, %shift_right_logical3A_724 : vector<16xi32>
        %sub3A_726 = arith.subi %broadcast_in_dim3A_722, %shift_right_logical3A_725 : vector<16xi32>
        %bitcast_convert_type3A_727 = tpu.bitcast %sub3A_726 : vector<16xi32> -> vector<16xf32>
        %mul3A_728 = arith.constant 5.000000e-01 : f32
        %mul3A_729 = vector.broadcast %mul3A_728 : f32 to vector<16xf32>
        %mul3A_730 = arith.mulf %mul3A_729, %add3A_719 : vector<16xf32>
        %mul3A_731 = arith.mulf %mul3A_730, %bitcast_convert_type3A_727 : vector<16xf32>
        %mul3A_732 = arith.mulf %mul3A_731, %bitcast_convert_type3A_727 : vector<16xf32>
        %sub3A_733 = arith.constant 1.500000e+00 : f32
        %sub3A_734 = vector.broadcast %sub3A_733 : f32 to vector<16xf32>
        %sub3A_735 = arith.subf %sub3A_734, %mul3A_732 : vector<16xf32>
        %mul3A_736 = arith.mulf %bitcast_convert_type3A_727, %sub3A_735 : vector<16xf32>
        %mul3A_737 = arith.mulf %mul3A_730, %mul3A_736 : vector<16xf32>
        %mul3A_738 = arith.mulf %mul3A_737, %mul3A_736 : vector<16xf32>
        %sub3A_739 = arith.constant 1.500000e+00 : f32
        %sub3A_740 = vector.broadcast %sub3A_739 : f32 to vector<16xf32>
        %sub3A_741 = arith.subf %sub3A_740, %mul3A_738 : vector<16xf32>
        %mul3A_742 = arith.mulf %mul3A_736, %sub3A_741 : vector<16xf32>
        %mul3A_743 = arith.mulf %mul3A_730, %mul3A_742 : vector<16xf32>
        %mul3A_744 = arith.mulf %mul3A_743, %mul3A_742 : vector<16xf32>
        %sub3A_745 = arith.constant 1.500000e+00 : f32
        %sub3A_746 = vector.broadcast %sub3A_745 : f32 to vector<16xf32>
        %sub3A_747 = arith.subf %sub3A_746, %mul3A_744 : vector<16xf32>
        %mul3A_748 = arith.mulf %mul3A_742, %sub3A_747 : vector<16xf32>
        %mul3A_749 = arith.mulf %get3A_644, %mul3A_748 : vector<16xf32>
        %swap3A_750 = arith.index_cast %add3A_640 : i32 to index
        %swap3A_751 = arith.constant 0 : index
        %swap3A_752 = tpu.vector_load %arg6[%swap3A_750, %swap3A_751] {strides = array<i32>} : memref<512x64xf32, #tpu.memory_space<vmem>>, vector<1x16xf32>,
        %swap3A_753 = vector.shape_cast %swap3A_752 : vector<1x16xf32> to vector<16xf32>
        %swap3A_754 = vector.shape_cast %mul3A_749 : vector<16xf32> to vector<1x16xf32>
        tpu.vector_store %arg6[%swap3A_750, %swap3A_751], %swap3A_754 {strides = array<i32>} : memref<512x64xf32, #tpu.memory_space<vmem>>, vector<1x16xf32>,
        %mul3A_755 = arith.mulf %get3A_648, %mul3A_748 : vector<16xf32>
        %swap3A_756 = arith.index_cast %add3A_640 : i32 to index
        %swap3A_757 = arith.constant 16 : index
        %swap3A_758 = tpu.vector_load %arg6[%swap3A_756, %swap3A_757] {strides = array<i32>} : memref<512x64xf32, #tpu.memory_space<vmem>>, vector<1x16xf32>,
        %swap3A_759 = vector.shape_cast %swap3A_758 : vector<1x16xf32> to vector<16xf32>
        %swap3A_760 = vector.shape_cast %mul3A_755 : vector<16xf32> to vector<1x16xf32>
        tpu.vector_store %arg6[%swap3A_756, %swap3A_757], %swap3A_760 {strides = array<i32>} : memref<512x64xf32, #tpu.memory_space<vmem>>, vector<1x16xf32>,
        %mul3A_761 = arith.mulf %get3A_652, %mul3A_748 : vector<16xf32>
        %swap3A_762 = arith.index_cast %add3A_640 : i32 to index
        %swap3A_763 = arith.constant 32 : index
        %swap3A_764 = tpu.vector_load %arg6[%swap3A_762, %swap3A_763] {strides = array<i32>} : memref<512x64xf32, #tpu.memory_space<vmem>>, vector<1x16xf32>,
        %swap3A_765 = vector.shape_cast %swap3A_764 : vector<1x16xf32> to vector<16xf32>
        %swap3A_766 = vector.shape_cast %mul3A_761 : vector<16xf32> to vector<1x16xf32>
        tpu.vector_store %arg6[%swap3A_762, %swap3A_763], %swap3A_766 {strides = array<i32>} : memref<512x64xf32, #tpu.memory_space<vmem>>, vector<1x16xf32>,
        %mul3A_767 = arith.mulf %get3A_656, %mul3A_748 : vector<16xf32>
        %swap3A_768 = arith.index_cast %add3A_640 : i32 to index
        %swap3A_769 = arith.constant 48 : index
        %swap3A_770 = tpu.vector_load %arg6[%swap3A_768, %swap3A_769] {strides = array<i32>} : memref<512x64xf32, #tpu.memory_space<vmem>>, vector<1x16xf32>,
        %swap3A_771 = vector.shape_cast %swap3A_770 : vector<1x16xf32> to vector<16xf32>
        %swap3A_772 = vector.shape_cast %mul3A_767 : vector<16xf32> to vector<1x16xf32>
        tpu.vector_store %arg6[%swap3A_768, %swap3A_769], %swap3A_772 {strides = array<i32>} : memref<512x64xf32, #tpu.memory_space<vmem>>, vector<1x16xf32>,
        %add3A_773 = arith.constant 3 : i32
        %add3A_774 = arith.addi %mul3A_380, %add3A_773 : i32
        %get3A_775 = arith.index_cast %add3A_774 : i32 to index
        %get3A_776 = arith.constant 0 : index
        %get3A_777 = tpu.vector_load %arg6[%get3A_775, %get3A_776] {strides = array<i32>} : memref<512x64xf32, #tpu.memory_space<vmem>>, vector<1x16xf32>,
        %get3A_778 = vector.shape_cast %get3A_777 : vector<1x16xf32> to vector<16xf32>
        %get3A_779 = arith.index_cast %add3A_774 : i32 to index
        %get3A_780 = arith.constant 16 : index
        %get3A_781 = tpu.vector_load %arg6[%get3A_779, %get3A_780] {strides = array<i32>} : memref<512x64xf32, #tpu.memory_space<vmem>>, vector<1x16xf32>,
        %get3A_782 = vector.shape_cast %get3A_781 : vector<1x16xf32> to vector<16xf32>
        %get3A_783 = arith.index_cast %add3A_774 : i32 to index
        %get3A_784 = arith.constant 32 : index
        %get3A_785 = tpu.vector_load %arg6[%get3A_783, %get3A_784] {strides = array<i32>} : memref<512x64xf32, #tpu.memory_space<vmem>>, vector<1x16xf32>,
        %get3A_786 = vector.shape_cast %get3A_785 : vector<1x16xf32> to vector<16xf32>
        %get3A_787 = arith.index_cast %add3A_774 : i32 to index
        %get3A_788 = arith.constant 48 : index
        %get3A_789 = tpu.vector_load %arg6[%get3A_787, %get3A_788] {strides = array<i32>} : memref<512x64xf32, #tpu.memory_space<vmem>>, vector<1x16xf32>,
        %get3A_790 = vector.shape_cast %get3A_789 : vector<1x16xf32> to vector<16xf32>
        %mul3A_791 = arith.mulf %get3A_778, %get3A_778 : vector<16xf32>
        %mul3A_792 = arith.mulf %get3A_782, %get3A_782 : vector<16xf32>
        %add3A_793 = arith.addf %mul3A_791, %mul3A_792 : vector<16xf32>
        %mul3A_794 = arith.mulf %get3A_786, %get3A_786 : vector<16xf32>
        %add3A_795 = arith.addf %add3A_793, %mul3A_794 : vector<16xf32>
        %mul3A_796 = arith.mulf %get3A_790, %get3A_790 : vector<16xf32>
        %add3A_797 = arith.addf %add3A_795, %mul3A_796 : vector<16xf32>
        %xor3A_798 = arith.constant 8 : i32
        %xor3A_799 = vector.broadcast %xor3A_798 : i32 to vector<16xi32>
        %xor3A_800 = arith.xori %iota3A_364, %xor3A_799 : vector<16xi32>
        %lt3A_801 = arith.constant 0 : i32
        %lt3A_802 = vector.broadcast %lt3A_801 : i32 to vector<16xi32>
        %lt3A_803 = arith.cmpi slt, %xor3A_800, %lt3A_802 : vector<16xi32>
        %add3A_804 = arith.constant 16 : i32
        %add3A_805 = vector.broadcast %add3A_804 : i32 to vector<16xi32>
        %add3A_806 = arith.addi %xor3A_800, %add3A_805 : vector<16xi32>
        %select_n3A_807 = arith.select %lt3A_803, %add3A_806, %xor3A_800 : vector<16xi1>, vector<16xi32>
        %broadcast_in_dim3A_808 = vector.shape_cast %select_n3A_807 : vector<16xi32> to vector<16x1xi32>
        %gather3A_809 = vector.shape_cast %broadcast_in_dim3A_808 : vector<16x1xi32> to vector<16xi32>
        %gather3A_810 = tpu.dynamic_gather %add3A_797[%gather3A_809] in [0] : vector<16xf32>, vector<16xi32> -> vector<16xf32>
        %add3A_811 = arith.addf %add3A_797, %gather3A_810 : vector<16xf32>
        %xor3A_812 = arith.constant 4 : i32
        %xor3A_813 = vector.broadcast %xor3A_812 : i32 to vector<16xi32>
        %xor3A_814 = arith.xori %iota3A_364, %xor3A_813 : vector<16xi32>
        %lt3A_815 = arith.constant 0 : i32
        %lt3A_816 = vector.broadcast %lt3A_815 : i32 to vector<16xi32>
        %lt3A_817 = arith.cmpi slt, %xor3A_814, %lt3A_816 : vector<16xi32>
        %add3A_818 = arith.constant 16 : i32
        %add3A_819 = vector.broadcast %add3A_818 : i32 to vector<16xi32>
        %add3A_820 = arith.addi %xor3A_814, %add3A_819 : vector<16xi32>
        %select_n3A_821 = arith.select %lt3A_817, %add3A_820, %xor3A_814 : vector<16xi1>, vector<16xi32>
        %broadcast_in_dim3A_822 = vector.shape_cast %select_n3A_821 : vector<16xi32> to vector<16x1xi32>
        %gather3A_823 = vector.shape_cast %broadcast_in_dim3A_822 : vector<16x1xi32> to vector<16xi32>
        %gather3A_824 = tpu.dynamic_gather %add3A_811[%gather3A_823] in [0] : vector<16xf32>, vector<16xi32> -> vector<16xf32>
        %add3A_825 = arith.addf %add3A_811, %gather3A_824 : vector<16xf32>
        %xor3A_826 = arith.constant 2 : i32
        %xor3A_827 = vector.broadcast %xor3A_826 : i32 to vector<16xi32>
        %xor3A_828 = arith.xori %iota3A_364, %xor3A_827 : vector<16xi32>
        %lt3A_829 = arith.constant 0 : i32
        %lt3A_830 = vector.broadcast %lt3A_829 : i32 to vector<16xi32>
        %lt3A_831 = arith.cmpi slt, %xor3A_828, %lt3A_830 : vector<16xi32>
        %add3A_832 = arith.constant 16 : i32
        %add3A_833 = vector.broadcast %add3A_832 : i32 to vector<16xi32>
        %add3A_834 = arith.addi %xor3A_828, %add3A_833 : vector<16xi32>
        %select_n3A_835 = arith.select %lt3A_831, %add3A_834, %xor3A_828 : vector<16xi1>, vector<16xi32>
        %broadcast_in_dim3A_836 = vector.shape_cast %select_n3A_835 : vector<16xi32> to vector<16x1xi32>
        %gather3A_837 = vector.shape_cast %broadcast_in_dim3A_836 : vector<16x1xi32> to vector<16xi32>
        %gather3A_838 = tpu.dynamic_gather %add3A_825[%gather3A_837] in [0] : vector<16xf32>, vector<16xi32> -> vector<16xf32>
        %add3A_839 = arith.addf %add3A_825, %gather3A_838 : vector<16xf32>
        %xor3A_840 = arith.constant 1 : i32
        %xor3A_841 = vector.broadcast %xor3A_840 : i32 to vector<16xi32>
        %xor3A_842 = arith.xori %iota3A_364, %xor3A_841 : vector<16xi32>
        %lt3A_843 = arith.constant 0 : i32
        %lt3A_844 = vector.broadcast %lt3A_843 : i32 to vector<16xi32>
        %lt3A_845 = arith.cmpi slt, %xor3A_842, %lt3A_844 : vector<16xi32>
        %add3A_846 = arith.constant 16 : i32
        %add3A_847 = vector.broadcast %add3A_846 : i32 to vector<16xi32>
        %add3A_848 = arith.addi %xor3A_842, %add3A_847 : vector<16xi32>
        %select_n3A_849 = arith.select %lt3A_845, %add3A_848, %xor3A_842 : vector<16xi1>, vector<16xi32>
        %broadcast_in_dim3A_850 = vector.shape_cast %select_n3A_849 : vector<16xi32> to vector<16x1xi32>
        %gather3A_851 = vector.shape_cast %broadcast_in_dim3A_850 : vector<16x1xi32> to vector<16xi32>
        %gather3A_852 = tpu.dynamic_gather %add3A_839[%gather3A_851] in [0] : vector<16xf32>, vector<16xi32> -> vector<16xf32>
        %add3A_853 = arith.addf %add3A_839, %gather3A_852 : vector<16xf32>
        %bitcast_convert_type3A_854 = tpu.bitcast %add3A_853 : vector<16xf32> -> vector<16xi32>
        %broadcast_in_dim3A_855 = arith.constant 1597463007 : i32
        %broadcast_in_dim3A_856 = vector.broadcast %broadcast_in_dim3A_855 : i32 to vector<16xi32>
        %shift_right_logical3A_857 = arith.constant 1 : i32
        %shift_right_logical3A_858 = vector.broadcast %shift_right_logical3A_857 : i32 to vector<16xi32>
        %shift_right_logical3A_859 = arith.shrui %bitcast_convert_type3A_854, %shift_right_logical3A_858 : vector<16xi32>
        %sub3A_860 = arith.subi %broadcast_in_dim3A_856, %shift_right_logical3A_859 : vector<16xi32>
        %bitcast_convert_type3A_861 = tpu.bitcast %sub3A_860 : vector<16xi32> -> vector<16xf32>
        %mul3A_862 = arith.constant 5.000000e-01 : f32
        %mul3A_863 = vector.broadcast %mul3A_862 : f32 to vector<16xf32>
        %mul3A_864 = arith.mulf %mul3A_863, %add3A_853 : vector<16xf32>
        %mul3A_865 = arith.mulf %mul3A_864, %bitcast_convert_type3A_861 : vector<16xf32>
        %mul3A_866 = arith.mulf %mul3A_865, %bitcast_convert_type3A_861 : vector<16xf32>
        %sub3A_867 = arith.constant 1.500000e+00 : f32
        %sub3A_868 = vector.broadcast %sub3A_867 : f32 to vector<16xf32>
        %sub3A_869 = arith.subf %sub3A_868, %mul3A_866 : vector<16xf32>
        %mul3A_870 = arith.mulf %bitcast_convert_type3A_861, %sub3A_869 : vector<16xf32>
        %mul3A_871 = arith.mulf %mul3A_864, %mul3A_870 : vector<16xf32>
        %mul3A_872 = arith.mulf %mul3A_871, %mul3A_870 : vector<16xf32>
        %sub3A_873 = arith.constant 1.500000e+00 : f32
        %sub3A_874 = vector.broadcast %sub3A_873 : f32 to vector<16xf32>
        %sub3A_875 = arith.subf %sub3A_874, %mul3A_872 : vector<16xf32>
        %mul3A_876 = arith.mulf %mul3A_870, %sub3A_875 : vector<16xf32>
        %mul3A_877 = arith.mulf %mul3A_864, %mul3A_876 : vector<16xf32>
        %mul3A_878 = arith.mulf %mul3A_877, %mul3A_876 : vector<16xf32>
        %sub3A_879 = arith.constant 1.500000e+00 : f32
        %sub3A_880 = vector.broadcast %sub3A_879 : f32 to vector<16xf32>
        %sub3A_881 = arith.subf %sub3A_880, %mul3A_878 : vector<16xf32>
        %mul3A_882 = arith.mulf %mul3A_876, %sub3A_881 : vector<16xf32>
        %mul3A_883 = arith.mulf %get3A_778, %mul3A_882 : vector<16xf32>
        %swap3A_884 = arith.index_cast %add3A_774 : i32 to index
        %swap3A_885 = arith.constant 0 : index
        %swap3A_886 = tpu.vector_load %arg6[%swap3A_884, %swap3A_885] {strides = array<i32>} : memref<512x64xf32, #tpu.memory_space<vmem>>, vector<1x16xf32>,
        %swap3A_887 = vector.shape_cast %swap3A_886 : vector<1x16xf32> to vector<16xf32>
        %swap3A_888 = vector.shape_cast %mul3A_883 : vector<16xf32> to vector<1x16xf32>
        tpu.vector_store %arg6[%swap3A_884, %swap3A_885], %swap3A_888 {strides = array<i32>} : memref<512x64xf32, #tpu.memory_space<vmem>>, vector<1x16xf32>,
        %mul3A_889 = arith.mulf %get3A_782, %mul3A_882 : vector<16xf32>
        %swap3A_890 = arith.index_cast %add3A_774 : i32 to index
        %swap3A_891 = arith.constant 16 : index
        %swap3A_892 = tpu.vector_load %arg6[%swap3A_890, %swap3A_891] {strides = array<i32>} : memref<512x64xf32, #tpu.memory_space<vmem>>, vector<1x16xf32>,
        %swap3A_893 = vector.shape_cast %swap3A_892 : vector<1x16xf32> to vector<16xf32>
        %swap3A_894 = vector.shape_cast %mul3A_889 : vector<16xf32> to vector<1x16xf32>
        tpu.vector_store %arg6[%swap3A_890, %swap3A_891], %swap3A_894 {strides = array<i32>} : memref<512x64xf32, #tpu.memory_space<vmem>>, vector<1x16xf32>,
        %mul3A_895 = arith.mulf %get3A_786, %mul3A_882 : vector<16xf32>
        %swap3A_896 = arith.index_cast %add3A_774 : i32 to index
        %swap3A_897 = arith.constant 32 : index
        %swap3A_898 = tpu.vector_load %arg6[%swap3A_896, %swap3A_897] {strides = array<i32>} : memref<512x64xf32, #tpu.memory_space<vmem>>, vector<1x16xf32>,
        %swap3A_899 = vector.shape_cast %swap3A_898 : vector<1x16xf32> to vector<16xf32>
        %swap3A_900 = vector.shape_cast %mul3A_895 : vector<16xf32> to vector<1x16xf32>
        tpu.vector_store %arg6[%swap3A_896, %swap3A_897], %swap3A_900 {strides = array<i32>} : memref<512x64xf32, #tpu.memory_space<vmem>>, vector<1x16xf32>,
        %mul3A_901 = arith.mulf %get3A_790, %mul3A_882 : vector<16xf32>
        %swap3A_902 = arith.index_cast %add3A_774 : i32 to index
        %swap3A_903 = arith.constant 48 : index
        %swap3A_904 = tpu.vector_load %arg6[%swap3A_902, %swap3A_903] {strides = array<i32>} : memref<512x64xf32, #tpu.memory_space<vmem>>, vector<1x16xf32>,
        %swap3A_905 = vector.shape_cast %swap3A_904 : vector<1x16xf32> to vector<16xf32>
        %swap3A_906 = vector.shape_cast %mul3A_901 : vector<16xf32> to vector<1x16xf32>
        tpu.vector_store %arg6[%swap3A_902, %swap3A_903], %swap3A_906 {strides = array<i32>} : memref<512x64xf32, #tpu.memory_space<vmem>>, vector<1x16xf32>,
      }
      %scan3A_370 = arith.constant 128 : i32
      %mul3A_371 = arith.constant 512 : i32
      %mul3A_372 = arith.muli %add3A_279, %mul3A_371 : i32
      %add3A_373 = arith.addi %mul3A_2, %mul3A_372 : i32
      %dma_start3A_374 = arith.constant 0 : i32
      %dma_start3A_375 = tpu.memref_slice %arg4[%add3A_373, %dma_start3A_374] : memref<819200x64xf32, #tpu.memory_space<hbm>> -> memref<512x64xf32, #tpu.memory_space<hbm>>
      %dma_start3A_376 = arith.constant 0 : i32
      %dma_start3A_377 = tpu.memref_slice %arg4[%add3A_373, %dma_start3A_376] : memref<819200x64xf32, #tpu.memory_space<hbm>> -> memref<512x64xf32, #tpu.memory_space<hbm>>
      tpu.enqueue_dma source(%arg6 : memref<512x64xf32, #tpu.memory_space<vmem>>) target(%dma_start3A_377 : memref<512x64xf32, #tpu.memory_space<hbm>>) target_semaphore(%arg10 : memref<!tpu.dma_semaphore, #tpu.memory_space<semaphore_mem>>)
    }
    %scan3A_111 = arith.constant 24 : i32
    %dma_wait3A_112 = arith.constant 0 : i32
    %dma_wait3A_113 = arith.constant 0 : i32
    %dma_wait3A_114 = tpu.memref_slice %arg7[%dma_wait3A_112, %dma_wait3A_113] : memref<512x64xf32, #tpu.memory_space<vmem>> -> memref<128x64xf32, #tpu.memory_space<vmem>>
    %dma_wait3A_115 = arith.constant 0 : i32
    %dma_wait3A_116 = tpu.memref_slice %arg5[%dma_wait3A_115] : memref<25600xi32, #tpu.memory_space<vmem>> -> memref<128xi32, #tpu.memory_space<vmem>>
    %dma_wait3A_117 = arith.constant 0 : i32
    %dma_wait3A_118 = arith.constant 0 : i32
    %dma_wait3A_119 = tpu.memref_slice %arg3[%dma_wait3A_117, %dma_wait3A_118] : memref<1000000x64xf32, #tpu.memory_space<hbm>> -> memref<1000000x64xf32, #tpu.memory_space<hbm>>
    tpu.wait_indirect_dma semaphore(%arg9 : memref<!tpu.dma_semaphore, #tpu.memory_space<semaphore_mem>>) src(%dma_wait3A_119 : memref<1000000x64xf32, #tpu.memory_space<hbm>>) dst(%dma_wait3A_114 : memref<128x64xf32, #tpu.memory_space<vmem>>)
    %dma_wait3A_120 = arith.constant 128 : i32
    %dma_wait3A_121 = arith.constant 0 : i32
    %dma_wait3A_122 = tpu.memref_slice %arg7[%dma_wait3A_120, %dma_wait3A_121] : memref<512x64xf32, #tpu.memory_space<vmem>> -> memref<128x64xf32, #tpu.memory_space<vmem>>
    %dma_wait3A_123 = arith.constant 128 : i32
    %dma_wait3A_124 = tpu.memref_slice %arg5[%dma_wait3A_123] : memref<25600xi32, #tpu.memory_space<vmem>> -> memref<128xi32, #tpu.memory_space<vmem>>
    %dma_wait3A_125 = arith.constant 0 : i32
    %dma_wait3A_126 = arith.constant 0 : i32
    %dma_wait3A_127 = tpu.memref_slice %arg3[%dma_wait3A_125, %dma_wait3A_126] : memref<1000000x64xf32, #tpu.memory_space<hbm>> -> memref<1000000x64xf32, #tpu.memory_space<hbm>>
    tpu.wait_indirect_dma semaphore(%arg9 : memref<!tpu.dma_semaphore, #tpu.memory_space<semaphore_mem>>) src(%dma_wait3A_127 : memref<1000000x64xf32, #tpu.memory_space<hbm>>) dst(%dma_wait3A_122 : memref<128x64xf32, #tpu.memory_space<vmem>>)
    %dma_wait3A_128 = arith.constant 256 : i32
    %dma_wait3A_129 = arith.constant 0 : i32
    %dma_wait3A_130 = tpu.memref_slice %arg7[%dma_wait3A_128, %dma_wait3A_129] : memref<512x64xf32, #tpu.memory_space<vmem>> -> memref<128x64xf32, #tpu.memory_space<vmem>>
    %dma_wait3A_131 = arith.constant 256 : i32
    %dma_wait3A_132 = tpu.memref_slice %arg5[%dma_wait3A_131] : memref<25600xi32, #tpu.memory_space<vmem>> -> memref<128xi32, #tpu.memory_space<vmem>>
    %dma_wait3A_133 = arith.constant 0 : i32
    %dma_wait3A_134 = arith.constant 0 : i32
    %dma_wait3A_135 = tpu.memref_slice %arg3[%dma_wait3A_133, %dma_wait3A_134] : memref<1000000x64xf32, #tpu.memory_space<hbm>> -> memref<1000000x64xf32, #tpu.memory_space<hbm>>
    tpu.wait_indirect_dma semaphore(%arg9 : memref<!tpu.dma_semaphore, #tpu.memory_space<semaphore_mem>>) src(%dma_wait3A_135 : memref<1000000x64xf32, #tpu.memory_space<hbm>>) dst(%dma_wait3A_130 : memref<128x64xf32, #tpu.memory_space<vmem>>)
    %dma_wait3A_136 = arith.constant 384 : i32
    %dma_wait3A_137 = arith.constant 0 : i32
    %dma_wait3A_138 = tpu.memref_slice %arg7[%dma_wait3A_136, %dma_wait3A_137] : memref<512x64xf32, #tpu.memory_space<vmem>> -> memref<128x64xf32, #tpu.memory_space<vmem>>
    %dma_wait3A_139 = arith.constant 384 : i32
    %dma_wait3A_140 = tpu.memref_slice %arg5[%dma_wait3A_139] : memref<25600xi32, #tpu.memory_space<vmem>> -> memref<128xi32, #tpu.memory_space<vmem>>
    %dma_wait3A_141 = arith.constant 0 : i32
    %dma_wait3A_142 = arith.constant 0 : i32
    %dma_wait3A_143 = tpu.memref_slice %arg3[%dma_wait3A_141, %dma_wait3A_142] : memref<1000000x64xf32, #tpu.memory_space<hbm>> -> memref<1000000x64xf32, #tpu.memory_space<hbm>>
    tpu.wait_indirect_dma semaphore(%arg9 : memref<!tpu.dma_semaphore, #tpu.memory_space<semaphore_mem>>) src(%dma_wait3A_143 : memref<1000000x64xf32, #tpu.memory_space<hbm>>) dst(%dma_wait3A_138 : memref<128x64xf32, #tpu.memory_space<vmem>>)
    %iota3A_144 = tpu.iota {dimensions = array<i32: 0>} : vector<16xi32>
    %scan3A_145 = arith.constant 0 : i32
    %scan3A_146 = arith.constant 0 : i32
    %scan3A_147 = arith.constant 128 : i32
    %scan3A_148 = arith.addi %scan3A_146, %scan3A_147 : i32
    %scan3A_149 = arith.constant 1 : i32
    scf.for %scan3A_169 = %scan3A_146 to %scan3A_148 step %scan3A_149  : i32 {
      %mul3A_170 = arith.constant 4 : i32
      %mul3A_171 = arith.muli %scan3A_169, %mul3A_170 : i32
      %add3A_172 = arith.constant 0 : i32
      %add3A_173 = arith.addi %mul3A_171, %add3A_172 : i32
      %get3A = arith.index_cast %add3A_173 : i32 to index
      %get3A_174 = arith.constant 0 : index
      %get3A_175 = tpu.vector_load %arg7[%get3A, %get3A_174] {strides = array<i32>} : memref<512x64xf32, #tpu.memory_space<vmem>>, vector<1x16xf32>,
      %get3A_176 = vector.shape_cast %get3A_175 : vector<1x16xf32> to vector<16xf32>
      %get3A_177 = arith.index_cast %add3A_173 : i32 to index
      %get3A_178 = arith.constant 16 : index
      %get3A_179 = tpu.vector_load %arg7[%get3A_177, %get3A_178] {strides = array<i32>} : memref<512x64xf32, #tpu.memory_space<vmem>>, vector<1x16xf32>,
      %get3A_180 = vector.shape_cast %get3A_179 : vector<1x16xf32> to vector<16xf32>
      %get3A_181 = arith.index_cast %add3A_173 : i32 to index
      %get3A_182 = arith.constant 32 : index
      %get3A_183 = tpu.vector_load %arg7[%get3A_181, %get3A_182] {strides = array<i32>} : memref<512x64xf32, #tpu.memory_space<vmem>>, vector<1x16xf32>,
      %get3A_184 = vector.shape_cast %get3A_183 : vector<1x16xf32> to vector<16xf32>
      %get3A_185 = arith.index_cast %add3A_173 : i32 to index
      %get3A_186 = arith.constant 48 : index
      %get3A_187 = tpu.vector_load %arg7[%get3A_185, %get3A_186] {strides = array<i32>} : memref<512x64xf32, #tpu.memory_space<vmem>>, vector<1x16xf32>,
      %get3A_188 = vector.shape_cast %get3A_187 : vector<1x16xf32> to vector<16xf32>
      %mul3A_189 = arith.mulf %get3A_176, %get3A_176 : vector<16xf32>
      %mul3A_190 = arith.mulf %get3A_180, %get3A_180 : vector<16xf32>
      %add3A_191 = arith.addf %mul3A_189, %mul3A_190 : vector<16xf32>
      %mul3A_192 = arith.mulf %get3A_184, %get3A_184 : vector<16xf32>
      %add3A_193 = arith.addf %add3A_191, %mul3A_192 : vector<16xf32>
      %mul3A_194 = arith.mulf %get3A_188, %get3A_188 : vector<16xf32>
      %add3A_195 = arith.addf %add3A_193, %mul3A_194 : vector<16xf32>
      %xor3A = arith.constant 8 : i32
      %xor3A_196 = vector.broadcast %xor3A : i32 to vector<16xi32>
      %xor3A_197 = arith.xori %iota3A_144, %xor3A_196 : vector<16xi32>
      %lt3A = arith.constant 0 : i32
      %lt3A_198 = vector.broadcast %lt3A : i32 to vector<16xi32>
      %lt3A_199 = arith.cmpi slt, %xor3A_197, %lt3A_198 : vector<16xi32>
      %add3A_200 = arith.constant 16 : i32
      %add3A_201 = vector.broadcast %add3A_200 : i32 to vector<16xi32>
      %add3A_202 = arith.addi %xor3A_197, %add3A_201 : vector<16xi32>
      %select_n3A = arith.select %lt3A_199, %add3A_202, %xor3A_197 : vector<16xi1>, vector<16xi32>
      %broadcast_in_dim3A = vector.shape_cast %select_n3A : vector<16xi32> to vector<16x1xi32>
      %gather3A = vector.shape_cast %broadcast_in_dim3A : vector<16x1xi32> to vector<16xi32>
      %gather3A_203 = tpu.dynamic_gather %add3A_195[%gather3A] in [0] : vector<16xf32>, vector<16xi32> -> vector<16xf32>
      %add3A_204 = arith.addf %add3A_195, %gather3A_203 : vector<16xf32>
      %xor3A_205 = arith.constant 4 : i32
      %xor3A_206 = vector.broadcast %xor3A_205 : i32 to vector<16xi32>
      %xor3A_207 = arith.xori %iota3A_144, %xor3A_206 : vector<16xi32>
      %lt3A_208 = arith.constant 0 : i32
      %lt3A_209 = vector.broadcast %lt3A_208 : i32 to vector<16xi32>
      %lt3A_210 = arith.cmpi slt, %xor3A_207, %lt3A_209 : vector<16xi32>
      %add3A_211 = arith.constant 16 : i32
      %add3A_212 = vector.broadcast %add3A_211 : i32 to vector<16xi32>
      %add3A_213 = arith.addi %xor3A_207, %add3A_212 : vector<16xi32>
      %select_n3A_214 = arith.select %lt3A_210, %add3A_213, %xor3A_207 : vector<16xi1>, vector<16xi32>
      %broadcast_in_dim3A_215 = vector.shape_cast %select_n3A_214 : vector<16xi32> to vector<16x1xi32>
      %gather3A_216 = vector.shape_cast %broadcast_in_dim3A_215 : vector<16x1xi32> to vector<16xi32>
      %gather3A_217 = tpu.dynamic_gather %add3A_204[%gather3A_216] in [0] : vector<16xf32>, vector<16xi32> -> vector<16xf32>
      %add3A_218 = arith.addf %add3A_204, %gather3A_217 : vector<16xf32>
      %xor3A_219 = arith.constant 2 : i32
      %xor3A_220 = vector.broadcast %xor3A_219 : i32 to vector<16xi32>
      %xor3A_221 = arith.xori %iota3A_144, %xor3A_220 : vector<16xi32>
      %lt3A_222 = arith.constant 0 : i32
      %lt3A_223 = vector.broadcast %lt3A_222 : i32 to vector<16xi32>
      %lt3A_224 = arith.cmpi slt, %xor3A_221, %lt3A_223 : vector<16xi32>
      %add3A_225 = arith.constant 16 : i32
      %add3A_226 = vector.broadcast %add3A_225 : i32 to vector<16xi32>
      %add3A_227 = arith.addi %xor3A_221, %add3A_226 : vector<16xi32>
      %select_n3A_228 = arith.select %lt3A_224, %add3A_227, %xor3A_221 : vector<16xi1>, vector<16xi32>
      %broadcast_in_dim3A_229 = vector.shape_cast %select_n3A_228 : vector<16xi32> to vector<16x1xi32>
      %gather3A_230 = vector.shape_cast %broadcast_in_dim3A_229 : vector<16x1xi32> to vector<16xi32>
      %gather3A_231 = tpu.dynamic_gather %add3A_218[%gather3A_230] in [0] : vector<16xf32>, vector<16xi32> -> vector<16xf32>
      %add3A_232 = arith.addf %add3A_218, %gather3A_231 : vector<16xf32>
      %xor3A_233 = arith.constant 1 : i32
      %xor3A_234 = vector.broadcast %xor3A_233 : i32 to vector<16xi32>
      %xor3A_235 = arith.xori %iota3A_144, %xor3A_234 : vector<16xi32>
      %lt3A_236 = arith.constant 0 : i32
      %lt3A_237 = vector.broadcast %lt3A_236 : i32 to vector<16xi32>
      %lt3A_238 = arith.cmpi slt, %xor3A_235, %lt3A_237 : vector<16xi32>
      %add3A_239 = arith.constant 16 : i32
      %add3A_240 = vector.broadcast %add3A_239 : i32 to vector<16xi32>
      %add3A_241 = arith.addi %xor3A_235, %add3A_240 : vector<16xi32>
      %select_n3A_242 = arith.select %lt3A_238, %add3A_241, %xor3A_235 : vector<16xi1>, vector<16xi32>
      %broadcast_in_dim3A_243 = vector.shape_cast %select_n3A_242 : vector<16xi32> to vector<16x1xi32>
      %gather3A_244 = vector.shape_cast %broadcast_in_dim3A_243 : vector<16x1xi32> to vector<16xi32>
      %gather3A_245 = tpu.dynamic_gather %add3A_232[%gather3A_244] in [0] : vector<16xf32>, vector<16xi32> -> vector<16xf32>
      %add3A_246 = arith.addf %add3A_232, %gather3A_245 : vector<16xf32>
      %bitcast_convert_type3A = tpu.bitcast %add3A_246 : vector<16xf32> -> vector<16xi32>
      %broadcast_in_dim3A_247 = arith.constant 1597463007 : i32
      %broadcast_in_dim3A_248 = vector.broadcast %broadcast_in_dim3A_247 : i32 to vector<16xi32>
      %shift_right_logical3A = arith.constant 1 : i32
      %shift_right_logical3A_249 = vector.broadcast %shift_right_logical3A : i32 to vector<16xi32>
      %shift_right_logical3A_250 = arith.shrui %bitcast_convert_type3A, %shift_right_logical3A_249 : vector<16xi32>
      %sub3A = arith.subi %broadcast_in_dim3A_248, %shift_right_logical3A_250 : vector<16xi32>
      %bitcast_convert_type3A_251 = tpu.bitcast %sub3A : vector<16xi32> -> vector<16xf32>
      %mul3A_252 = arith.constant 5.000000e-01 : f32
      %mul3A_253 = vector.broadcast %mul3A_252 : f32 to vector<16xf32>
      %mul3A_254 = arith.mulf %mul3A_253, %add3A_246 : vector<16xf32>
      %mul3A_255 = arith.mulf %mul3A_254, %bitcast_convert_type3A_251 : vector<16xf32>
      %mul3A_256 = arith.mulf %mul3A_255, %bitcast_convert_type3A_251 : vector<16xf32>
      %sub3A_257 = arith.constant 1.500000e+00 : f32
      %sub3A_258 = vector.broadcast %sub3A_257 : f32 to vector<16xf32>
      %sub3A_259 = arith.subf %sub3A_258, %mul3A_256 : vector<16xf32>
      %mul3A_260 = arith.mulf %bitcast_convert_type3A_251, %sub3A_259 : vector<16xf32>
      %mul3A_261 = arith.mulf %mul3A_254, %mul3A_260 : vector<16xf32>
      %mul3A_262 = arith.mulf %mul3A_261, %mul3A_260 : vector<16xf32>
      %sub3A_263 = arith.constant 1.500000e+00 : f32
      %sub3A_264 = vector.broadcast %sub3A_263 : f32 to vector<16xf32>
      %sub3A_265 = arith.subf %sub3A_264, %mul3A_262 : vector<16xf32>
      %mul3A_266 = arith.mulf %mul3A_260, %sub3A_265 : vector<16xf32>
      %mul3A_267 = arith.mulf %mul3A_254, %mul3A_266 : vector<16xf32>
      %mul3A_268 = arith.mulf %mul3A_267, %mul3A_266 : vector<16xf32>
      %sub3A_269 = arith.constant 1.500000e+00 : f32
      %sub3A_270 = vector.broadcast %sub3A_269 : f32 to vector<16xf32>
      %sub3A_271 = arith.subf %sub3A_270, %mul3A_268 : vector<16xf32>
      %mul3A_272 = arith.mulf %mul3A_266, %sub3A_271 : vector<16xf32>
      %mul3A_273 = arith.mulf %get3A_176, %mul3A_272 : vector<16xf32>
      %swap3A = arith.index_cast %add3A_173 : i32 to index
      %swap3A_274 = arith.constant 0 : index
      %swap3A_275 = tpu.vector_load %arg7[%swap3A, %swap3A_274] {strides = array<i32>} : memref<512x64xf32, #tpu.memory_space<vmem>>, vector<1x16xf32>,
      %swap3A_276 = vector.shape_cast %swap3A_275 : vector<1x16xf32> to vector<16xf32>
      %swap3A_277 = vector.shape_cast %mul3A_273 : vector<16xf32> to vector<1x16xf32>
      tpu.vector_store %arg7[%swap3A, %swap3A_274], %swap3A_277 {strides = array<i32>} : memref<512x64xf32, #tpu.memory_space<vmem>>, vector<1x16xf32>,
      %mul3A_278 = arith.mulf %get3A_180, %mul3A_272 : vector<16xf32>
      %swap3A_279 = arith.index_cast %add3A_173 : i32 to index
      %swap3A_280 = arith.constant 16 : index
      %swap3A_281 = tpu.vector_load %arg7[%swap3A_279, %swap3A_280] {strides = array<i32>} : memref<512x64xf32, #tpu.memory_space<vmem>>, vector<1x16xf32>,
      %swap3A_282 = vector.shape_cast %swap3A_281 : vector<1x16xf32> to vector<16xf32>
      %swap3A_283 = vector.shape_cast %mul3A_278 : vector<16xf32> to vector<1x16xf32>
      tpu.vector_store %arg7[%swap3A_279, %swap3A_280], %swap3A_283 {strides = array<i32>} : memref<512x64xf32, #tpu.memory_space<vmem>>, vector<1x16xf32>,
      %mul3A_284 = arith.mulf %get3A_184, %mul3A_272 : vector<16xf32>
      %swap3A_285 = arith.index_cast %add3A_173 : i32 to index
      %swap3A_286 = arith.constant 32 : index
      %swap3A_287 = tpu.vector_load %arg7[%swap3A_285, %swap3A_286] {strides = array<i32>} : memref<512x64xf32, #tpu.memory_space<vmem>>, vector<1x16xf32>,
      %swap3A_288 = vector.shape_cast %swap3A_287 : vector<1x16xf32> to vector<16xf32>
      %swap3A_289 = vector.shape_cast %mul3A_284 : vector<16xf32> to vector<1x16xf32>
      tpu.vector_store %arg7[%swap3A_285, %swap3A_286], %swap3A_289 {strides = array<i32>} : memref<512x64xf32, #tpu.memory_space<vmem>>, vector<1x16xf32>,
      %mul3A_290 = arith.mulf %get3A_188, %mul3A_272 : vector<16xf32>
      %swap3A_291 = arith.index_cast %add3A_173 : i32 to index
      %swap3A_292 = arith.constant 48 : index
      %swap3A_293 = tpu.vector_load %arg7[%swap3A_291, %swap3A_292] {strides = array<i32>} : memref<512x64xf32, #tpu.memory_space<vmem>>, vector<1x16xf32>,
      %swap3A_294 = vector.shape_cast %swap3A_293 : vector<1x16xf32> to vector<16xf32>
      %swap3A_295 = vector.shape_cast %mul3A_290 : vector<16xf32> to vector<1x16xf32>
      tpu.vector_store %arg7[%swap3A_291, %swap3A_292], %swap3A_295 {strides = array<i32>} : memref<512x64xf32, #tpu.memory_space<vmem>>, vector<1x16xf32>,
      %add3A_296 = arith.constant 1 : i32
      %add3A_297 = arith.addi %mul3A_171, %add3A_296 : i32
      %get3A_298 = arith.index_cast %add3A_297 : i32 to index
      %get3A_299 = arith.constant 0 : index
      %get3A_300 = tpu.vector_load %arg7[%get3A_298, %get3A_299] {strides = array<i32>} : memref<512x64xf32, #tpu.memory_space<vmem>>, vector<1x16xf32>,
      %get3A_301 = vector.shape_cast %get3A_300 : vector<1x16xf32> to vector<16xf32>
      %get3A_302 = arith.index_cast %add3A_297 : i32 to index
      %get3A_303 = arith.constant 16 : index
      %get3A_304 = tpu.vector_load %arg7[%get3A_302, %get3A_303] {strides = array<i32>} : memref<512x64xf32, #tpu.memory_space<vmem>>, vector<1x16xf32>,
      %get3A_305 = vector.shape_cast %get3A_304 : vector<1x16xf32> to vector<16xf32>
      %get3A_306 = arith.index_cast %add3A_297 : i32 to index
      %get3A_307 = arith.constant 32 : index
      %get3A_308 = tpu.vector_load %arg7[%get3A_306, %get3A_307] {strides = array<i32>} : memref<512x64xf32, #tpu.memory_space<vmem>>, vector<1x16xf32>,
      %get3A_309 = vector.shape_cast %get3A_308 : vector<1x16xf32> to vector<16xf32>
      %get3A_310 = arith.index_cast %add3A_297 : i32 to index
      %get3A_311 = arith.constant 48 : index
      %get3A_312 = tpu.vector_load %arg7[%get3A_310, %get3A_311] {strides = array<i32>} : memref<512x64xf32, #tpu.memory_space<vmem>>, vector<1x16xf32>,
      %get3A_313 = vector.shape_cast %get3A_312 : vector<1x16xf32> to vector<16xf32>
      %mul3A_314 = arith.mulf %get3A_301, %get3A_301 : vector<16xf32>
      %mul3A_315 = arith.mulf %get3A_305, %get3A_305 : vector<16xf32>
      %add3A_316 = arith.addf %mul3A_314, %mul3A_315 : vector<16xf32>
      %mul3A_317 = arith.mulf %get3A_309, %get3A_309 : vector<16xf32>
      %add3A_318 = arith.addf %add3A_316, %mul3A_317 : vector<16xf32>
      %mul3A_319 = arith.mulf %get3A_313, %get3A_313 : vector<16xf32>
      %add3A_320 = arith.addf %add3A_318, %mul3A_319 : vector<16xf32>
      %xor3A_321 = arith.constant 8 : i32
      %xor3A_322 = vector.broadcast %xor3A_321 : i32 to vector<16xi32>
      %xor3A_323 = arith.xori %iota3A_144, %xor3A_322 : vector<16xi32>
      %lt3A_324 = arith.constant 0 : i32
      %lt3A_325 = vector.broadcast %lt3A_324 : i32 to vector<16xi32>
      %lt3A_326 = arith.cmpi slt, %xor3A_323, %lt3A_325 : vector<16xi32>
      %add3A_327 = arith.constant 16 : i32
      %add3A_328 = vector.broadcast %add3A_327 : i32 to vector<16xi32>
      %add3A_329 = arith.addi %xor3A_323, %add3A_328 : vector<16xi32>
      %select_n3A_330 = arith.select %lt3A_326, %add3A_329, %xor3A_323 : vector<16xi1>, vector<16xi32>
      %broadcast_in_dim3A_331 = vector.shape_cast %select_n3A_330 : vector<16xi32> to vector<16x1xi32>
      %gather3A_332 = vector.shape_cast %broadcast_in_dim3A_331 : vector<16x1xi32> to vector<16xi32>
      %gather3A_333 = tpu.dynamic_gather %add3A_320[%gather3A_332] in [0] : vector<16xf32>, vector<16xi32> -> vector<16xf32>
      %add3A_334 = arith.addf %add3A_320, %gather3A_333 : vector<16xf32>
      %xor3A_335 = arith.constant 4 : i32
      %xor3A_336 = vector.broadcast %xor3A_335 : i32 to vector<16xi32>
      %xor3A_337 = arith.xori %iota3A_144, %xor3A_336 : vector<16xi32>
      %lt3A_338 = arith.constant 0 : i32
      %lt3A_339 = vector.broadcast %lt3A_338 : i32 to vector<16xi32>
      %lt3A_340 = arith.cmpi slt, %xor3A_337, %lt3A_339 : vector<16xi32>
      %add3A_341 = arith.constant 16 : i32
      %add3A_342 = vector.broadcast %add3A_341 : i32 to vector<16xi32>
      %add3A_343 = arith.addi %xor3A_337, %add3A_342 : vector<16xi32>
      %select_n3A_344 = arith.select %lt3A_340, %add3A_343, %xor3A_337 : vector<16xi1>, vector<16xi32>
      %broadcast_in_dim3A_345 = vector.shape_cast %select_n3A_344 : vector<16xi32> to vector<16x1xi32>
      %gather3A_346 = vector.shape_cast %broadcast_in_dim3A_345 : vector<16x1xi32> to vector<16xi32>
      %gather3A_347 = tpu.dynamic_gather %add3A_334[%gather3A_346] in [0] : vector<16xf32>, vector<16xi32> -> vector<16xf32>
      %add3A_348 = arith.addf %add3A_334, %gather3A_347 : vector<16xf32>
      %xor3A_349 = arith.constant 2 : i32
      %xor3A_350 = vector.broadcast %xor3A_349 : i32 to vector<16xi32>
      %xor3A_351 = arith.xori %iota3A_144, %xor3A_350 : vector<16xi32>
      %lt3A_352 = arith.constant 0 : i32
      %lt3A_353 = vector.broadcast %lt3A_352 : i32 to vector<16xi32>
      %lt3A_354 = arith.cmpi slt, %xor3A_351, %lt3A_353 : vector<16xi32>
      %add3A_355 = arith.constant 16 : i32
      %add3A_356 = vector.broadcast %add3A_355 : i32 to vector<16xi32>
      %add3A_357 = arith.addi %xor3A_351, %add3A_356 : vector<16xi32>
      %select_n3A_358 = arith.select %lt3A_354, %add3A_357, %xor3A_351 : vector<16xi1>, vector<16xi32>
      %broadcast_in_dim3A_359 = vector.shape_cast %select_n3A_358 : vector<16xi32> to vector<16x1xi32>
      %gather3A_360 = vector.shape_cast %broadcast_in_dim3A_359 : vector<16x1xi32> to vector<16xi32>
      %gather3A_361 = tpu.dynamic_gather %add3A_348[%gather3A_360] in [0] : vector<16xf32>, vector<16xi32> -> vector<16xf32>
      %add3A_362 = arith.addf %add3A_348, %gather3A_361 : vector<16xf32>
      %xor3A_363 = arith.constant 1 : i32
      %xor3A_364 = vector.broadcast %xor3A_363 : i32 to vector<16xi32>
      %xor3A_365 = arith.xori %iota3A_144, %xor3A_364 : vector<16xi32>
      %lt3A_366 = arith.constant 0 : i32
      %lt3A_367 = vector.broadcast %lt3A_366 : i32 to vector<16xi32>
      %lt3A_368 = arith.cmpi slt, %xor3A_365, %lt3A_367 : vector<16xi32>
      %add3A_369 = arith.constant 16 : i32
      %add3A_370 = vector.broadcast %add3A_369 : i32 to vector<16xi32>
      %add3A_371 = arith.addi %xor3A_365, %add3A_370 : vector<16xi32>
      %select_n3A_372 = arith.select %lt3A_368, %add3A_371, %xor3A_365 : vector<16xi1>, vector<16xi32>
      %broadcast_in_dim3A_373 = vector.shape_cast %select_n3A_372 : vector<16xi32> to vector<16x1xi32>
      %gather3A_374 = vector.shape_cast %broadcast_in_dim3A_373 : vector<16x1xi32> to vector<16xi32>
      %gather3A_375 = tpu.dynamic_gather %add3A_362[%gather3A_374] in [0] : vector<16xf32>, vector<16xi32> -> vector<16xf32>
      %add3A_376 = arith.addf %add3A_362, %gather3A_375 : vector<16xf32>
      %bitcast_convert_type3A_377 = tpu.bitcast %add3A_376 : vector<16xf32> -> vector<16xi32>
      %broadcast_in_dim3A_378 = arith.constant 1597463007 : i32
      %broadcast_in_dim3A_379 = vector.broadcast %broadcast_in_dim3A_378 : i32 to vector<16xi32>
      %shift_right_logical3A_380 = arith.constant 1 : i32
      %shift_right_logical3A_381 = vector.broadcast %shift_right_logical3A_380 : i32 to vector<16xi32>
      %shift_right_logical3A_382 = arith.shrui %bitcast_convert_type3A_377, %shift_right_logical3A_381 : vector<16xi32>
      %sub3A_383 = arith.subi %broadcast_in_dim3A_379, %shift_right_logical3A_382 : vector<16xi32>
      %bitcast_convert_type3A_384 = tpu.bitcast %sub3A_383 : vector<16xi32> -> vector<16xf32>
      %mul3A_385 = arith.constant 5.000000e-01 : f32
      %mul3A_386 = vector.broadcast %mul3A_385 : f32 to vector<16xf32>
      %mul3A_387 = arith.mulf %mul3A_386, %add3A_376 : vector<16xf32>
      %mul3A_388 = arith.mulf %mul3A_387, %bitcast_convert_type3A_384 : vector<16xf32>
      %mul3A_389 = arith.mulf %mul3A_388, %bitcast_convert_type3A_384 : vector<16xf32>
      %sub3A_390 = arith.constant 1.500000e+00 : f32
      %sub3A_391 = vector.broadcast %sub3A_390 : f32 to vector<16xf32>
      %sub3A_392 = arith.subf %sub3A_391, %mul3A_389 : vector<16xf32>
      %mul3A_393 = arith.mulf %bitcast_convert_type3A_384, %sub3A_392 : vector<16xf32>
      %mul3A_394 = arith.mulf %mul3A_387, %mul3A_393 : vector<16xf32>
      %mul3A_395 = arith.mulf %mul3A_394, %mul3A_393 : vector<16xf32>
      %sub3A_396 = arith.constant 1.500000e+00 : f32
      %sub3A_397 = vector.broadcast %sub3A_396 : f32 to vector<16xf32>
      %sub3A_398 = arith.subf %sub3A_397, %mul3A_395 : vector<16xf32>
      %mul3A_399 = arith.mulf %mul3A_393, %sub3A_398 : vector<16xf32>
      %mul3A_400 = arith.mulf %mul3A_387, %mul3A_399 : vector<16xf32>
      %mul3A_401 = arith.mulf %mul3A_400, %mul3A_399 : vector<16xf32>
      %sub3A_402 = arith.constant 1.500000e+00 : f32
      %sub3A_403 = vector.broadcast %sub3A_402 : f32 to vector<16xf32>
      %sub3A_404 = arith.subf %sub3A_403, %mul3A_401 : vector<16xf32>
      %mul3A_405 = arith.mulf %mul3A_399, %sub3A_404 : vector<16xf32>
      %mul3A_406 = arith.mulf %get3A_301, %mul3A_405 : vector<16xf32>
      %swap3A_407 = arith.index_cast %add3A_297 : i32 to index
      %swap3A_408 = arith.constant 0 : index
      %swap3A_409 = tpu.vector_load %arg7[%swap3A_407, %swap3A_408] {strides = array<i32>} : memref<512x64xf32, #tpu.memory_space<vmem>>, vector<1x16xf32>,
      %swap3A_410 = vector.shape_cast %swap3A_409 : vector<1x16xf32> to vector<16xf32>
      %swap3A_411 = vector.shape_cast %mul3A_406 : vector<16xf32> to vector<1x16xf32>
      tpu.vector_store %arg7[%swap3A_407, %swap3A_408], %swap3A_411 {strides = array<i32>} : memref<512x64xf32, #tpu.memory_space<vmem>>, vector<1x16xf32>,
      %mul3A_412 = arith.mulf %get3A_305, %mul3A_405 : vector<16xf32>
      %swap3A_413 = arith.index_cast %add3A_297 : i32 to index
      %swap3A_414 = arith.constant 16 : index
      %swap3A_415 = tpu.vector_load %arg7[%swap3A_413, %swap3A_414] {strides = array<i32>} : memref<512x64xf32, #tpu.memory_space<vmem>>, vector<1x16xf32>,
      %swap3A_416 = vector.shape_cast %swap3A_415 : vector<1x16xf32> to vector<16xf32>
      %swap3A_417 = vector.shape_cast %mul3A_412 : vector<16xf32> to vector<1x16xf32>
      tpu.vector_store %arg7[%swap3A_413, %swap3A_414], %swap3A_417 {strides = array<i32>} : memref<512x64xf32, #tpu.memory_space<vmem>>, vector<1x16xf32>,
      %mul3A_418 = arith.mulf %get3A_309, %mul3A_405 : vector<16xf32>
      %swap3A_419 = arith.index_cast %add3A_297 : i32 to index
      %swap3A_420 = arith.constant 32 : index
      %swap3A_421 = tpu.vector_load %arg7[%swap3A_419, %swap3A_420] {strides = array<i32>} : memref<512x64xf32, #tpu.memory_space<vmem>>, vector<1x16xf32>,
      %swap3A_422 = vector.shape_cast %swap3A_421 : vector<1x16xf32> to vector<16xf32>
      %swap3A_423 = vector.shape_cast %mul3A_418 : vector<16xf32> to vector<1x16xf32>
      tpu.vector_store %arg7[%swap3A_419, %swap3A_420], %swap3A_423 {strides = array<i32>} : memref<512x64xf32, #tpu.memory_space<vmem>>, vector<1x16xf32>,
      %mul3A_424 = arith.mulf %get3A_313, %mul3A_405 : vector<16xf32>
      %swap3A_425 = arith.index_cast %add3A_297 : i32 to index
      %swap3A_426 = arith.constant 48 : index
      %swap3A_427 = tpu.vector_load %arg7[%swap3A_425, %swap3A_426] {strides = array<i32>} : memref<512x64xf32, #tpu.memory_space<vmem>>, vector<1x16xf32>,
      %swap3A_428 = vector.shape_cast %swap3A_427 : vector<1x16xf32> to vector<16xf32>
      %swap3A_429 = vector.shape_cast %mul3A_424 : vector<16xf32> to vector<1x16xf32>
      tpu.vector_store %arg7[%swap3A_425, %swap3A_426], %swap3A_429 {strides = array<i32>} : memref<512x64xf32, #tpu.memory_space<vmem>>, vector<1x16xf32>,
      %add3A_430 = arith.constant 2 : i32
      %add3A_431 = arith.addi %mul3A_171, %add3A_430 : i32
      %get3A_432 = arith.index_cast %add3A_431 : i32 to index
      %get3A_433 = arith.constant 0 : index
      %get3A_434 = tpu.vector_load %arg7[%get3A_432, %get3A_433] {strides = array<i32>} : memref<512x64xf32, #tpu.memory_space<vmem>>, vector<1x16xf32>,
      %get3A_435 = vector.shape_cast %get3A_434 : vector<1x16xf32> to vector<16xf32>
      %get3A_436 = arith.index_cast %add3A_431 : i32 to index
      %get3A_437 = arith.constant 16 : index
      %get3A_438 = tpu.vector_load %arg7[%get3A_436, %get3A_437] {strides = array<i32>} : memref<512x64xf32, #tpu.memory_space<vmem>>, vector<1x16xf32>,
      %get3A_439 = vector.shape_cast %get3A_438 : vector<1x16xf32> to vector<16xf32>
      %get3A_440 = arith.index_cast %add3A_431 : i32 to index
      %get3A_441 = arith.constant 32 : index
      %get3A_442 = tpu.vector_load %arg7[%get3A_440, %get3A_441] {strides = array<i32>} : memref<512x64xf32, #tpu.memory_space<vmem>>, vector<1x16xf32>,
      %get3A_443 = vector.shape_cast %get3A_442 : vector<1x16xf32> to vector<16xf32>
      %get3A_444 = arith.index_cast %add3A_431 : i32 to index
      %get3A_445 = arith.constant 48 : index
      %get3A_446 = tpu.vector_load %arg7[%get3A_444, %get3A_445] {strides = array<i32>} : memref<512x64xf32, #tpu.memory_space<vmem>>, vector<1x16xf32>,
      %get3A_447 = vector.shape_cast %get3A_446 : vector<1x16xf32> to vector<16xf32>
      %mul3A_448 = arith.mulf %get3A_435, %get3A_435 : vector<16xf32>
      %mul3A_449 = arith.mulf %get3A_439, %get3A_439 : vector<16xf32>
      %add3A_450 = arith.addf %mul3A_448, %mul3A_449 : vector<16xf32>
      %mul3A_451 = arith.mulf %get3A_443, %get3A_443 : vector<16xf32>
      %add3A_452 = arith.addf %add3A_450, %mul3A_451 : vector<16xf32>
      %mul3A_453 = arith.mulf %get3A_447, %get3A_447 : vector<16xf32>
      %add3A_454 = arith.addf %add3A_452, %mul3A_453 : vector<16xf32>
      %xor3A_455 = arith.constant 8 : i32
      %xor3A_456 = vector.broadcast %xor3A_455 : i32 to vector<16xi32>
      %xor3A_457 = arith.xori %iota3A_144, %xor3A_456 : vector<16xi32>
      %lt3A_458 = arith.constant 0 : i32
      %lt3A_459 = vector.broadcast %lt3A_458 : i32 to vector<16xi32>
      %lt3A_460 = arith.cmpi slt, %xor3A_457, %lt3A_459 : vector<16xi32>
      %add3A_461 = arith.constant 16 : i32
      %add3A_462 = vector.broadcast %add3A_461 : i32 to vector<16xi32>
      %add3A_463 = arith.addi %xor3A_457, %add3A_462 : vector<16xi32>
      %select_n3A_464 = arith.select %lt3A_460, %add3A_463, %xor3A_457 : vector<16xi1>, vector<16xi32>
      %broadcast_in_dim3A_465 = vector.shape_cast %select_n3A_464 : vector<16xi32> to vector<16x1xi32>
      %gather3A_466 = vector.shape_cast %broadcast_in_dim3A_465 : vector<16x1xi32> to vector<16xi32>
      %gather3A_467 = tpu.dynamic_gather %add3A_454[%gather3A_466] in [0] : vector<16xf32>, vector<16xi32> -> vector<16xf32>
      %add3A_468 = arith.addf %add3A_454, %gather3A_467 : vector<16xf32>
      %xor3A_469 = arith.constant 4 : i32
      %xor3A_470 = vector.broadcast %xor3A_469 : i32 to vector<16xi32>
      %xor3A_471 = arith.xori %iota3A_144, %xor3A_470 : vector<16xi32>
      %lt3A_472 = arith.constant 0 : i32
      %lt3A_473 = vector.broadcast %lt3A_472 : i32 to vector<16xi32>
      %lt3A_474 = arith.cmpi slt, %xor3A_471, %lt3A_473 : vector<16xi32>
      %add3A_475 = arith.constant 16 : i32
      %add3A_476 = vector.broadcast %add3A_475 : i32 to vector<16xi32>
      %add3A_477 = arith.addi %xor3A_471, %add3A_476 : vector<16xi32>
      %select_n3A_478 = arith.select %lt3A_474, %add3A_477, %xor3A_471 : vector<16xi1>, vector<16xi32>
      %broadcast_in_dim3A_479 = vector.shape_cast %select_n3A_478 : vector<16xi32> to vector<16x1xi32>
      %gather3A_480 = vector.shape_cast %broadcast_in_dim3A_479 : vector<16x1xi32> to vector<16xi32>
      %gather3A_481 = tpu.dynamic_gather %add3A_468[%gather3A_480] in [0] : vector<16xf32>, vector<16xi32> -> vector<16xf32>
      %add3A_482 = arith.addf %add3A_468, %gather3A_481 : vector<16xf32>
      %xor3A_483 = arith.constant 2 : i32
      %xor3A_484 = vector.broadcast %xor3A_483 : i32 to vector<16xi32>
      %xor3A_485 = arith.xori %iota3A_144, %xor3A_484 : vector<16xi32>
      %lt3A_486 = arith.constant 0 : i32
      %lt3A_487 = vector.broadcast %lt3A_486 : i32 to vector<16xi32>
      %lt3A_488 = arith.cmpi slt, %xor3A_485, %lt3A_487 : vector<16xi32>
      %add3A_489 = arith.constant 16 : i32
      %add3A_490 = vector.broadcast %add3A_489 : i32 to vector<16xi32>
      %add3A_491 = arith.addi %xor3A_485, %add3A_490 : vector<16xi32>
      %select_n3A_492 = arith.select %lt3A_488, %add3A_491, %xor3A_485 : vector<16xi1>, vector<16xi32>
      %broadcast_in_dim3A_493 = vector.shape_cast %select_n3A_492 : vector<16xi32> to vector<16x1xi32>
      %gather3A_494 = vector.shape_cast %broadcast_in_dim3A_493 : vector<16x1xi32> to vector<16xi32>
      %gather3A_495 = tpu.dynamic_gather %add3A_482[%gather3A_494] in [0] : vector<16xf32>, vector<16xi32> -> vector<16xf32>
      %add3A_496 = arith.addf %add3A_482, %gather3A_495 : vector<16xf32>
      %xor3A_497 = arith.constant 1 : i32
      %xor3A_498 = vector.broadcast %xor3A_497 : i32 to vector<16xi32>
      %xor3A_499 = arith.xori %iota3A_144, %xor3A_498 : vector<16xi32>
      %lt3A_500 = arith.constant 0 : i32
      %lt3A_501 = vector.broadcast %lt3A_500 : i32 to vector<16xi32>
      %lt3A_502 = arith.cmpi slt, %xor3A_499, %lt3A_501 : vector<16xi32>
      %add3A_503 = arith.constant 16 : i32
      %add3A_504 = vector.broadcast %add3A_503 : i32 to vector<16xi32>
      %add3A_505 = arith.addi %xor3A_499, %add3A_504 : vector<16xi32>
      %select_n3A_506 = arith.select %lt3A_502, %add3A_505, %xor3A_499 : vector<16xi1>, vector<16xi32>
      %broadcast_in_dim3A_507 = vector.shape_cast %select_n3A_506 : vector<16xi32> to vector<16x1xi32>
      %gather3A_508 = vector.shape_cast %broadcast_in_dim3A_507 : vector<16x1xi32> to vector<16xi32>
      %gather3A_509 = tpu.dynamic_gather %add3A_496[%gather3A_508] in [0] : vector<16xf32>, vector<16xi32> -> vector<16xf32>
      %add3A_510 = arith.addf %add3A_496, %gather3A_509 : vector<16xf32>
      %bitcast_convert_type3A_511 = tpu.bitcast %add3A_510 : vector<16xf32> -> vector<16xi32>
      %broadcast_in_dim3A_512 = arith.constant 1597463007 : i32
      %broadcast_in_dim3A_513 = vector.broadcast %broadcast_in_dim3A_512 : i32 to vector<16xi32>
      %shift_right_logical3A_514 = arith.constant 1 : i32
      %shift_right_logical3A_515 = vector.broadcast %shift_right_logical3A_514 : i32 to vector<16xi32>
      %shift_right_logical3A_516 = arith.shrui %bitcast_convert_type3A_511, %shift_right_logical3A_515 : vector<16xi32>
      %sub3A_517 = arith.subi %broadcast_in_dim3A_513, %shift_right_logical3A_516 : vector<16xi32>
      %bitcast_convert_type3A_518 = tpu.bitcast %sub3A_517 : vector<16xi32> -> vector<16xf32>
      %mul3A_519 = arith.constant 5.000000e-01 : f32
      %mul3A_520 = vector.broadcast %mul3A_519 : f32 to vector<16xf32>
      %mul3A_521 = arith.mulf %mul3A_520, %add3A_510 : vector<16xf32>
      %mul3A_522 = arith.mulf %mul3A_521, %bitcast_convert_type3A_518 : vector<16xf32>
      %mul3A_523 = arith.mulf %mul3A_522, %bitcast_convert_type3A_518 : vector<16xf32>
      %sub3A_524 = arith.constant 1.500000e+00 : f32
      %sub3A_525 = vector.broadcast %sub3A_524 : f32 to vector<16xf32>
      %sub3A_526 = arith.subf %sub3A_525, %mul3A_523 : vector<16xf32>
      %mul3A_527 = arith.mulf %bitcast_convert_type3A_518, %sub3A_526 : vector<16xf32>
      %mul3A_528 = arith.mulf %mul3A_521, %mul3A_527 : vector<16xf32>
      %mul3A_529 = arith.mulf %mul3A_528, %mul3A_527 : vector<16xf32>
      %sub3A_530 = arith.constant 1.500000e+00 : f32
      %sub3A_531 = vector.broadcast %sub3A_530 : f32 to vector<16xf32>
      %sub3A_532 = arith.subf %sub3A_531, %mul3A_529 : vector<16xf32>
      %mul3A_533 = arith.mulf %mul3A_527, %sub3A_532 : vector<16xf32>
      %mul3A_534 = arith.mulf %mul3A_521, %mul3A_533 : vector<16xf32>
      %mul3A_535 = arith.mulf %mul3A_534, %mul3A_533 : vector<16xf32>
      %sub3A_536 = arith.constant 1.500000e+00 : f32
      %sub3A_537 = vector.broadcast %sub3A_536 : f32 to vector<16xf32>
      %sub3A_538 = arith.subf %sub3A_537, %mul3A_535 : vector<16xf32>
      %mul3A_539 = arith.mulf %mul3A_533, %sub3A_538 : vector<16xf32>
      %mul3A_540 = arith.mulf %get3A_435, %mul3A_539 : vector<16xf32>
      %swap3A_541 = arith.index_cast %add3A_431 : i32 to index
      %swap3A_542 = arith.constant 0 : index
      %swap3A_543 = tpu.vector_load %arg7[%swap3A_541, %swap3A_542] {strides = array<i32>} : memref<512x64xf32, #tpu.memory_space<vmem>>, vector<1x16xf32>,
      %swap3A_544 = vector.shape_cast %swap3A_543 : vector<1x16xf32> to vector<16xf32>
      %swap3A_545 = vector.shape_cast %mul3A_540 : vector<16xf32> to vector<1x16xf32>
      tpu.vector_store %arg7[%swap3A_541, %swap3A_542], %swap3A_545 {strides = array<i32>} : memref<512x64xf32, #tpu.memory_space<vmem>>, vector<1x16xf32>,
      %mul3A_546 = arith.mulf %get3A_439, %mul3A_539 : vector<16xf32>
      %swap3A_547 = arith.index_cast %add3A_431 : i32 to index
      %swap3A_548 = arith.constant 16 : index
      %swap3A_549 = tpu.vector_load %arg7[%swap3A_547, %swap3A_548] {strides = array<i32>} : memref<512x64xf32, #tpu.memory_space<vmem>>, vector<1x16xf32>,
      %swap3A_550 = vector.shape_cast %swap3A_549 : vector<1x16xf32> to vector<16xf32>
      %swap3A_551 = vector.shape_cast %mul3A_546 : vector<16xf32> to vector<1x16xf32>
      tpu.vector_store %arg7[%swap3A_547, %swap3A_548], %swap3A_551 {strides = array<i32>} : memref<512x64xf32, #tpu.memory_space<vmem>>, vector<1x16xf32>,
      %mul3A_552 = arith.mulf %get3A_443, %mul3A_539 : vector<16xf32>
      %swap3A_553 = arith.index_cast %add3A_431 : i32 to index
      %swap3A_554 = arith.constant 32 : index
      %swap3A_555 = tpu.vector_load %arg7[%swap3A_553, %swap3A_554] {strides = array<i32>} : memref<512x64xf32, #tpu.memory_space<vmem>>, vector<1x16xf32>,
      %swap3A_556 = vector.shape_cast %swap3A_555 : vector<1x16xf32> to vector<16xf32>
      %swap3A_557 = vector.shape_cast %mul3A_552 : vector<16xf32> to vector<1x16xf32>
      tpu.vector_store %arg7[%swap3A_553, %swap3A_554], %swap3A_557 {strides = array<i32>} : memref<512x64xf32, #tpu.memory_space<vmem>>, vector<1x16xf32>,
      %mul3A_558 = arith.mulf %get3A_447, %mul3A_539 : vector<16xf32>
      %swap3A_559 = arith.index_cast %add3A_431 : i32 to index
      %swap3A_560 = arith.constant 48 : index
      %swap3A_561 = tpu.vector_load %arg7[%swap3A_559, %swap3A_560] {strides = array<i32>} : memref<512x64xf32, #tpu.memory_space<vmem>>, vector<1x16xf32>,
      %swap3A_562 = vector.shape_cast %swap3A_561 : vector<1x16xf32> to vector<16xf32>
      %swap3A_563 = vector.shape_cast %mul3A_558 : vector<16xf32> to vector<1x16xf32>
      tpu.vector_store %arg7[%swap3A_559, %swap3A_560], %swap3A_563 {strides = array<i32>} : memref<512x64xf32, #tpu.memory_space<vmem>>, vector<1x16xf32>,
      %add3A_564 = arith.constant 3 : i32
      %add3A_565 = arith.addi %mul3A_171, %add3A_564 : i32
      %get3A_566 = arith.index_cast %add3A_565 : i32 to index
      %get3A_567 = arith.constant 0 : index
      %get3A_568 = tpu.vector_load %arg7[%get3A_566, %get3A_567] {strides = array<i32>} : memref<512x64xf32, #tpu.memory_space<vmem>>, vector<1x16xf32>,
      %get3A_569 = vector.shape_cast %get3A_568 : vector<1x16xf32> to vector<16xf32>
      %get3A_570 = arith.index_cast %add3A_565 : i32 to index
      %get3A_571 = arith.constant 16 : index
      %get3A_572 = tpu.vector_load %arg7[%get3A_570, %get3A_571] {strides = array<i32>} : memref<512x64xf32, #tpu.memory_space<vmem>>, vector<1x16xf32>,
      %get3A_573 = vector.shape_cast %get3A_572 : vector<1x16xf32> to vector<16xf32>
      %get3A_574 = arith.index_cast %add3A_565 : i32 to index
      %get3A_575 = arith.constant 32 : index
      %get3A_576 = tpu.vector_load %arg7[%get3A_574, %get3A_575] {strides = array<i32>} : memref<512x64xf32, #tpu.memory_space<vmem>>, vector<1x16xf32>,
      %get3A_577 = vector.shape_cast %get3A_576 : vector<1x16xf32> to vector<16xf32>
      %get3A_578 = arith.index_cast %add3A_565 : i32 to index
      %get3A_579 = arith.constant 48 : index
      %get3A_580 = tpu.vector_load %arg7[%get3A_578, %get3A_579] {strides = array<i32>} : memref<512x64xf32, #tpu.memory_space<vmem>>, vector<1x16xf32>,
      %get3A_581 = vector.shape_cast %get3A_580 : vector<1x16xf32> to vector<16xf32>
      %mul3A_582 = arith.mulf %get3A_569, %get3A_569 : vector<16xf32>
      %mul3A_583 = arith.mulf %get3A_573, %get3A_573 : vector<16xf32>
      %add3A_584 = arith.addf %mul3A_582, %mul3A_583 : vector<16xf32>
      %mul3A_585 = arith.mulf %get3A_577, %get3A_577 : vector<16xf32>
      %add3A_586 = arith.addf %add3A_584, %mul3A_585 : vector<16xf32>
      %mul3A_587 = arith.mulf %get3A_581, %get3A_581 : vector<16xf32>
      %add3A_588 = arith.addf %add3A_586, %mul3A_587 : vector<16xf32>
      %xor3A_589 = arith.constant 8 : i32
      %xor3A_590 = vector.broadcast %xor3A_589 : i32 to vector<16xi32>
      %xor3A_591 = arith.xori %iota3A_144, %xor3A_590 : vector<16xi32>
      %lt3A_592 = arith.constant 0 : i32
      %lt3A_593 = vector.broadcast %lt3A_592 : i32 to vector<16xi32>
      %lt3A_594 = arith.cmpi slt, %xor3A_591, %lt3A_593 : vector<16xi32>
      %add3A_595 = arith.constant 16 : i32
      %add3A_596 = vector.broadcast %add3A_595 : i32 to vector<16xi32>
      %add3A_597 = arith.addi %xor3A_591, %add3A_596 : vector<16xi32>
      %select_n3A_598 = arith.select %lt3A_594, %add3A_597, %xor3A_591 : vector<16xi1>, vector<16xi32>
      %broadcast_in_dim3A_599 = vector.shape_cast %select_n3A_598 : vector<16xi32> to vector<16x1xi32>
      %gather3A_600 = vector.shape_cast %broadcast_in_dim3A_599 : vector<16x1xi32> to vector<16xi32>
      %gather3A_601 = tpu.dynamic_gather %add3A_588[%gather3A_600] in [0] : vector<16xf32>, vector<16xi32> -> vector<16xf32>
      %add3A_602 = arith.addf %add3A_588, %gather3A_601 : vector<16xf32>
      %xor3A_603 = arith.constant 4 : i32
      %xor3A_604 = vector.broadcast %xor3A_603 : i32 to vector<16xi32>
      %xor3A_605 = arith.xori %iota3A_144, %xor3A_604 : vector<16xi32>
      %lt3A_606 = arith.constant 0 : i32
      %lt3A_607 = vector.broadcast %lt3A_606 : i32 to vector<16xi32>
      %lt3A_608 = arith.cmpi slt, %xor3A_605, %lt3A_607 : vector<16xi32>
      %add3A_609 = arith.constant 16 : i32
      %add3A_610 = vector.broadcast %add3A_609 : i32 to vector<16xi32>
      %add3A_611 = arith.addi %xor3A_605, %add3A_610 : vector<16xi32>
      %select_n3A_612 = arith.select %lt3A_608, %add3A_611, %xor3A_605 : vector<16xi1>, vector<16xi32>
      %broadcast_in_dim3A_613 = vector.shape_cast %select_n3A_612 : vector<16xi32> to vector<16x1xi32>
      %gather3A_614 = vector.shape_cast %broadcast_in_dim3A_613 : vector<16x1xi32> to vector<16xi32>
      %gather3A_615 = tpu.dynamic_gather %add3A_602[%gather3A_614] in [0] : vector<16xf32>, vector<16xi32> -> vector<16xf32>
      %add3A_616 = arith.addf %add3A_602, %gather3A_615 : vector<16xf32>
      %xor3A_617 = arith.constant 2 : i32
      %xor3A_618 = vector.broadcast %xor3A_617 : i32 to vector<16xi32>
      %xor3A_619 = arith.xori %iota3A_144, %xor3A_618 : vector<16xi32>
      %lt3A_620 = arith.constant 0 : i32
      %lt3A_621 = vector.broadcast %lt3A_620 : i32 to vector<16xi32>
      %lt3A_622 = arith.cmpi slt, %xor3A_619, %lt3A_621 : vector<16xi32>
      %add3A_623 = arith.constant 16 : i32
      %add3A_624 = vector.broadcast %add3A_623 : i32 to vector<16xi32>
      %add3A_625 = arith.addi %xor3A_619, %add3A_624 : vector<16xi32>
      %select_n3A_626 = arith.select %lt3A_622, %add3A_625, %xor3A_619 : vector<16xi1>, vector<16xi32>
      %broadcast_in_dim3A_627 = vector.shape_cast %select_n3A_626 : vector<16xi32> to vector<16x1xi32>
      %gather3A_628 = vector.shape_cast %broadcast_in_dim3A_627 : vector<16x1xi32> to vector<16xi32>
      %gather3A_629 = tpu.dynamic_gather %add3A_616[%gather3A_628] in [0] : vector<16xf32>, vector<16xi32> -> vector<16xf32>
      %add3A_630 = arith.addf %add3A_616, %gather3A_629 : vector<16xf32>
      %xor3A_631 = arith.constant 1 : i32
      %xor3A_632 = vector.broadcast %xor3A_631 : i32 to vector<16xi32>
      %xor3A_633 = arith.xori %iota3A_144, %xor3A_632 : vector<16xi32>
      %lt3A_634 = arith.constant 0 : i32
      %lt3A_635 = vector.broadcast %lt3A_634 : i32 to vector<16xi32>
      %lt3A_636 = arith.cmpi slt, %xor3A_633, %lt3A_635 : vector<16xi32>
      %add3A_637 = arith.constant 16 : i32
      %add3A_638 = vector.broadcast %add3A_637 : i32 to vector<16xi32>
      %add3A_639 = arith.addi %xor3A_633, %add3A_638 : vector<16xi32>
      %select_n3A_640 = arith.select %lt3A_636, %add3A_639, %xor3A_633 : vector<16xi1>, vector<16xi32>
      %broadcast_in_dim3A_641 = vector.shape_cast %select_n3A_640 : vector<16xi32> to vector<16x1xi32>
      %gather3A_642 = vector.shape_cast %broadcast_in_dim3A_641 : vector<16x1xi32> to vector<16xi32>
      %gather3A_643 = tpu.dynamic_gather %add3A_630[%gather3A_642] in [0] : vector<16xf32>, vector<16xi32> -> vector<16xf32>
      %add3A_644 = arith.addf %add3A_630, %gather3A_643 : vector<16xf32>
      %bitcast_convert_type3A_645 = tpu.bitcast %add3A_644 : vector<16xf32> -> vector<16xi32>
      %broadcast_in_dim3A_646 = arith.constant 1597463007 : i32
      %broadcast_in_dim3A_647 = vector.broadcast %broadcast_in_dim3A_646 : i32 to vector<16xi32>
      %shift_right_logical3A_648 = arith.constant 1 : i32
      %shift_right_logical3A_649 = vector.broadcast %shift_right_logical3A_648 : i32 to vector<16xi32>
      %shift_right_logical3A_650 = arith.shrui %bitcast_convert_type3A_645, %shift_right_logical3A_649 : vector<16xi32>
      %sub3A_651 = arith.subi %broadcast_in_dim3A_647, %shift_right_logical3A_650 : vector<16xi32>
      %bitcast_convert_type3A_652 = tpu.bitcast %sub3A_651 : vector<16xi32> -> vector<16xf32>
      %mul3A_653 = arith.constant 5.000000e-01 : f32
      %mul3A_654 = vector.broadcast %mul3A_653 : f32 to vector<16xf32>
      %mul3A_655 = arith.mulf %mul3A_654, %add3A_644 : vector<16xf32>
      %mul3A_656 = arith.mulf %mul3A_655, %bitcast_convert_type3A_652 : vector<16xf32>
      %mul3A_657 = arith.mulf %mul3A_656, %bitcast_convert_type3A_652 : vector<16xf32>
      %sub3A_658 = arith.constant 1.500000e+00 : f32
      %sub3A_659 = vector.broadcast %sub3A_658 : f32 to vector<16xf32>
      %sub3A_660 = arith.subf %sub3A_659, %mul3A_657 : vector<16xf32>
      %mul3A_661 = arith.mulf %bitcast_convert_type3A_652, %sub3A_660 : vector<16xf32>
      %mul3A_662 = arith.mulf %mul3A_655, %mul3A_661 : vector<16xf32>
      %mul3A_663 = arith.mulf %mul3A_662, %mul3A_661 : vector<16xf32>
      %sub3A_664 = arith.constant 1.500000e+00 : f32
      %sub3A_665 = vector.broadcast %sub3A_664 : f32 to vector<16xf32>
      %sub3A_666 = arith.subf %sub3A_665, %mul3A_663 : vector<16xf32>
      %mul3A_667 = arith.mulf %mul3A_661, %sub3A_666 : vector<16xf32>
      %mul3A_668 = arith.mulf %mul3A_655, %mul3A_667 : vector<16xf32>
      %mul3A_669 = arith.mulf %mul3A_668, %mul3A_667 : vector<16xf32>
      %sub3A_670 = arith.constant 1.500000e+00 : f32
      %sub3A_671 = vector.broadcast %sub3A_670 : f32 to vector<16xf32>
      %sub3A_672 = arith.subf %sub3A_671, %mul3A_669 : vector<16xf32>
      %mul3A_673 = arith.mulf %mul3A_667, %sub3A_672 : vector<16xf32>
      %mul3A_674 = arith.mulf %get3A_569, %mul3A_673 : vector<16xf32>
      %swap3A_675 = arith.index_cast %add3A_565 : i32 to index
      %swap3A_676 = arith.constant 0 : index
      %swap3A_677 = tpu.vector_load %arg7[%swap3A_675, %swap3A_676] {strides = array<i32>} : memref<512x64xf32, #tpu.memory_space<vmem>>, vector<1x16xf32>,
      %swap3A_678 = vector.shape_cast %swap3A_677 : vector<1x16xf32> to vector<16xf32>
      %swap3A_679 = vector.shape_cast %mul3A_674 : vector<16xf32> to vector<1x16xf32>
      tpu.vector_store %arg7[%swap3A_675, %swap3A_676], %swap3A_679 {strides = array<i32>} : memref<512x64xf32, #tpu.memory_space<vmem>>, vector<1x16xf32>,
      %mul3A_680 = arith.mulf %get3A_573, %mul3A_673 : vector<16xf32>
      %swap3A_681 = arith.index_cast %add3A_565 : i32 to index
      %swap3A_682 = arith.constant 16 : index
      %swap3A_683 = tpu.vector_load %arg7[%swap3A_681, %swap3A_682] {strides = array<i32>} : memref<512x64xf32, #tpu.memory_space<vmem>>, vector<1x16xf32>,
      %swap3A_684 = vector.shape_cast %swap3A_683 : vector<1x16xf32> to vector<16xf32>
      %swap3A_685 = vector.shape_cast %mul3A_680 : vector<16xf32> to vector<1x16xf32>
      tpu.vector_store %arg7[%swap3A_681, %swap3A_682], %swap3A_685 {strides = array<i32>} : memref<512x64xf32, #tpu.memory_space<vmem>>, vector<1x16xf32>,
      %mul3A_686 = arith.mulf %get3A_577, %mul3A_673 : vector<16xf32>
      %swap3A_687 = arith.index_cast %add3A_565 : i32 to index
      %swap3A_688 = arith.constant 32 : index
      %swap3A_689 = tpu.vector_load %arg7[%swap3A_687, %swap3A_688] {strides = array<i32>} : memref<512x64xf32, #tpu.memory_space<vmem>>, vector<1x16xf32>,
      %swap3A_690 = vector.shape_cast %swap3A_689 : vector<1x16xf32> to vector<16xf32>
      %swap3A_691 = vector.shape_cast %mul3A_686 : vector<16xf32> to vector<1x16xf32>
      tpu.vector_store %arg7[%swap3A_687, %swap3A_688], %swap3A_691 {strides = array<i32>} : memref<512x64xf32, #tpu.memory_space<vmem>>, vector<1x16xf32>,
      %mul3A_692 = arith.mulf %get3A_581, %mul3A_673 : vector<16xf32>
      %swap3A_693 = arith.index_cast %add3A_565 : i32 to index
      %swap3A_694 = arith.constant 48 : index
      %swap3A_695 = tpu.vector_load %arg7[%swap3A_693, %swap3A_694] {strides = array<i32>} : memref<512x64xf32, #tpu.memory_space<vmem>>, vector<1x16xf32>,
      %swap3A_696 = vector.shape_cast %swap3A_695 : vector<1x16xf32> to vector<16xf32>
      %swap3A_697 = vector.shape_cast %mul3A_692 : vector<16xf32> to vector<1x16xf32>
      tpu.vector_store %arg7[%swap3A_693, %swap3A_694], %swap3A_697 {strides = array<i32>} : memref<512x64xf32, #tpu.memory_space<vmem>>, vector<1x16xf32>,
    }
    %scan3A_150 = arith.constant 128 : i32
    %add3A_151 = arith.constant 25088 : i32
    %add3A_152 = arith.addi %mul3A_2, %add3A_151 : i32
    %dma_start3A_153 = arith.constant 0 : i32
    %dma_start3A_154 = tpu.memref_slice %arg4[%add3A_152, %dma_start3A_153] : memref<819200x64xf32, #tpu.memory_space<hbm>> -> memref<512x64xf32, #tpu.memory_space<hbm>>
    %dma_start3A_155 = arith.constant 0 : i32
    %dma_start3A_156 = tpu.memref_slice %arg4[%add3A_152, %dma_start3A_155] : memref<819200x64xf32, #tpu.memory_space<hbm>> -> memref<512x64xf32, #tpu.memory_space<hbm>>
    tpu.enqueue_dma source(%arg7 : memref<512x64xf32, #tpu.memory_space<vmem>>) target(%dma_start3A_156 : memref<512x64xf32, #tpu.memory_space<hbm>>) target_semaphore(%arg11 : memref<!tpu.dma_semaphore, #tpu.memory_space<semaphore_mem>>)
    %dma_wait3A_157 = arith.constant 0 : i32
    %dma_wait3A_158 = arith.constant 0 : i32
    %dma_wait3A_159 = tpu.memref_slice %arg4[%dma_wait3A_157, %dma_wait3A_158] : memref<819200x64xf32, #tpu.memory_space<hbm>> -> memref<512x64xf32, #tpu.memory_space<hbm>>
    %dma_wait3A_160 = arith.constant 0 : i32
    %dma_wait3A_161 = arith.constant 0 : i32
    %dma_wait3A_162 = tpu.memref_slice %arg4[%dma_wait3A_160, %dma_wait3A_161] : memref<819200x64xf32, #tpu.memory_space<hbm>> -> memref<512x64xf32, #tpu.memory_space<hbm>>
    tpu.wait_dma2 semaphore(%arg10 : memref<!tpu.dma_semaphore, #tpu.memory_space<semaphore_mem>>) src(%arg6 : memref<512x64xf32, #tpu.memory_space<vmem>>) dst(%dma_wait3A_162 : memref<512x64xf32, #tpu.memory_space<hbm>>)
    %dma_wait3A_163 = arith.constant 0 : i32
    %dma_wait3A_164 = arith.constant 0 : i32
    %dma_wait3A_165 = tpu.memref_slice %arg4[%dma_wait3A_163, %dma_wait3A_164] : memref<819200x64xf32, #tpu.memory_space<hbm>> -> memref<512x64xf32, #tpu.memory_space<hbm>>
    %dma_wait3A_166 = arith.constant 0 : i32
    %dma_wait3A_167 = arith.constant 0 : i32
    %dma_wait3A_168 = tpu.memref_slice %arg4[%dma_wait3A_166, %dma_wait3A_167] : memref<819200x64xf32, #tpu.memory_space<hbm>> -> memref<512x64xf32, #tpu.memory_space<hbm>>
    tpu.wait_dma2 semaphore(%arg11 : memref<!tpu.dma_semaphore, #tpu.memory_space<semaphore_mem>>) src(%arg7 : memref<512x64xf32, #tpu.memory_space<vmem>>) dst(%dma_wait3A_168 : memref<512x64xf32, #tpu.memory_space<hbm>>)
    return
  }
}

</mosaic_0001>

<sc_bundles>
// kernel: kernel.3.cloned.1.call-start
scs
__scs_entry_jumppad:
0x0: {  	(pc) =	sbr.rel $0x88, $3  }
0x1: {  	(tag) =	ssettag $0x0;
	lr =	simm.s32 $0x1  }
0x2: {  	[smem:$0x3F9F] =	sst lr;
	_ =	strace $0xD0000000  }
0x3: {  	_ = 	snop  }
0x4: {  	_ = 	snop  }
0x5: {  	_ = 	snop  }
0x6: {  	_ = 	snop  }
0x7: {  	_ = 	snop  }
__scs_overlays_trampoline_lowered:
0x8: {  	[smem:$0x3FAE] =	sst s0  }
0x9: {  	[smem:$0x3FAF] =	sst s1  }
0xa: {  	[smem:$0x3FB0] =	sst s2  }
0xb: {  	[smem:$0x3FB1] =	sst s3  }
0xc: {  	[smem:$0x3FB2] =	sst s4  }
0xd: {  	[smem:$0x3FB3] =	sst s5  }
0xe: {  	[smem:$0x3FB4] =	sst s6  }
0xf: {  	[smem:$0x3FB5] =	sst s7  }
0x10: {  	[smem:$0x3FB6] =	sst s8  }
0x11: {  	[smem:$0x3FB7] =	sst s9;
	s0 =	simm.s32 @!p0 $0x0  }
0x12: {  	s1 =	sld [smem:$0x3F9D];
	s0 =	simm.s32 @p0 $0x1  }
0x13: {  	[smem:$0x3FB8] =	sst s0;
	s0 =	simm.s32 @!p1 $0x0  }
0x14: {  	s2 =	sld [smem:$0x3F9C];
	s0 =	simm.s32 @p1 $0x1  }
0x15: {  	[smem:$0x3FB9] =	sst s0;
	s0 =	simm.s32 @!p2 $0x0  }
0x16: {  	s3 =	sld [smem:$0x3FDB];
	s0 =	simm.s32 @p2 $0x1  }
0x17: {  	s4 =	simm.s32 $0x1BF5;
	[smem:$0x3FBB] =	sst s0  }
0x18: {  	s0 =	sld [smem:$0x3F9E];
	_ =	swait.ge [sflag:s4], $0x0  }
0x19: {  	s7 =	sld [smem:$0x3F9F]  }
0x1a: {  	s8 =	sadd.s32 $0xFFFFE003, lr  }
0x1b: {  	s9 =	sadd.s32 $0xFFFFFEF7, lr;
	s5 =	simm.s32 $0xFFFFFFFF;
	p2 =	slt.u32 s8, $0xFFFFF086  }
0x1c: {  	p1 =	slt.u32 s9, $0xF7A;
	s5 =	simm.s32 @!p2 $0x0  }
0x1d: {  	s5 =	simm.s32 @p1 $0x1;
	p0 =	seq.s32 s7, s2  }
0x1e: {  	s7 =	smul.u32 @!p0 $0xF7A, s2;
	p2 =	seq.s32 @!p0 s5, $0x0  }
0x1f: {  	s9 =	smul.u32 $0xF7A, s1;
	s8 =	simm.s32 @!p0 $0x1BF5;
	p2 =	por !p2, p0  }
0x20: {  	[sflag:s8] =	ssyncset.s32 @!p0 $0xFFFFF086;
	s6 =	sadd.s32 @!p0 s3, s7;
	s7 =	simm.s32 @!p0 $0x108  }
0x21: {  	s3 =	sadd.s32 s3, s9;
	s6 =	sadd.s32 @!p0 $0x88, s6;
	s7 =	simm.s32 @p2 $0x1082  }
0x22: {  	[simem:s7], [sflag:s8] =	dma.local @!p0 [hbm:s6], $0xF7A  }
0x23: {  	s9 =	sor.u32 $0xD0000000, s2;
	s6 =	simm.s32 $0x108;
	_ =	swait.ge @!p0 [sflag:s8], $0x0  }
0x24: {  	s3 =	sadd.s32 $0x88, s3;
	s6 =	simm.s32 @!p1 $0x1082;
	[sflag:s4] =	ssyncset.s32 $0xFFFFF086  }
0x25: {  	[simem:s6], [sflag:s4] =	dma.local [hbm:s3], $0xF7A  }
0x26: {  	[smem:$0x3F9F] =	sst s1;
	(tag) =	ssettag s2;
	_ =	strace s9  }
0x27: {  	s1 =	sld [smem:$0x3FAF]  }
0x28: {  	s2 =	sld [smem:$0x3FB0]  }
0x29: {  	s4 =	sld [smem:$0x3FB2]  }
0x2a: {  	p0 =	seq.s32 s5, $0x0;
	s5 =	sld [smem:$0x3FB3]  }
0x2b: {  	s6 =	sld [smem:$0x3FB4]  }
0x2c: {  	s7 =	sld [smem:$0x3FB5]  }
0x2d: {  	s3 =	simm.s32 $0x108;
	s8 =	sld [smem:$0x3FB6]  }
0x2e: {  	s3 =	simm.s32 @!p0 $0x1082;
	s9 =	sld [smem:$0x3FB7]  }
0x2f: {  	lr =	sadd.s32 s0, s3;
	s0 =	sld [smem:$0x3FAE]  }
0x30: {  	s3 =	sld [smem:$0x3FB1]  }
0x31: {  	[smem:$0x3FBA] =	sst s10  }
0x32: {  	s10 =	sld [smem:$0x3FB8];
	_ =	sdelay $0x3  }
0x33: {  	p0 =	seq.s32 s10, $0x1;
	s10 =	sld [smem:$0x3FBA];
	_ =	sdelay $0x3  }
0x34: {  	[smem:$0x3FBA] =	sst s10  }
0x35: {  	s10 =	sld [smem:$0x3FB9];
	_ =	sdelay $0x3  }
0x36: {  	p1 =	seq.s32 s10, $0x1;
	s10 =	sld [smem:$0x3FBA];
	_ =	sdelay $0x3  }
0x37: {  	[smem:$0x3FBA] =	sst s10  }
0x38: {  	s10 =	sld [smem:$0x3FBB]  }
0x39: {  	_ = 	snop;
	(pc) =	sbr.ind lr, $3  }
0x3a: {  	_ = 	snop  }
0x3b: {  	_ = 	snop  }
0x3c: {  	p2 =	seq.s32 s10, $0x1;
	s10 =	sld [smem:$0x3FBA]  }
0x3d: {  	_ =	shalt  }
0x3e: {  	_ =	shalt  }
0x3f: {  	_ =	shalt  }
0x40: {  	_ =	shalt  }
0x41: {  	_ =	shalt  }
0x42: {  	_ =	shalt  }
0x43: {  	_ =	shalt  }
0x44: {  	_ =	shalt  }
0x45: {  	_ =	shalt  }
0x46: {  	_ =	shalt  }
0x47: {  	_ =	shalt  }
0x48: {  	_ =	shalt  }
0x49: {  	_ =	shalt  }
0x4a: {  	_ =	shalt  }
0x4b: {  	_ =	shalt  }
0x4c: {  	_ =	shalt  }
0x4d: {  	_ =	shalt  }
0x4e: {  	_ =	shalt  }
0x4f: {  	_ =	shalt  }
0x50: {  	_ =	shalt  }
0x51: {  	_ =	shalt  }
0x52: {  	_ =	shalt  }
0x53: {  	_ =	shalt  }
0x54: {  	_ =	shalt  }
0x55: {  	_ =	shalt  }
0x56: {  	_ =	shalt  }
0x57: {  	_ =	shalt  }
0x58: {  	_ =	shalt  }
0x59: {  	_ =	shalt  }
0x5a: {  	_ =	shalt  }
0x5b: {  	_ =	shalt  }
0x5c: {  	_ =	shalt  }
0x5d: {  	_ =	shalt  }
0x5e: {  	_ =	shalt  }
0x5f: {  	_ =	shalt  }
0x60: {  	_ =	shalt  }
0x61: {  	_ =	shalt  }
0x62: {  	_ =	shalt  }
0x63: {  	_ =	shalt  }
0x64: {  	_ =	shalt  }
0x65: {  	_ =	shalt  }
0x66: {  	_ =	shalt  }
0x67: {  	_ =	shalt  }
0x68: {  	_ =	shalt  }
0x69: {  	_ =	shalt  }
0x6a: {  	_ =	shalt  }
0x6b: {  	_ =	shalt  }
0x6c: {  	_ =	shalt  }
0x6d: {  	_ =	shalt  }
0x6e: {  	_ =	shalt  }
0x6f: {  	_ =	shalt  }
0x70: {  	_ =	shalt  }
0x71: {  	_ =	shalt  }
0x72: {  	_ =	shalt  }
0x73: {  	_ =	shalt  }
0x74: {  	_ =	shalt  }
0x75: {  	_ =	shalt  }
0x76: {  	_ =	shalt  }
0x77: {  	_ =	shalt  }
0x78: {  	_ =	shalt  }
0x79: {  	_ =	shalt  }
0x7a: {  	_ =	shalt  }
0x7b: {  	_ =	shalt  }
0x7c: {  	_ =	shalt  }
0x7d: {  	_ =	shalt  }
0x7e: {  	_ =	shalt  }
0x7f: {  	_ =	shalt  }
0x80: {  	_ =	shalt  }
0x81: {  	_ =	shalt  }
0x82: {  	_ =	shalt  }
0x83: {  	_ =	shalt  }
0x84: {  	_ =	shalt  }
0x85: {  	_ =	shalt  }
0x86: {  	_ =	shalt  }
0x87: {  	_ =	shalt  }
.Lfunc_end0:
.L_simem_size_0:
called_computation.1_lowered:
.L_overlay_start_0:
0x88: {  	s2 =	sld [smem:$0x3FD9]  }
0x89: {  	s3 =	sld [smem:$0x3FFE];
	_ =	sdelay $0x1  }
0x8a: {  	s1 =	srdreg.scid  }
0x8b: {  	s0 =	sand.u32 $0x1, s1  }
0x8c: {  	s17 =	sshll.u32 s0, $0xA;
	s2 =	sadd.s32 s3, s2  }
0x8d: {  	s2 =	sadd.s32 s2, s17  }
0x8e: {  	[smem:$0x3FC6] =	sst s2  }
0x8f: {  	_ = 	snop  }
0x90: {  	s2 =	sld [smem:$0x3FD0];
	(tm) =	ssettm $0x1  }
0x91: {  	s18 =	sld [smem:$0x3FFB];
	_ =	sdelay $0x3  }
0x92: {  	_ =	strace s18  }
0x93: {  	s3 =	sld [smem:$0x3FFC];
	_ =	sdelay $0x3  }
0x94: {  	_ =	strace s3  }
0x95: {  	s3 =	sld [smem:$0x3FFD];
	_ =	sdelay $0x3  }
0x96: {  	_ =	strace s3  }
0x97: {  	_ =	strace $0x8FFFFFFF  }
0x98: {  	s19 =	sld [smem:$0x3FDB];
	_ =	sdelay $0x1  }
0x99: {  	s4 =	simm.s32 $_scs_section_size  }
0x9a: {  	s5 =	simm.s32 $_size__tile_overlayer_lowered;
	s6 =	simm.s32 $_tile_overlayer_lowered  }
0x9b: {  	s22 =	simm.s32 $0x1BFF;
	s21 =	sshll.u32 s6, $0x1;
	s3 =	sadd.s32 s4, s19  }
0x9c: {  	s7 =	simm.s32 $0x0;
	s20 =	sshll.u32 s5, $0x1;
	s5 =	sadd.s32 s21, s3  }
0x9d: {  	[timem:s7], [sflag:s22] =	dma.local [hbm:s5], s20  }
0x9e: {  	_ =	swait.ge [sflag:s22], s20  }
0x9f: {  	s4 =	ssub.s32 $0x0, s20;
	[sflag:s22] =	ssyncset.done $0x0  }
0xa0: {  	[sflag:s22] =	ssyncadd.s32 s4;
	_ =	sdelay $0x1  }
0xa1: {  	s23 =	simm.s32 $0x1B8B  }
0xa2: {  	_ =	swait.ge [sflag:s23], $0x1  }
0xa3: {  	[sflag:s23] =	ssyncset.done $0x0  }
0xa4: {  	s25 =	simm.s32 $0x1B8E;
	s24 =	sld [smem:$0x3FFE];
	[sflag:s23] =	ssyncadd.s32 $0xFFFFFFFF  }
0xa5: {  	s26 =	simm.s32 $execute0_lowered;
	[smem:$0x3FD2] =	sst s25  }
0xa6: {  	s5 =	sshll.u32 s26, $0x1;
	_ =	strace $0x80000046;
	[dreg:$0x1] =	wrdreg $0xFFFFFFFF  }
0xa7: {  	s28 =	simm.s32 $_size_execute0_lowered;
	s3 =	sadd.s32 s3, s5;
	[dreg:$0x0] =	wrdreg $0x0  }
0xa8: {  	s5 =	sshll.u32 s28, $0x1;
	[dreg:$0x2] =	wrdreg s3  }
0xa9: {  	[dreg:$0x3] =	wrdreg s5  }
0xaa: {  	[dreg:$0x4] =	wrdreg $0xC0  }
0xab: {  	_ =	task [dreg:s7], $0x5FFFF  }
0xac: {  	[dreg:$0x1] =	wrdreg $0xFFFFFFFF  }
0xad: {  	[dreg:$0x0] =	wrdreg $0x60  }
0xae: {  	[dreg:$0x2] =	wrdreg s24  }
0xaf: {  	[dreg:$0x3] =	wrdreg s2  }
0xb0: {  	[dreg:$0x4] =	wrdreg $0x9  }
0xb1: {  	_ =	task.clear_ibuf [dreg:s7], $0x5FFFF;
	_ =	strace $0x90000046  }
0xb2: {  	s29 =	simm.s32 $0x9;
	_ =	strace $0x80000048  }
0xb3: {  	_ =	swait.ge [sflag:s29], $0x1  }
0xb4: {  	[sflag:s29] =	ssyncadd.s32 $0xFFFFFFFF  }
0xb5: {  	_ =	strace $0x90000048  }
0xb6: {  	_ =	sfence  }
0xb7: {  	s30 =	sld [smem:$0x0];
	_ =	sdelay $0x2  }
0xb8: {  	s31 =	sshll.u32 s1, $0xD;
	s1 =	sshrl.u32 s1, $0x2  }
0xb9: {  	s3 =	sand.u32 $0x4000, s31;
	s1 =	sadd.s32 s1, s30  }
0xba: {  	s0 =	sor.u32 s3, s0;
	s1 =	sshll.u32 s1, $0x11  }
0xbb: {  	s0 =	sor.u32 s1, s0  }
0xbc: {  	s0 =	sadd.s32 $0x8F2B, s0  }
0xbd: {  	[sflag:s0] =	ssyncadd.remote.s32 $0x1  }
0xbe: {  	_ =	sfence.sel $0xFFFF  }
0xbf: {  	[dreg:$0x0] =	wrdreg $0xFFFFFFFF;
	(pc) =	sbr.abs _section_cstart, $3  }
0xc0: {  	[dreg:$0x1] =	wrdreg $0xFFFFFFFF  }
0xc1: {  	_ =	task.clear_ibuf [dreg:s7], $0x2FFFF;
	_ =	strace $0x9FFFFFFF  }
0xc2: {  	(tm) =	ssettm $0x7FFFFFFF  }
0xc3: {  	_ =	shalt  }
tec
execute0_lowered:
.L_overlay_start_1:
0x0: {  	(tag) =	ssettag $0x1  }
0x1: {  	s0 =	rddreg [dreg:$0x0]  }
0x2: {  	s1 =	srdreg.scid;
	s3 =	stileid.u32;
	v0 =	vimm.s32 $0xFEDCBA98  }
0x3: {  	s2 =	rddreg [dreg:$0x1];
	v1 =	vimm.s32 $0x76543210;
	v2 =	vimm.s32 $0xBA98FEDC;
	v3 =	vimm.s32 $0x32107654;
	s11 =	simm.s32 $0x5;
	s12 =	simm.s32 $0x80  }
0x4: {  	v4 =	vimm.s32 $0xDCFE98BA;
	s13 =	simm.s32 $0x6400;
	s14 =	simm.s32 $0x8400;
	s16 =	simm.s32 $0xA400  }
0x5: {  	v5 =	vimm.s32 $0x54761032;
	s18 =	simm.s32 $0xC400;
	s20 =	simm.s32 $0xE400;
	s22 =	simm.s32 $0x10400  }
0x6: {  	v6 =	vimm.s32 $0xEFCDAB89;
	v7 =	vimm.s32 $0x67452301;
	s24 =	simm.s32 $0x12400;
	s28 =	simm.s32 $0x1;
	s29 =	simm.s32 $0x3  }
0x7: {  	s30 =	simm.s32 $0x2;
	s1 =	sand.u32 $0x1, s1;
	s4 =	sshll.u32 s3, $0x1;
	v0 =	vunpack.c.l.s4.s8 v0;
	v1 =	vunpack.c.l.s4.s8 v1;
	v2 =	vunpack.c.l.s4.s8 v2  }
0x8: {  	s31 =	simm.s32 $0x4;
	s3 =	simm.s32 $0x0;
	v3 =	vunpack.c.l.s4.s8 v3;
	v4 =	vunpack.c.l.s4.s8 v4;
	v5 =	vunpack.c.l.s4.s8 v5;
	s6 =	sor.u32 s1, s4  }
0x9: {  	s5 =	sadd.s32 $0xF42E00, s0;
	v6 =	vunpack.c.l.s4.s8 v6;
	v7 =	vunpack.c.l.s4.s8 v7;
	s1 =	ssub.s32 $0x2, s1;
	s4 =	smul.u32 $0x6400, s6;
	v0 =	vunpack.c.0.s8.s32 v0  }
0xa: {  	[smem:$0x7FF] =	sst s3;
	s7 =	smul.u32 $0x190000, s6;
	s9 =	sshrl.u32 s1, $0x1;
	v2 =	vunpack.c.0.s8.s32 v2;
	v3 =	vunpack.c.0.s8.s32 v3;
	v4 =	vunpack.c.0.s8.s32 v4  }
0xb: {  	_ =	strace $0x80000047;
	s10 =	smul.u32 $0x32000, s6;
	v5 =	vunpack.c.0.s8.s32 v5;
	v6 =	vunpack.c.0.s8.s32 v6;
	v7 =	vunpack.c.0.s8.s32 v7;
	s1 =	ssub.s32 s1, s9  }
0xc: {  	v1 =	vunpack.c.0.s8.s32 v1;
	s8 =	sshrl.u32 s4, $0x3;
	s25 =	sshrl.u32 s7, $0x3;
	s7 =	sor.u32 $0x200, s4;
	v2 =	vcombine.low v3, v2  }
0xd: {  	s9 =	sadd.s32 s2, s10;
	s10 =	smax.u32 s1, $0x1;
	v3 =	vcombine.low v5, v4;
	v4 =	vcombine.low v7, v6;
	v0 =	vand.u32 $0xF, v0;
	s1 =	simm.s32 $0x0  }
0xe: {  	s0 =	sadd.s32 s8, s0;
	s26 =	sadd.s32 s2, s25;
	s25 =	simm.s32 $0x380;
	v0 =	vcombine.low v0, v1  }
0xf: {  	s6 =	sadd.s32 $0xA00, s0;
	s8 =	sadd.s32 $0x31000, s26;
	s26 =	simm.s32 $0x14400;
	v1 =	vand.u32 $0xF, v2;
	v2 =	vand.u32 $0xF, v3;
	v3 =	vand.u32 $0xF, v4  }
.LBB2_1:
0x10: {  	[tilespmem:s3], [sflag:$0x5] =	stream.linear.gather [hbm4b:s6+s3], $0x6400, $0x38;
	[tilespmem:$0x16400] =	vst v63  }
0x11: {  	_ =	swait.ge [sflag:s11], $0x6400  }
0x12: {  	[sflag:s11] =	ssyncset.done $0x0  }
0x13: {  	[sflag:s11] =	ssyncadd.s32 $0xFFFF9C00  }
0x14: {  	[tilespmem:s13], [sflag:$0x1] =	stream.indirect.gather [hbm4b:s5+s12], $0x40, s3, s12, $0xb8;
	[tilespmem:$0x16400] =	vst v63  }
0x15: {  	_ = 	snop  }
0x16: {  	[tilespmem:s14], [sflag:$0x1] =	stream.indirect.gather [hbm4b:s5+s12], $0x40, s12, s12, $0xb8;
	[tilespmem:$0x16400] =	vst v63  }
0x17: {  	s0 =	simm.s32 $0x100  }
0x18: {  	[tilespmem:s16], [sflag:$0x1] =	stream.indirect.gather [hbm4b:s5+s12], $0x40, s0, s12, $0xb8;
	[tilespmem:$0x16400] =	vst v63  }
0x19: {  	s17 =	simm.s32 $0x180  }
0x1a: {  	[tilespmem:s18], [sflag:$0x1] =	stream.indirect.gather [hbm4b:s5+s12], $0x40, s17, s12, $0xb8;
	[tilespmem:$0x16400] =	vst v63  }
0x1b: {  	s19 =	simm.s32 $0x200  }
0x1c: {  	[tilespmem:s20], [sflag:$0x2] =	stream.indirect.gather [hbm4b:s5+s12], $0x40, s19, s12, $0xb8;
	[tilespmem:$0x16400] =	vst v63  }
0x1d: {  	s21 =	simm.s32 $0x280  }
0x1e: {  	[tilespmem:s22], [sflag:$0x2] =	stream.indirect.gather [hbm4b:s5+s12], $0x40, s21, s12, $0xb8;
	[tilespmem:$0x16400] =	vst v63  }
0x1f: {  	s23 =	simm.s32 $0x300  }
0x20: {  	[tilespmem:s24], [sflag:$0x2] =	stream.indirect.gather [hbm4b:s5+s12], $0x40, s23, s12, $0xb8;
	[tilespmem:$0x16400] =	vst v63  }
0x21: {  	_ = 	snop  }
0x22: {  	[tilespmem:s26], [sflag:$0x2] =	stream.indirect.gather [hbm4b:s5+s12], $0x40, s25, s12, $0xb8;
	[tilespmem:$0x16400] =	vst v63  }
0x23: {  	_ =	swait.ge [sflag:s28], $0x2000  }
0x24: {  	[sflag:s28] =	ssyncset.done $0x0  }
0x25: {  	[sflag:s28] =	ssyncadd.s32 $0xFFFFE000  }
0x26: {  	_ =	swait.ge [sflag:s28], $0x2000  }
0x27: {  	[sflag:s28] =	ssyncset.done $0x0  }
0x28: {  	[sflag:s28] =	ssyncadd.s32 $0xFFFFE000  }
0x29: {  	_ =	swait.ge [sflag:s28], $0x2000  }
0x2a: {  	[sflag:s28] =	ssyncset.done $0x0  }
0x2b: {  	[sflag:s28] =	ssyncadd.s32 $0xFFFFE000  }
0x2c: {  	_ =	swait.ge [sflag:s28], $0x2000  }
0x2d: {  	[sflag:s28] =	ssyncset.done $0x0  }
0x2e: {  	s0 =	simm.s32 $0x0;
	[sflag:s28] =	ssyncadd.s32 $0xFFFFE000  }
0x2f: {  	v7 =	vld [tilespmem:s0+$0x6400]  }
0x30: {  	v6 =	vld [tilespmem:s0+$0x6410];
	_ =	sdelay $0x1  }
0x31: {  	v10 =	vld [tilespmem:s0+$0x6420]  }
0x32: {  	v4 =	vld [tilespmem:s0+$0x64C0]  }
0x33: {  	v16 =	vld [tilespmem:s0+$0x6430]  }
0x34: {  	v5 =	vld [tilespmem:s0+$0x64D0];
	v8 =	vmul.f32 v7, v7;
	v9 =	vmul.f32 v6, v6;
	_ =	sdelay $0x1  }
0x35: {  	v11 =	vmul.f32 v10, v10;
	v8 =	vadd.f32 v9, v8;
	v9 =	vld [tilespmem:s0+$0x64E0];
	_ =	sdelay $0x1  }
0x36: {  	v12 =	vmul.f32 v16, v16;
	v11 =	vadd.f32 v11, v8;
	v8 =	vld [tilespmem:s0+$0x64F0]  }
0x37: {  	v13 =	vmul.f32 v4, v4;
	v14 =	vmul.f32 v5, v5  }
0x38: {  	v11 =	vadd.f32 v12, v11  }
0x39: {  	v12 =	vadd.f32 v14, v13;
	v13 =	vmul.f32 v9, v9  }
0x3a: {  	v14 =	vperm.xlane v11, v0  }
0x3b: {  	v12 =	vadd.f32 v13, v12;
	v13 =	vmul.f32 v8, v8  }
0x3c: {  	v11 =	vadd.f32 v11, v14  }
0x3d: {  	v12 =	vadd.f32 v13, v12  }
0x3e: {  	v13 =	vperm.xlane v11, v1  }
0x3f: {  	v14 =	vperm.xlane v12, v0  }
0x40: {  	v11 =	vadd.f32 v11, v13  }
0x41: {  	v12 =	vadd.f32 v12, v14  }
0x42: {  	v13 =	vperm.xlane v11, v2  }
0x43: {  	v14 =	vperm.xlane v12, v1  }
0x44: {  	v11 =	vadd.f32 v11, v13  }
0x45: {  	v12 =	vadd.f32 v12, v14  }
0x46: {  	v13 =	vperm.xlane v11, v3  }
0x47: {  	v14 =	vperm.xlane v12, v2  }
0x48: {  	v11 =	vadd.f32 v11, v13  }
0x49: {  	v13 =	vadd.f32 v12, v14  }
0x4a: {  	v12 =	vshrl.u32 v11, $0x1;
	v23 =	vmul.f32 $5.000000000e-01, v11  }
0x4b: {  	v11 =	vld [tilespmem:s0+$0x6440];
	v18 =	vsub.s32 $0x5F3759DF, v12;
	v14 =	vperm.xlane v13, v3  }
0x4c: {  	v12 =	vld [tilespmem:s0+$0x6450];
	v15 =	vmul.f32 v18, v23  }
0x4d: {  	v13 =	vadd.f32 v13, v14  }
0x4e: {  	v17 =	vld [tilespmem:s0+$0x6460];
	v14 =	vmul.f32 v18, v15  }
0x4f: {  	v15 =	vld [tilespmem:s0+$0x6470];
	v19 =	vshrl.u32 v13, $0x1;
	v20 =	vmul.f32 $5.000000000e-01, v13  }
0x50: {  	v22 =	vmul.f32 v11, v11;
	v13 =	vld [tilespmem:s0+$0x6480];
	v21 =	vsub.f32 $1.500000000e+00, v14;
	v24 =	vsub.s32 $0x5F3759DF, v19  }
0x51: {  	v19 =	vmul.f32 v12, v12;
	v14 =	vld [tilespmem:s0+$0x6490];
	v25 =	vmul.f32 v24, v20  }
0x52: {  	v21 =	vmul.f32 v18, v21  }
0x53: {  	v19 =	vadd.f32 v19, v22;
	v22 =	vmul.f32 v17, v17;
	v18 =	vld [tilespmem:s0+$0x64A0];
	v25 =	vmul.f32 v24, v25  }
0x54: {  	v27 =	vmul.f32 v15, v15;
	v26 =	vmul.f32 v21, v23  }
0x55: {  	v22 =	vadd.f32 v22, v19;
	v19 =	vld [tilespmem:s0+$0x64B0];
	v28 =	vmul.f32 v13, v13;
	v25 =	vsub.f32 $1.500000000e+00, v25  }
0x56: {  	v29 =	vmul.f32 v14, v14;
	v26 =	vmul.f32 v26, v21  }
0x57: {  	v27 =	vadd.f32 v27, v22;
	v22 =	vmul.f32 v24, v25  }
0x58: {  	v25 =	vadd.f32 v29, v28;
	v24 =	vsub.f32 $1.500000000e+00, v26;
	v26 =	vmul.f32 v18, v18  }
0x59: {  	v28 =	vperm.xlane v27, v0;
	v29 =	vmul.f32 v22, v20  }
0x5a: {  	v21 =	vmul.f32 v24, v21;
	v24 =	vadd.f32 v26, v25;
	v26 =	vmul.f32 v19, v19  }
0x5b: {  	v25 =	vadd.f32 v27, v28;
	v28 =	vmul.f32 v29, v22  }
0x5c: {  	v23 =	vmul.f32 v21, v23;
	v26 =	vadd.f32 v26, v24  }
0x5d: {  	v27 =	vperm.xlane v25, v1;
	v24 =	vsub.f32 $1.500000000e+00, v28  }
0x5e: {  	s15 =	simm.s32 $0x400;
	v23 =	vmul.f32 v23, v21;
	v28 =	vperm.xlane v26, v0  }
.LBB2_2:
0x5f: {  	p0 =	sne.s32 s15, $0x1FC00;
	v25 =	vadd.f32 v25, v27;
	v22 =	vmul.f32 v24, v22;
	s17 =	smov.u32 s15;
	s15 =	sadd.s32 $0x400, s15  }
0x60: {  	v23 =	vsub.f32 $1.500000000e+00, v23;
	v24 =	vadd.f32 v26, v28  }
0x61: {  	s17 =	sshra.s32 s17, $0x2;
	v26 =	vperm.xlane v25, v2;
	v20 =	vmul.f32 v22, v20  }
0x62: {  	v21 =	vmul.f32 v23, v21;
	v23 =	vperm.xlane v24, v1  }
0x63: {  	v25 =	vadd.f32 v25, v26;
	v20 =	vmul.f32 v20, v22  }
0x64: {  	v10 =	vmul.f32 v21, v10;
	v16 =	vmul.f32 v21, v16;
	v23 =	vadd.f32 v24, v23  }
0x65: {  	v7 =	vmul.f32 v21, v7;
	v24 =	vperm.xlane v25, v3;
	v20 =	vsub.f32 $1.500000000e+00, v20  }
0x66: {  	v6 =	vmul.f32 v21, v6;
	[tilespmem:s0+$0x6430] =	vst v16;
	v16 =	vperm.xlane v23, v2  }
0x67: {  	[tilespmem:s0+$0x6400] =	vst v7;
	v21 =	vadd.f32 v25, v24;
	v20 =	vmul.f32 v20, v22  }
0x68: {  	v7 =	vld [tilespmem:s17+$0x6400];
	[tilespmem:s0+$0x6410] =	vst v6;
	v16 =	vadd.f32 v23, v16  }
0x69: {  	v6 =	vld [tilespmem:s17+$0x6410];
	[tilespmem:s0+$0x6420] =	vst v10;
	v10 =	vshrl.u32 v21, $0x1;
	v21 =	vmul.f32 $5.000000000e-01, v21;
	v4 =	vmul.f32 v20, v4  }
0x6a: {  	v9 =	vmul.f32 v20, v9;
	v22 =	vsub.s32 $0x5F3759DF, v10;
	v23 =	vperm.xlane v16, v3  }
0x6b: {  	v5 =	vmul.f32 v20, v5;
	v10 =	vld [tilespmem:s17+$0x6420];
	v24 =	vmul.f32 v22, v21;
	[tilespmem:s0+$0x64C0] =	vst v4  }
0x6c: {  	v8 =	vmul.f32 v20, v8;
	v4 =	vld [tilespmem:s17+$0x64C0];
	v23 =	vadd.f32 v16, v23;
	[tilespmem:s0+$0x64E0] =	vst v9  }
0x6d: {  	v16 =	vld [tilespmem:s17+$0x6430];
	v9 =	vmul.f32 v7, v7;
	v20 =	vmul.f32 v22, v24;
	[tilespmem:s0+$0x64D0] =	vst v5  }
0x6e: {  	v24 =	vmul.f32 v6, v6;
	v5 =	vld [tilespmem:s17+$0x64D0];
	v25 =	vshrl.u32 v23, $0x1;
	v23 =	vmul.f32 $5.000000000e-01, v23;
	[tilespmem:s0+$0x64F0] =	vst v8  }
0x6f: {  	v8 =	vsub.f32 $1.500000000e+00, v20;
	v20 =	vsub.s32 $0x5F3759DF, v25  }
0x70: {  	v24 =	vadd.f32 v24, v9;
	v25 =	vmul.f32 v10, v10;
	v9 =	vld [tilespmem:s17+$0x64E0];
	v26 =	vmul.f32 v20, v23  }
0x71: {  	v27 =	vmul.f32 v4, v4;
	v22 =	vmul.f32 v22, v8  }
0x72: {  	v24 =	vadd.f32 v25, v24;
	v25 =	vmul.f32 v16, v16;
	v8 =	vld [tilespmem:s17+$0x64F0];
	v26 =	vmul.f32 v20, v26  }
0x73: {  	v28 =	vmul.f32 v5, v5;
	v29 =	vmul.f32 v22, v21  }
0x74: {  	v24 =	vadd.f32 v25, v24;
	v25 =	vsub.f32 $1.500000000e+00, v26  }
0x75: {  	v26 =	vadd.f32 v28, v27;
	v27 =	vmul.f32 v9, v9;
	v28 =	vmul.f32 v29, v22  }
0x76: {  	v29 =	vperm.xlane v24, v0;
	v20 =	vmul.f32 v20, v25  }
0x77: {  	v25 =	vadd.f32 v27, v26;
	v26 =	vmul.f32 v8, v8;
	v27 =	vsub.f32 $1.500000000e+00, v28  }
0x78: {  	v24 =	vadd.f32 v24, v29;
	v28 =	vmul.f32 v20, v23  }
0x79: {  	v25 =	vadd.f32 v26, v25;
	v22 =	vmul.f32 v27, v22  }
0x7a: {  	v26 =	vperm.xlane v24, v1;
	v27 =	vmul.f32 v28, v20  }
0x7b: {  	v28 =	vperm.xlane v25, v0;
	v21 =	vmul.f32 v22, v21  }
0x7c: {  	v24 =	vadd.f32 v24, v26;
	v26 =	vsub.f32 $1.500000000e+00, v27  }
0x7d: {  	v25 =	vadd.f32 v25, v28;
	v21 =	vmul.f32 v21, v22  }
0x7e: {  	v27 =	vperm.xlane v24, v2;
	v20 =	vmul.f32 v26, v20  }
0x7f: {  	v26 =	vperm.xlane v25, v1;
	v21 =	vsub.f32 $1.500000000e+00, v21  }
0x80: {  	v24 =	vadd.f32 v24, v27;
	v23 =	vmul.f32 v20, v23  }
0x81: {  	v25 =	vadd.f32 v25, v26;
	v21 =	vmul.f32 v21, v22  }
0x82: {  	v22 =	vperm.xlane v24, v3;
	v23 =	vmul.f32 v23, v20  }
0x83: {  	v26 =	vperm.xlane v25, v2;
	v17 =	vmul.f32 v21, v17  }
0x84: {  	v11 =	vmul.f32 v21, v11;
	v22 =	vadd.f32 v24, v22;
	v23 =	vsub.f32 $1.500000000e+00, v23  }
0x85: {  	v12 =	vmul.f32 v21, v12;
	v15 =	vmul.f32 v21, v15;
	v24 =	vadd.f32 v25, v26;
	[tilespmem:s0+$0x6460] =	vst v17  }
0x86: {  	v17 =	vshrl.u32 v22, $0x1;
	v26 =	vmul.f32 $5.000000000e-01, v22;
	[tilespmem:s0+$0x6440] =	vst v11;
	v20 =	vmul.f32 v23, v20  }
0x87: {  	v21 =	vsub.s32 $0x5F3759DF, v17;
	v11 =	vld [tilespmem:s17+$0x6440];
	v17 =	vperm.xlane v24, v3;
	[tilespmem:s0+$0x6450] =	vst v12  }
0x88: {  	v22 =	vmul.f32 v21, v26;
	v12 =	vld [tilespmem:s17+$0x6450];
	[tilespmem:s0+$0x6470] =	vst v15;
	v15 =	vmul.f32 v20, v18  }
0x89: {  	v13 =	vmul.f32 v20, v13;
	v19 =	vmul.f32 v20, v19;
	v18 =	vadd.f32 v24, v17  }
0x8a: {  	v14 =	vmul.f32 v20, v14;
	v22 =	vmul.f32 v21, v22;
	v17 =	vld [tilespmem:s17+$0x6460];
	[tilespmem:s0+$0x64A0] =	vst v15  }
0x8b: {  	v15 =	vld [tilespmem:s17+$0x6470];
	v23 =	vshrl.u32 v18, $0x1;
	v20 =	vmul.f32 $5.000000000e-01, v18;
	[tilespmem:s0+$0x6480] =	vst v13  }
0x8c: {  	v18 =	vsub.f32 $1.500000000e+00, v22;
	v22 =	vmul.f32 v11, v11;
	v13 =	vld [tilespmem:s17+$0x6480];
	v23 =	vsub.s32 $0x5F3759DF, v23;
	[tilespmem:s0+$0x6490] =	vst v14  }
0x8d: {  	v24 =	vmul.f32 v12, v12;
	v14 =	vld [tilespmem:s17+$0x6490];
	v25 =	vmul.f32 v23, v20;
	[tilespmem:s0+$0x64B0] =	vst v19;
	s0 =	smov.u32 s17  }
0x8e: {  	v21 =	vmul.f32 v21, v18  }
0x8f: {  	v19 =	vadd.f32 v24, v22;
	v22 =	vmul.f32 v17, v17;
	v18 =	vld [tilespmem:s0+$0x64A0];
	v24 =	vmul.f32 v23, v25  }
0x90: {  	v25 =	vmul.f32 v21, v26;
	v27 =	vmul.f32 v15, v15  }
0x91: {  	v22 =	vadd.f32 v22, v19;
	v19 =	vld [tilespmem:s0+$0x64B0];
	v28 =	vmul.f32 v13, v13;
	v24 =	vsub.f32 $1.500000000e+00, v24  }
0x92: {  	v25 =	vmul.f32 v25, v21;
	v29 =	vmul.f32 v14, v14  }
0x93: {  	v27 =	vadd.f32 v27, v22;
	v22 =	vmul.f32 v23, v24  }
0x94: {  	v23 =	vsub.f32 $1.500000000e+00, v25;
	v24 =	vadd.f32 v29, v28;
	v25 =	vmul.f32 v18, v18  }
0x95: {  	v28 =	vperm.xlane v27, v0;
	v29 =	vmul.f32 v22, v20  }
.Ltmp0:
0x96: {  	v21 =	vmul.f32 v23, v21;
	v23 =	vadd.f32 v25, v24;
	v24 =	vmul.f32 v19, v19;
	(pc) =	sbr.rel @p0 .LBB2_2-.Ltmp0, $4  }
0x97: {  	v25 =	vadd.f32 v27, v28;
	v28 =	vmul.f32 v29, v22  }
0x98: {  	v29 =	vmul.f32 v21, v26;
	v26 =	vadd.f32 v24, v23  }
0x99: {  	v27 =	vperm.xlane v25, v1;
	v24 =	vsub.f32 $1.500000000e+00, v28  }
0x9a: {  	v23 =	vmul.f32 v29, v21;
	v28 =	vperm.xlane v26, v0  }
0x9b: {  	_ = 	snop  }
0x9c: {  	v25 =	vadd.f32 v25, v27;
	v26 =	vadd.f32 v26, v28;
	_ =	sdelay $0x1  }
0x9d: {  	v27 =	vperm.xlane v25, v2;
	v28 =	vperm.xlane v26, v1;
	_ =	sdelay $0x1  }
0x9e: {  	v25 =	vadd.f32 v25, v27;
	v26 =	vadd.f32 v26, v28;
	_ =	sdelay $0x1  }
0x9f: {  	v27 =	vperm.xlane v25, v3;
	v28 =	vperm.xlane v26, v2;
	_ =	sdelay $0x1  }
0xa0: {  	v25 =	vadd.f32 v25, v27;
	v26 =	vadd.f32 v26, v28;
	_ =	sdelay $0x1  }
0xa1: {  	v27 =	vshrl.u32 v25, $0x1;
	v25 =	vmul.f32 $5.000000000e-01, v25;
	v28 =	vperm.xlane v26, v3  }
0xa2: {  	v27 =	vsub.s32 $0x5F3759DF, v27  }
0xa3: {  	v29 =	vmul.f32 v27, v25;
	v26 =	vadd.f32 v26, v28;
	_ =	sdelay $0x1  }
0xa4: {  	v48 =	vmul.f32 v27, v29;
	v49 =	vshrl.u32 v26, $0x1;
	v26 =	vmul.f32 $5.000000000e-01, v26  }
0xa5: {  	v29 =	vsub.s32 $0x5F3759DF, v49  }
0xa6: {  	v28 =	vsub.f32 $1.500000000e+00, v48;
	v30 =	vmul.f32 v29, v26;
	_ =	sdelay $0x1  }
0xa7: {  	v27 =	vmul.f32 v27, v28;
	v50 =	vmul.f32 v29, v30;
	_ =	sdelay $0x1  }
0xa8: {  	v51 =	vmul.f32 v27, v25;
	v28 =	vsub.f32 $1.500000000e+00, v50  }
0xa9: {  	v22 =	vmul.f32 v24, v22  }
0xaa: {  	v52 =	vmul.f32 v51, v27;
	v28 =	vmul.f32 v29, v28  }
0xab: {  	v23 =	vsub.f32 $1.500000000e+00, v23;
	v20 =	vmul.f32 v22, v20  }
0xac: {  	v24 =	vsub.f32 $1.500000000e+00, v52;
	v29 =	vmul.f32 v28, v26  }
0xad: {  	v21 =	vmul.f32 v23, v21;
	v20 =	vmul.f32 v20, v22  }
0xae: {  	v53 =	vmul.f32 v24, v27;
	v54 =	vmul.f32 v29, v28  }
0xaf: {  	v16 =	vmul.f32 v21, v16;
	v20 =	vsub.f32 $1.500000000e+00, v20  }
0xb0: {  	v7 =	vmul.f32 v21, v7;
	v25 =	vmul.f32 v53, v25;
	v24 =	vsub.f32 $1.500000000e+00, v54  }
0xb1: {  	v6 =	vmul.f32 v21, v6;
	v20 =	vmul.f32 v20, v22  }
0xb2: {  	[tilespmem:s0+$0x6430] =	vst v16;
	v55 =	vmul.f32 v25, v53;
	v56 =	vmul.f32 v24, v28  }
0xb3: {  	v10 =	vmul.f32 v21, v10;
	[tilespmem:s0+$0x6400] =	vst v7  }
0xb4: {  	[tilespmem:s0+$0x6410] =	vst v6;
	v4 =	vmul.f32 v20, v4;
	v57 =	vsub.f32 $1.500000000e+00, v55;
	v58 =	vmul.f32 v56, v26  }
0xb5: {  	[tilespmem:s0+$0x6420] =	vst v10;
	v9 =	vmul.f32 v20, v9;
	v5 =	vmul.f32 v20, v5  }
0xb6: {  	[tilespmem:s0+$0x64C0] =	vst v4;
	v4 =	vmul.f32 v57, v53;
	v59 =	vmul.f32 v58, v56  }
0xb7: {  	v60 =	vmul.f32 v20, v8;
	[tilespmem:s0+$0x64E0] =	vst v9  }
0xb8: {  	[tilespmem:s0+$0x64D0] =	vst v5;
	v5 =	vmul.f32 v4, v17;
	v6 =	vsub.f32 $1.500000000e+00, v59  }
0xb9: {  	[tilespmem:s0+$0x64F0] =	vst v60;
	v61 =	vmul.f32 v4, v11  }
0xba: {  	v62 =	vmul.f32 v4, v12;
	[tilespmem:s0+$0x6460] =	vst v5;
	v5 =	vmul.f32 v6, v56  }
0xbb: {  	v4 =	vmul.f32 v4, v15;
	[tilespmem:s0+$0x6440] =	vst v61  }
0xbc: {  	[tilespmem:s0+$0x6450] =	vst v62;
	v6 =	vmul.f32 v5, v18  }
0xbd: {  	[tilespmem:s0+$0x6470] =	vst v4;
	v4 =	vmul.f32 v5, v13  }
0xbe: {  	v63 =	vmul.f32 v5, v14;
	[tilespmem:s0+$0x64A0] =	vst v6  }
0xbf: {  	v5 =	vmul.f32 v5, v19;
	[tilespmem:s0+$0x6480] =	vst v4  }
0xc0: {  	[tilespmem:s0+$0x6490] =	vst v63  }
0xc1: {  	[tilespmem:s0+$0x64B0] =	vst v5;
	s0 =	simm.s32 $0x0  }
0xc2: {  	[hbm4b:s9+s0] =	stream.linear.scatter [tilespmem:s13], [sflag:$0x3], $0x8000, $0x38;
	[tilespmem:$0x16400] =	vst v63  }
.LBB2_4:
0xc3: {  	_ =	swait.ge [sflag:s29], $0x8000  }
0xc4: {  	s17 =	sshll.u32 s0, $0xA;
	[sflag:s29] =	ssyncset.done $0x0  }
0xc5: {  	s15 =	sadd.s32 $0x400, s17;
	[sflag:s29] =	ssyncadd.s32 $0xFFFF8000  }
0xc6: {  	[tilespmem:s13], [sflag:$0x1] =	stream.indirect.gather [hbm4b:s5+s12], $0x40, s15, s12, $0xb8;
	[tilespmem:$0x16400] =	vst v63  }
0xc7: {  	s19 =	sadd.s32 $0x480, s17  }
0xc8: {  	[tilespmem:s14], [sflag:$0x1] =	stream.indirect.gather [hbm4b:s5+s12], $0x40, s19, s12, $0xb8;
	[tilespmem:$0x16400] =	vst v63  }
0xc9: {  	s21 =	sadd.s32 $0x500, s17  }
0xca: {  	[tilespmem:s16], [sflag:$0x1] =	stream.indirect.gather [hbm4b:s5+s12], $0x40, s21, s12, $0xb8;
	[tilespmem:$0x16400] =	vst v63  }
0xcb: {  	s23 =	sadd.s32 $0x580, s17  }
0xcc: {  	[tilespmem:s18], [sflag:$0x1] =	stream.indirect.gather [hbm4b:s5+s12], $0x40, s23, s12, $0xb8;
	[tilespmem:$0x16400] =	vst v63  }
0xcd: {  	_ =	swait.ge [sflag:s30], $0x2000  }
0xce: {  	[sflag:s30] =	ssyncset.done $0x0  }
0xcf: {  	[sflag:s30] =	ssyncadd.s32 $0xFFFFE000  }
0xd0: {  	_ =	swait.ge [sflag:s30], $0x2000  }
0xd1: {  	[sflag:s30] =	ssyncset.done $0x0  }
0xd2: {  	[sflag:s30] =	ssyncadd.s32 $0xFFFFE000  }
0xd3: {  	_ =	swait.ge [sflag:s30], $0x2000  }
0xd4: {  	[sflag:s30] =	ssyncset.done $0x0  }
0xd5: {  	[sflag:s30] =	ssyncadd.s32 $0xFFFFE000  }
0xd6: {  	_ =	swait.ge [sflag:s30], $0x2000  }
0xd7: {  	[sflag:s30] =	ssyncset.done $0x0  }
0xd8: {  	s19 =	simm.s32 $0x0;
	[sflag:s30] =	ssyncadd.s32 $0xFFFFE000  }
0xd9: {  	v7 =	vld [tilespmem:s19+$0xE400]  }
0xda: {  	v6 =	vld [tilespmem:s19+$0xE410];
	_ =	sdelay $0x1  }
0xdb: {  	v10 =	vld [tilespmem:s19+$0xE420]  }
0xdc: {  	v4 =	vld [tilespmem:s19+$0xE4C0]  }
0xdd: {  	v16 =	vld [tilespmem:s19+$0xE430]  }
0xde: {  	v5 =	vld [tilespmem:s19+$0xE4D0];
	v8 =	vmul.f32 v7, v7;
	v9 =	vmul.f32 v6, v6;
	_ =	sdelay $0x1  }
0xdf: {  	v11 =	vmul.f32 v10, v10;
	v8 =	vadd.f32 v9, v8;
	v9 =	vld [tilespmem:s19+$0xE4E0];
	_ =	sdelay $0x1  }
0xe0: {  	v12 =	vmul.f32 v16, v16;
	v11 =	vadd.f32 v11, v8;
	v8 =	vld [tilespmem:s19+$0xE4F0]  }
0xe1: {  	v13 =	vmul.f32 v4, v4;
	v14 =	vmul.f32 v5, v5  }
0xe2: {  	v11 =	vadd.f32 v12, v11  }
0xe3: {  	v12 =	vadd.f32 v14, v13;
	v13 =	vmul.f32 v9, v9  }
0xe4: {  	v14 =	vperm.xlane v11, v0  }
0xe5: {  	v12 =	vadd.f32 v13, v12;
	v13 =	vmul.f32 v8, v8  }
0xe6: {  	v11 =	vadd.f32 v11, v14  }
0xe7: {  	v12 =	vadd.f32 v13, v12  }
0xe8: {  	v13 =	vperm.xlane v11, v1  }
0xe9: {  	v14 =	vperm.xlane v12, v0  }
0xea: {  	v11 =	vadd.f32 v11, v13  }
0xeb: {  	v12 =	vadd.f32 v12, v14  }
0xec: {  	v13 =	vperm.xlane v11, v2  }
0xed: {  	v14 =	vperm.xlane v12, v1  }
0xee: {  	v11 =	vadd.f32 v11, v13  }
0xef: {  	v12 =	vadd.f32 v12, v14  }
0xf0: {  	v13 =	vperm.xlane v11, v3  }
0xf1: {  	v14 =	vperm.xlane v12, v2  }
0xf2: {  	v11 =	vadd.f32 v11, v13  }
0xf3: {  	v13 =	vadd.f32 v12, v14  }
0xf4: {  	v12 =	vshrl.u32 v11, $0x1;
	v23 =	vmul.f32 $5.000000000e-01, v11  }
0xf5: {  	v11 =	vld [tilespmem:s19+$0xE440];
	v18 =	vsub.s32 $0x5F3759DF, v12;
	v14 =	vperm.xlane v13, v3  }
0xf6: {  	v12 =	vld [tilespmem:s19+$0xE450];
	v15 =	vmul.f32 v18, v23  }
0xf7: {  	v13 =	vadd.f32 v13, v14  }
0xf8: {  	v17 =	vld [tilespmem:s19+$0xE460];
	v14 =	vmul.f32 v18, v15  }
0xf9: {  	v15 =	vld [tilespmem:s19+$0xE470];
	v19 =	vshrl.u32 v13, $0x1;
	v20 =	vmul.f32 $5.000000000e-01, v13  }
0xfa: {  	v22 =	vmul.f32 v11, v11;
	v13 =	vld [tilespmem:s19+$0xE480];
	v21 =	vsub.f32 $1.500000000e+00, v14;
	v24 =	vsub.s32 $0x5F3759DF, v19  }
0xfb: {  	v19 =	vmul.f32 v12, v12;
	v14 =	vld [tilespmem:s19+$0xE490];
	v25 =	vmul.f32 v24, v20  }
0xfc: {  	v21 =	vmul.f32 v18, v21  }
0xfd: {  	v19 =	vadd.f32 v19, v22;
	v22 =	vmul.f32 v17, v17;
	v18 =	vld [tilespmem:s19+$0xE4A0];
	v25 =	vmul.f32 v24, v25  }
0xfe: {  	v27 =	vmul.f32 v15, v15;
	v26 =	vmul.f32 v21, v23  }
0xff: {  	v22 =	vadd.f32 v22, v19;
	v19 =	vld [tilespmem:s19+$0xE4B0];
	v28 =	vmul.f32 v13, v13;
	v25 =	vsub.f32 $1.500000000e+00, v25  }
0x100: {  	v29 =	vmul.f32 v14, v14;
	v26 =	vmul.f32 v26, v21  }
0x101: {  	v27 =	vadd.f32 v27, v22;
	v22 =	vmul.f32 v24, v25  }
0x102: {  	v25 =	vadd.f32 v29, v28;
	v24 =	vsub.f32 $1.500000000e+00, v26;
	v26 =	vmul.f32 v18, v18  }
0x103: {  	v28 =	vperm.xlane v27, v0;
	v29 =	vmul.f32 v22, v20  }
0x104: {  	v21 =	vmul.f32 v24, v21;
	v24 =	vadd.f32 v26, v25;
	v26 =	vmul.f32 v19, v19  }
0x105: {  	v25 =	vadd.f32 v27, v28;
	v28 =	vmul.f32 v29, v22  }
0x106: {  	v23 =	vmul.f32 v21, v23;
	v26 =	vadd.f32 v26, v24  }
0x107: {  	v27 =	vperm.xlane v25, v1;
	v24 =	vsub.f32 $1.500000000e+00, v28  }
0x108: {  	s21 =	simm.s32 $0x400;
	v23 =	vmul.f32 v23, v21;
	v28 =	vperm.xlane v26, v0  }
.LBB2_5:
0x109: {  	p0 =	sne.s32 s21, $0x1FC00;
	v25 =	vadd.f32 v25, v27;
	v22 =	vmul.f32 v24, v22;
	s23 =	smov.u32 s21;
	s21 =	sadd.s32 $0x400, s21  }
0x10a: {  	v23 =	vsub.f32 $1.500000000e+00, v23;
	v24 =	vadd.f32 v26, v28  }
0x10b: {  	s23 =	sshra.s32 s23, $0x2;
	v26 =	vperm.xlane v25, v2;
	v20 =	vmul.f32 v22, v20  }
0x10c: {  	v21 =	vmul.f32 v23, v21;
	v23 =	vperm.xlane v24, v1  }
0x10d: {  	v25 =	vadd.f32 v25, v26;
	v20 =	vmul.f32 v20, v22  }
0x10e: {  	v10 =	vmul.f32 v21, v10;
	v16 =	vmul.f32 v21, v16;
	v23 =	vadd.f32 v24, v23  }
0x10f: {  	v7 =	vmul.f32 v21, v7;
	v24 =	vperm.xlane v25, v3;
	v20 =	vsub.f32 $1.500000000e+00, v20  }
0x110: {  	v6 =	vmul.f32 v21, v6;
	[tilespmem:s19+$0xE430] =	vst v16;
	v16 =	vperm.xlane v23, v2  }
0x111: {  	[tilespmem:s19+$0xE400] =	vst v7;
	v21 =	vadd.f32 v25, v24;
	v20 =	vmul.f32 v20, v22  }
0x112: {  	v7 =	vld [tilespmem:s23+$0xE400];
	[tilespmem:s19+$0xE410] =	vst v6;
	v16 =	vadd.f32 v23, v16  }
0x113: {  	v6 =	vld [tilespmem:s23+$0xE410];
	[tilespmem:s19+$0xE420] =	vst v10;
	v10 =	vshrl.u32 v21, $0x1;
	v21 =	vmul.f32 $5.000000000e-01, v21;
	v4 =	vmul.f32 v20, v4  }
0x114: {  	v9 =	vmul.f32 v20, v9;
	v22 =	vsub.s32 $0x5F3759DF, v10;
	v23 =	vperm.xlane v16, v3  }
0x115: {  	v5 =	vmul.f32 v20, v5;
	v10 =	vld [tilespmem:s23+$0xE420];
	v24 =	vmul.f32 v22, v21;
	[tilespmem:s19+$0xE4C0] =	vst v4  }
0x116: {  	v8 =	vmul.f32 v20, v8;
	v4 =	vld [tilespmem:s23+$0xE4C0];
	v23 =	vadd.f32 v16, v23;
	[tilespmem:s19+$0xE4E0] =	vst v9  }
0x117: {  	v16 =	vld [tilespmem:s23+$0xE430];
	v9 =	vmul.f32 v7, v7;
	v20 =	vmul.f32 v22, v24;
	[tilespmem:s19+$0xE4D0] =	vst v5  }
0x118: {  	v24 =	vmul.f32 v6, v6;
	v5 =	vld [tilespmem:s23+$0xE4D0];
	v25 =	vshrl.u32 v23, $0x1;
	v23 =	vmul.f32 $5.000000000e-01, v23;
	[tilespmem:s19+$0xE4F0] =	vst v8  }
0x119: {  	v8 =	vsub.f32 $1.500000000e+00, v20;
	v20 =	vsub.s32 $0x5F3759DF, v25  }
0x11a: {  	v24 =	vadd.f32 v24, v9;
	v25 =	vmul.f32 v10, v10;
	v9 =	vld [tilespmem:s23+$0xE4E0];
	v26 =	vmul.f32 v20, v23  }
0x11b: {  	v27 =	vmul.f32 v4, v4;
	v22 =	vmul.f32 v22, v8  }
0x11c: {  	v24 =	vadd.f32 v25, v24;
	v25 =	vmul.f32 v16, v16;
	v8 =	vld [tilespmem:s23+$0xE4F0];
	v26 =	vmul.f32 v20, v26  }
0x11d: {  	v28 =	vmul.f32 v5, v5;
	v29 =	vmul.f32 v22, v21  }
0x11e: {  	v24 =	vadd.f32 v25, v24;
	v25 =	vsub.f32 $1.500000000e+00, v26  }
0x11f: {  	v26 =	vadd.f32 v28, v27;
	v27 =	vmul.f32 v9, v9;
	v28 =	vmul.f32 v29, v22  }
0x120: {  	v29 =	vperm.xlane v24, v0;
	v20 =	vmul.f32 v20, v25  }
0x121: {  	v25 =	vadd.f32 v27, v26;
	v26 =	vmul.f32 v8, v8;
	v27 =	vsub.f32 $1.500000000e+00, v28  }
0x122: {  	v24 =	vadd.f32 v24, v29;
	v28 =	vmul.f32 v20, v23  }
0x123: {  	v25 =	vadd.f32 v26, v25;
	v22 =	vmul.f32 v27, v22  }
0x124: {  	v26 =	vperm.xlane v24, v1;
	v27 =	vmul.f32 v28, v20  }
0x125: {  	v28 =	vperm.xlane v25, v0;
	v21 =	vmul.f32 v22, v21  }
0x126: {  	v24 =	vadd.f32 v24, v26;
	v26 =	vsub.f32 $1.500000000e+00, v27  }
0x127: {  	v25 =	vadd.f32 v25, v28;
	v21 =	vmul.f32 v21, v22  }
0x128: {  	v27 =	vperm.xlane v24, v2;
	v20 =	vmul.f32 v26, v20  }
0x129: {  	v26 =	vperm.xlane v25, v1;
	v21 =	vsub.f32 $1.500000000e+00, v21  }
0x12a: {  	v24 =	vadd.f32 v24, v27;
	v23 =	vmul.f32 v20, v23  }
0x12b: {  	v25 =	vadd.f32 v25, v26;
	v21 =	vmul.f32 v21, v22  }
0x12c: {  	v22 =	vperm.xlane v24, v3;
	v23 =	vmul.f32 v23, v20  }
0x12d: {  	v26 =	vperm.xlane v25, v2;
	v17 =	vmul.f32 v21, v17  }
0x12e: {  	v11 =	vmul.f32 v21, v11;
	v22 =	vadd.f32 v24, v22;
	v23 =	vsub.f32 $1.500000000e+00, v23  }
0x12f: {  	v12 =	vmul.f32 v21, v12;
	v15 =	vmul.f32 v21, v15;
	v24 =	vadd.f32 v25, v26;
	[tilespmem:s19+$0xE460] =	vst v17  }
0x130: {  	v17 =	vshrl.u32 v22, $0x1;
	v26 =	vmul.f32 $5.000000000e-01, v22;
	[tilespmem:s19+$0xE440] =	vst v11;
	v20 =	vmul.f32 v23, v20  }
0x131: {  	v21 =	vsub.s32 $0x5F3759DF, v17;
	v11 =	vld [tilespmem:s23+$0xE440];
	v17 =	vperm.xlane v24, v3;
	[tilespmem:s19+$0xE450] =	vst v12  }
0x132: {  	v22 =	vmul.f32 v21, v26;
	v12 =	vld [tilespmem:s23+$0xE450];
	[tilespmem:s19+$0xE470] =	vst v15;
	v15 =	vmul.f32 v20, v18  }
0x133: {  	v13 =	vmul.f32 v20, v13;
	v19 =	vmul.f32 v20, v19;
	v18 =	vadd.f32 v24, v17  }
0x134: {  	v14 =	vmul.f32 v20, v14;
	v22 =	vmul.f32 v21, v22;
	v17 =	vld [tilespmem:s23+$0xE460];
	[tilespmem:s19+$0xE4A0] =	vst v15  }
0x135: {  	v15 =	vld [tilespmem:s23+$0xE470];
	v23 =	vshrl.u32 v18, $0x1;
	v20 =	vmul.f32 $5.000000000e-01, v18;
	[tilespmem:s19+$0xE480] =	vst v13  }
0x136: {  	v18 =	vsub.f32 $1.500000000e+00, v22;
	v22 =	vmul.f32 v11, v11;
	v13 =	vld [tilespmem:s23+$0xE480];
	v23 =	vsub.s32 $0x5F3759DF, v23;
	[tilespmem:s19+$0xE490] =	vst v14  }
0x137: {  	v24 =	vmul.f32 v12, v12;
	v14 =	vld [tilespmem:s23+$0xE490];
	v25 =	vmul.f32 v23, v20;
	[tilespmem:s19+$0xE4B0] =	vst v19;
	s19 =	smov.u32 s23  }
0x138: {  	v21 =	vmul.f32 v21, v18  }
0x139: {  	v19 =	vadd.f32 v24, v22;
	v22 =	vmul.f32 v17, v17;
	v18 =	vld [tilespmem:s19+$0xE4A0];
	v24 =	vmul.f32 v23, v25  }
0x13a: {  	v25 =	vmul.f32 v21, v26;
	v27 =	vmul.f32 v15, v15  }
0x13b: {  	v22 =	vadd.f32 v22, v19;
	v19 =	vld [tilespmem:s19+$0xE4B0];
	v28 =	vmul.f32 v13, v13;
	v24 =	vsub.f32 $1.500000000e+00, v24  }
0x13c: {  	v25 =	vmul.f32 v25, v21;
	v29 =	vmul.f32 v14, v14  }
0x13d: {  	v27 =	vadd.f32 v27, v22;
	v22 =	vmul.f32 v23, v24  }
0x13e: {  	v23 =	vsub.f32 $1.500000000e+00, v25;
	v24 =	vadd.f32 v29, v28;
	v25 =	vmul.f32 v18, v18  }
0x13f: {  	v28 =	vperm.xlane v27, v0;
	v29 =	vmul.f32 v22, v20  }
.Ltmp1:
0x140: {  	v21 =	vmul.f32 v23, v21;
	v23 =	vadd.f32 v25, v24;
	v24 =	vmul.f32 v19, v19;
	(pc) =	sbr.rel @p0 .LBB2_5-.Ltmp1, $4  }
0x141: {  	v25 =	vadd.f32 v27, v28;
	v28 =	vmul.f32 v29, v22  }
0x142: {  	v29 =	vmul.f32 v21, v26;
	v26 =	vadd.f32 v24, v23  }
0x143: {  	v27 =	vperm.xlane v25, v1;
	v24 =	vsub.f32 $1.500000000e+00, v28  }
0x144: {  	v23 =	vmul.f32 v29, v21;
	v28 =	vperm.xlane v26, v0  }
0x145: {  	_ = 	snop  }
0x146: {  	v25 =	vadd.f32 v25, v27;
	v26 =	vadd.f32 v26, v28;
	_ =	sdelay $0x1  }
0x147: {  	v27 =	vperm.xlane v25, v2;
	v28 =	vperm.xlane v26, v1;
	_ =	sdelay $0x1  }
0x148: {  	v25 =	vadd.f32 v25, v27;
	v26 =	vadd.f32 v26, v28;
	_ =	sdelay $0x1  }
0x149: {  	v27 =	vperm.xlane v25, v3;
	v28 =	vperm.xlane v26, v2;
	_ =	sdelay $0x1  }
0x14a: {  	v25 =	vadd.f32 v25, v27;
	v26 =	vadd.f32 v26, v28;
	_ =	sdelay $0x1  }
0x14b: {  	v27 =	vshrl.u32 v25, $0x1;
	v25 =	vmul.f32 $5.000000000e-01, v25;
	v28 =	vperm.xlane v26, v3  }
0x14c: {  	v27 =	vsub.s32 $0x5F3759DF, v27  }
0x14d: {  	v29 =	vmul.f32 v27, v25;
	v26 =	vadd.f32 v26, v28;
	_ =	sdelay $0x1  }
0x14e: {  	v28 =	vmul.f32 v27, v29;
	v29 =	vshrl.u32 v26, $0x1;
	v26 =	vmul.f32 $5.000000000e-01, v26  }
0x14f: {  	v29 =	vsub.s32 $0x5F3759DF, v29  }
0x150: {  	v28 =	vsub.f32 $1.500000000e+00, v28;
	v30 =	vmul.f32 v29, v26;
	_ =	sdelay $0x1  }
0x151: {  	v27 =	vmul.f32 v27, v28;
	v28 =	vmul.f32 v29, v30;
	_ =	sdelay $0x1  }
0x152: {  	v30 =	vmul.f32 v27, v25;
	v28 =	vsub.f32 $1.500000000e+00, v28  }
0x153: {  	v22 =	vmul.f32 v24, v22  }
0x154: {  	v24 =	vmul.f32 v30, v27;
	v28 =	vmul.f32 v29, v28  }
0x155: {  	v23 =	vsub.f32 $1.500000000e+00, v23;
	v20 =	vmul.f32 v22, v20  }
0x156: {  	v24 =	vsub.f32 $1.500000000e+00, v24;
	v29 =	vmul.f32 v28, v26  }
0x157: {  	v21 =	vmul.f32 v23, v21;
	v20 =	vmul.f32 v20, v22  }
0x158: {  	v23 =	vmul.f32 v24, v27;
	v24 =	vmul.f32 v29, v28  }
0x159: {  	v16 =	vmul.f32 v21, v16;
	v20 =	vsub.f32 $1.500000000e+00, v20  }
0x15a: {  	v7 =	vmul.f32 v21, v7;
	v25 =	vmul.f32 v23, v25;
	v24 =	vsub.f32 $1.500000000e+00, v24  }
0x15b: {  	v6 =	vmul.f32 v21, v6;
	v20 =	vmul.f32 v20, v22  }
0x15c: {  	[tilespmem:s19+$0xE430] =	vst v16;
	v16 =	vmul.f32 v25, v23;
	v22 =	vmul.f32 v24, v28  }
0x15d: {  	v10 =	vmul.f32 v21, v10;
	[tilespmem:s19+$0xE400] =	vst v7  }
0x15e: {  	[tilespmem:s19+$0xE410] =	vst v6;
	v4 =	vmul.f32 v20, v4;
	v6 =	vsub.f32 $1.500000000e+00, v16;
	v7 =	vmul.f32 v22, v26  }
0x15f: {  	[tilespmem:s19+$0xE420] =	vst v10;
	v9 =	vmul.f32 v20, v9;
	v5 =	vmul.f32 v20, v5  }
0x160: {  	[tilespmem:s19+$0xE4C0] =	vst v4;
	v4 =	vmul.f32 v6, v23;
	v6 =	vmul.f32 v7, v22  }
0x161: {  	[tilespmem:s19+$0xE4E0] =	vst v9;
	v7 =	vmul.f32 v20, v8  }
0x162: {  	[tilespmem:s19+$0xE4D0] =	vst v5;
	v5 =	vmul.f32 v4, v17;
	v6 =	vsub.f32 $1.500000000e+00, v6  }
0x163: {  	v8 =	vmul.f32 v4, v12;
	[tilespmem:s19+$0xE4F0] =	vst v7  }
0x164: {  	v7 =	vmul.f32 v4, v11;
	[tilespmem:s19+$0xE460] =	vst v5;
	v5 =	vmul.f32 v6, v22  }
0x165: {  	v4 =	vmul.f32 v4, v15;
	[tilespmem:s19+$0xE450] =	vst v8  }
0x166: {  	[tilespmem:s19+$0xE440] =	vst v7;
	v6 =	vmul.f32 v5, v18  }
0x167: {  	[tilespmem:s19+$0xE470] =	vst v4;
	v4 =	vmul.f32 v5, v13  }
0x168: {  	s21 =	sadd.s32 s17, s7;
	v7 =	vmul.f32 v5, v14;
	[tilespmem:s19+$0xE4A0] =	vst v6  }
0x169: {  	s21 =	sshll.u32 s21, $0x3;
	v5 =	vmul.f32 v5, v19;
	[tilespmem:s19+$0xE480] =	vst v4  }
0x16a: {  	s21 =	sand.u32 $0x1FFFF000, s21;
	[tilespmem:s19+$0xE490] =	vst v7  }
0x16b: {  	s23 =	simm.s32 $0x0;
	s21 =	sadd.s32 s2, s21;
	[tilespmem:s19+$0xE4B0] =	vst v5  }
0x16c: {  	[hbm4b:s21+s23] =	stream.linear.scatter [tilespmem:s20], [sflag:$0x4], $0x8000, $0x38;
	[tilespmem:$0x16400] =	vst v63  }
0x16d: {  	_ =	swait.ge [sflag:s31], $0x8000  }
0x16e: {  	[sflag:s31] =	ssyncset.done $0x0  }
0x16f: {  	s21 =	sadd.s32 $0x600, s17;
	[sflag:s31] =	ssyncadd.s32 $0xFFFF8000  }
0x170: {  	[tilespmem:s20], [sflag:$0x2] =	stream.indirect.gather [hbm4b:s5+s12], $0x40, s21, s12, $0xb8;
	[tilespmem:$0x16400] =	vst v63  }
0x171: {  	s23 =	sadd.s32 $0x680, s17  }
0x172: {  	[tilespmem:s22], [sflag:$0x2] =	stream.indirect.gather [hbm4b:s5+s12], $0x40, s23, s12, $0xb8;
	[tilespmem:$0x16400] =	vst v63  }
0x173: {  	s21 =	sadd.s32 $0x700, s17  }
0x174: {  	[tilespmem:s24], [sflag:$0x2] =	stream.indirect.gather [hbm4b:s5+s12], $0x40, s21, s12, $0xb8;
	[tilespmem:$0x16400] =	vst v63  }
0x175: {  	s23 =	sadd.s32 $0x780, s17  }
0x176: {  	[tilespmem:s26], [sflag:$0x2] =	stream.indirect.gather [hbm4b:s5+s12], $0x40, s23, s12, $0xb8;
	[tilespmem:$0x16400] =	vst v63  }
0x177: {  	_ =	swait.ge [sflag:s28], $0x2000  }
0x178: {  	[sflag:s28] =	ssyncset.done $0x0  }
0x179: {  	[sflag:s28] =	ssyncadd.s32 $0xFFFFE000  }
0x17a: {  	_ =	swait.ge [sflag:s28], $0x2000  }
0x17b: {  	[sflag:s28] =	ssyncset.done $0x0  }
0x17c: {  	[sflag:s28] =	ssyncadd.s32 $0xFFFFE000  }
0x17d: {  	_ =	swait.ge [sflag:s28], $0x2000  }
0x17e: {  	[sflag:s28] =	ssyncset.done $0x0  }
0x17f: {  	[sflag:s28] =	ssyncadd.s32 $0xFFFFE000  }
0x180: {  	_ =	swait.ge [sflag:s28], $0x2000  }
0x181: {  	[sflag:s28] =	ssyncset.done $0x0  }
0x182: {  	s17 =	simm.s32 $0x0;
	[sflag:s28] =	ssyncadd.s32 $0xFFFFE000  }
0x183: {  	v7 =	vld [tilespmem:s17+$0x6400]  }
0x184: {  	v6 =	vld [tilespmem:s17+$0x6410];
	_ =	sdelay $0x1  }
0x185: {  	v10 =	vld [tilespmem:s17+$0x6420]  }
0x186: {  	v4 =	vld [tilespmem:s17+$0x64C0]  }
0x187: {  	v16 =	vld [tilespmem:s17+$0x6430]  }
0x188: {  	v5 =	vld [tilespmem:s17+$0x64D0];
	v8 =	vmul.f32 v7, v7;
	v9 =	vmul.f32 v6, v6;
	_ =	sdelay $0x1  }
0x189: {  	v11 =	vmul.f32 v10, v10;
	v8 =	vadd.f32 v9, v8;
	v9 =	vld [tilespmem:s17+$0x64E0];
	_ =	sdelay $0x1  }
0x18a: {  	v12 =	vmul.f32 v16, v16;
	v11 =	vadd.f32 v11, v8;
	v8 =	vld [tilespmem:s17+$0x64F0]  }
0x18b: {  	v13 =	vmul.f32 v4, v4;
	v14 =	vmul.f32 v5, v5  }
0x18c: {  	v11 =	vadd.f32 v12, v11  }
0x18d: {  	v12 =	vadd.f32 v14, v13;
	v13 =	vmul.f32 v9, v9  }
0x18e: {  	v14 =	vperm.xlane v11, v0  }
0x18f: {  	v12 =	vadd.f32 v13, v12;
	v13 =	vmul.f32 v8, v8  }
0x190: {  	v11 =	vadd.f32 v11, v14  }
0x191: {  	v12 =	vadd.f32 v13, v12  }
0x192: {  	v13 =	vperm.xlane v11, v1  }
0x193: {  	v14 =	vperm.xlane v12, v0  }
0x194: {  	v11 =	vadd.f32 v11, v13  }
0x195: {  	v12 =	vadd.f32 v12, v14  }
0x196: {  	v13 =	vperm.xlane v11, v2  }
0x197: {  	v14 =	vperm.xlane v12, v1  }
0x198: {  	v11 =	vadd.f32 v11, v13  }
0x199: {  	v12 =	vadd.f32 v12, v14  }
0x19a: {  	v13 =	vperm.xlane v11, v3  }
0x19b: {  	v14 =	vperm.xlane v12, v2  }
0x19c: {  	v11 =	vadd.f32 v11, v13  }
0x19d: {  	v13 =	vadd.f32 v12, v14  }
0x19e: {  	v12 =	vshrl.u32 v11, $0x1;
	v23 =	vmul.f32 $5.000000000e-01, v11  }
0x19f: {  	v11 =	vld [tilespmem:s17+$0x6440];
	v18 =	vsub.s32 $0x5F3759DF, v12;
	v14 =	vperm.xlane v13, v3  }
0x1a0: {  	v12 =	vld [tilespmem:s17+$0x6450];
	v15 =	vmul.f32 v18, v23  }
0x1a1: {  	v13 =	vadd.f32 v13, v14  }
0x1a2: {  	v17 =	vld [tilespmem:s17+$0x6460];
	v14 =	vmul.f32 v18, v15  }
0x1a3: {  	v15 =	vld [tilespmem:s17+$0x6470];
	v19 =	vshrl.u32 v13, $0x1;
	v20 =	vmul.f32 $5.000000000e-01, v13  }
0x1a4: {  	v22 =	vmul.f32 v11, v11;
	v13 =	vld [tilespmem:s17+$0x6480];
	v21 =	vsub.f32 $1.500000000e+00, v14;
	v24 =	vsub.s32 $0x5F3759DF, v19  }
0x1a5: {  	v19 =	vmul.f32 v12, v12;
	v14 =	vld [tilespmem:s17+$0x6490];
	v25 =	vmul.f32 v24, v20  }
0x1a6: {  	v21 =	vmul.f32 v18, v21  }
0x1a7: {  	v19 =	vadd.f32 v19, v22;
	v22 =	vmul.f32 v17, v17;
	v18 =	vld [tilespmem:s17+$0x64A0];
	v25 =	vmul.f32 v24, v25  }
0x1a8: {  	v27 =	vmul.f32 v15, v15;
	v26 =	vmul.f32 v21, v23  }
0x1a9: {  	v22 =	vadd.f32 v22, v19;
	v19 =	vld [tilespmem:s17+$0x64B0];
	v28 =	vmul.f32 v13, v13;
	v25 =	vsub.f32 $1.500000000e+00, v25  }
0x1aa: {  	v29 =	vmul.f32 v14, v14;
	v26 =	vmul.f32 v26, v21  }
0x1ab: {  	v27 =	vadd.f32 v27, v22;
	v22 =	vmul.f32 v24, v25  }
0x1ac: {  	v25 =	vadd.f32 v29, v28;
	v24 =	vsub.f32 $1.500000000e+00, v26;
	v26 =	vmul.f32 v18, v18  }
0x1ad: {  	v28 =	vperm.xlane v27, v0;
	v29 =	vmul.f32 v22, v20  }
0x1ae: {  	v21 =	vmul.f32 v24, v21;
	v24 =	vadd.f32 v26, v25;
	v26 =	vmul.f32 v19, v19  }
0x1af: {  	v25 =	vadd.f32 v27, v28;
	v28 =	vmul.f32 v29, v22  }
0x1b0: {  	v23 =	vmul.f32 v21, v23;
	v26 =	vadd.f32 v26, v24  }
0x1b1: {  	v27 =	vperm.xlane v25, v1;
	v24 =	vsub.f32 $1.500000000e+00, v28  }
0x1b2: {  	s19 =	simm.s32 $0x400;
	v23 =	vmul.f32 v23, v21;
	v28 =	vperm.xlane v26, v0  }
.LBB2_7:
0x1b3: {  	p0 =	sne.s32 s19, $0x1FC00;
	v25 =	vadd.f32 v25, v27;
	v22 =	vmul.f32 v24, v22;
	s21 =	smov.u32 s19;
	s19 =	sadd.s32 $0x400, s19  }
0x1b4: {  	v23 =	vsub.f32 $1.500000000e+00, v23;
	v24 =	vadd.f32 v26, v28  }
0x1b5: {  	s21 =	sshra.s32 s21, $0x2;
	v26 =	vperm.xlane v25, v2;
	v20 =	vmul.f32 v22, v20  }
0x1b6: {  	v21 =	vmul.f32 v23, v21;
	v23 =	vperm.xlane v24, v1  }
0x1b7: {  	v25 =	vadd.f32 v25, v26;
	v20 =	vmul.f32 v20, v22  }
0x1b8: {  	v10 =	vmul.f32 v21, v10;
	v16 =	vmul.f32 v21, v16;
	v23 =	vadd.f32 v24, v23  }
0x1b9: {  	v7 =	vmul.f32 v21, v7;
	v24 =	vperm.xlane v25, v3;
	v20 =	vsub.f32 $1.500000000e+00, v20  }
0x1ba: {  	v6 =	vmul.f32 v21, v6;
	[tilespmem:s17+$0x6430] =	vst v16;
	v16 =	vperm.xlane v23, v2  }
0x1bb: {  	[tilespmem:s17+$0x6400] =	vst v7;
	v21 =	vadd.f32 v25, v24;
	v20 =	vmul.f32 v20, v22  }
0x1bc: {  	v7 =	vld [tilespmem:s21+$0x6400];
	[tilespmem:s17+$0x6410] =	vst v6;
	v16 =	vadd.f32 v23, v16  }
0x1bd: {  	v6 =	vld [tilespmem:s21+$0x6410];
	[tilespmem:s17+$0x6420] =	vst v10;
	v10 =	vshrl.u32 v21, $0x1;
	v21 =	vmul.f32 $5.000000000e-01, v21;
	v4 =	vmul.f32 v20, v4  }
0x1be: {  	v9 =	vmul.f32 v20, v9;
	v22 =	vsub.s32 $0x5F3759DF, v10;
	v23 =	vperm.xlane v16, v3  }
0x1bf: {  	v5 =	vmul.f32 v20, v5;
	v10 =	vld [tilespmem:s21+$0x6420];
	v24 =	vmul.f32 v22, v21;
	[tilespmem:s17+$0x64C0] =	vst v4  }
0x1c0: {  	v8 =	vmul.f32 v20, v8;
	v4 =	vld [tilespmem:s21+$0x64C0];
	v23 =	vadd.f32 v16, v23;
	[tilespmem:s17+$0x64E0] =	vst v9  }
0x1c1: {  	v16 =	vld [tilespmem:s21+$0x6430];
	v9 =	vmul.f32 v7, v7;
	v20 =	vmul.f32 v22, v24;
	[tilespmem:s17+$0x64D0] =	vst v5  }
0x1c2: {  	v24 =	vmul.f32 v6, v6;
	v5 =	vld [tilespmem:s21+$0x64D0];
	v25 =	vshrl.u32 v23, $0x1;
	v23 =	vmul.f32 $5.000000000e-01, v23;
	[tilespmem:s17+$0x64F0] =	vst v8  }
0x1c3: {  	v8 =	vsub.f32 $1.500000000e+00, v20;
	v20 =	vsub.s32 $0x5F3759DF, v25  }
0x1c4: {  	v24 =	vadd.f32 v24, v9;
	v25 =	vmul.f32 v10, v10;
	v9 =	vld [tilespmem:s21+$0x64E0];
	v26 =	vmul.f32 v20, v23  }
0x1c5: {  	v27 =	vmul.f32 v4, v4;
	v22 =	vmul.f32 v22, v8  }
0x1c6: {  	v24 =	vadd.f32 v25, v24;
	v25 =	vmul.f32 v16, v16;
	v8 =	vld [tilespmem:s21+$0x64F0];
	v26 =	vmul.f32 v20, v26  }
0x1c7: {  	v28 =	vmul.f32 v5, v5;
	v29 =	vmul.f32 v22, v21  }
0x1c8: {  	v24 =	vadd.f32 v25, v24;
	v25 =	vsub.f32 $1.500000000e+00, v26  }
0x1c9: {  	v26 =	vadd.f32 v28, v27;
	v27 =	vmul.f32 v9, v9;
	v28 =	vmul.f32 v29, v22  }
0x1ca: {  	v29 =	vperm.xlane v24, v0;
	v20 =	vmul.f32 v20, v25  }
0x1cb: {  	v25 =	vadd.f32 v27, v26;
	v26 =	vmul.f32 v8, v8;
	v27 =	vsub.f32 $1.500000000e+00, v28  }
0x1cc: {  	v24 =	vadd.f32 v24, v29;
	v28 =	vmul.f32 v20, v23  }
0x1cd: {  	v25 =	vadd.f32 v26, v25;
	v22 =	vmul.f32 v27, v22  }
0x1ce: {  	v26 =	vperm.xlane v24, v1;
	v27 =	vmul.f32 v28, v20  }
0x1cf: {  	v28 =	vperm.xlane v25, v0;
	v21 =	vmul.f32 v22, v21  }
0x1d0: {  	v24 =	vadd.f32 v24, v26;
	v26 =	vsub.f32 $1.500000000e+00, v27  }
0x1d1: {  	v25 =	vadd.f32 v25, v28;
	v21 =	vmul.f32 v21, v22  }
0x1d2: {  	v27 =	vperm.xlane v24, v2;
	v20 =	vmul.f32 v26, v20  }
0x1d3: {  	v26 =	vperm.xlane v25, v1;
	v21 =	vsub.f32 $1.500000000e+00, v21  }
0x1d4: {  	v24 =	vadd.f32 v24, v27;
	v23 =	vmul.f32 v20, v23  }
0x1d5: {  	v25 =	vadd.f32 v25, v26;
	v21 =	vmul.f32 v21, v22  }
0x1d6: {  	v22 =	vperm.xlane v24, v3;
	v23 =	vmul.f32 v23, v20  }
0x1d7: {  	v26 =	vperm.xlane v25, v2;
	v17 =	vmul.f32 v21, v17  }
0x1d8: {  	v11 =	vmul.f32 v21, v11;
	v22 =	vadd.f32 v24, v22;
	v23 =	vsub.f32 $1.500000000e+00, v23  }
0x1d9: {  	v12 =	vmul.f32 v21, v12;
	v15 =	vmul.f32 v21, v15;
	v24 =	vadd.f32 v25, v26;
	[tilespmem:s17+$0x6460] =	vst v17  }
0x1da: {  	v17 =	vshrl.u32 v22, $0x1;
	v26 =	vmul.f32 $5.000000000e-01, v22;
	[tilespmem:s17+$0x6440] =	vst v11;
	v20 =	vmul.f32 v23, v20  }
0x1db: {  	v21 =	vsub.s32 $0x5F3759DF, v17;
	v11 =	vld [tilespmem:s21+$0x6440];
	v17 =	vperm.xlane v24, v3;
	[tilespmem:s17+$0x6450] =	vst v12  }
0x1dc: {  	v22 =	vmul.f32 v21, v26;
	v12 =	vld [tilespmem:s21+$0x6450];
	[tilespmem:s17+$0x6470] =	vst v15;
	v15 =	vmul.f32 v20, v18  }
0x1dd: {  	v13 =	vmul.f32 v20, v13;
	v19 =	vmul.f32 v20, v19;
	v18 =	vadd.f32 v24, v17  }
0x1de: {  	v14 =	vmul.f32 v20, v14;
	v22 =	vmul.f32 v21, v22;
	v17 =	vld [tilespmem:s21+$0x6460];
	[tilespmem:s17+$0x64A0] =	vst v15  }
0x1df: {  	v15 =	vld [tilespmem:s21+$0x6470];
	v23 =	vshrl.u32 v18, $0x1;
	v20 =	vmul.f32 $5.000000000e-01, v18;
	[tilespmem:s17+$0x6480] =	vst v13  }
0x1e0: {  	v18 =	vsub.f32 $1.500000000e+00, v22;
	v22 =	vmul.f32 v11, v11;
	v13 =	vld [tilespmem:s21+$0x6480];
	v23 =	vsub.s32 $0x5F3759DF, v23;
	[tilespmem:s17+$0x6490] =	vst v14  }
0x1e1: {  	v24 =	vmul.f32 v12, v12;
	v14 =	vld [tilespmem:s21+$0x6490];
	v25 =	vmul.f32 v23, v20;
	[tilespmem:s17+$0x64B0] =	vst v19;
	s17 =	smov.u32 s21  }
0x1e2: {  	v21 =	vmul.f32 v21, v18  }
0x1e3: {  	v19 =	vadd.f32 v24, v22;
	v22 =	vmul.f32 v17, v17;
	v18 =	vld [tilespmem:s17+$0x64A0];
	v24 =	vmul.f32 v23, v25  }
0x1e4: {  	v25 =	vmul.f32 v21, v26;
	v27 =	vmul.f32 v15, v15  }
0x1e5: {  	v22 =	vadd.f32 v22, v19;
	v19 =	vld [tilespmem:s17+$0x64B0];
	v28 =	vmul.f32 v13, v13;
	v24 =	vsub.f32 $1.500000000e+00, v24  }
0x1e6: {  	v25 =	vmul.f32 v25, v21;
	v29 =	vmul.f32 v14, v14  }
0x1e7: {  	v27 =	vadd.f32 v27, v22;
	v22 =	vmul.f32 v23, v24  }
0x1e8: {  	v23 =	vsub.f32 $1.500000000e+00, v25;
	v24 =	vadd.f32 v29, v28;
	v25 =	vmul.f32 v18, v18  }
0x1e9: {  	v28 =	vperm.xlane v27, v0;
	v29 =	vmul.f32 v22, v20  }
.Ltmp2:
0x1ea: {  	v21 =	vmul.f32 v23, v21;
	v23 =	vadd.f32 v25, v24;
	v24 =	vmul.f32 v19, v19;
	(pc) =	sbr.rel @p0 .LBB2_7-.Ltmp2, $4  }
0x1eb: {  	v25 =	vadd.f32 v27, v28;
	v28 =	vmul.f32 v29, v22  }
0x1ec: {  	v29 =	vmul.f32 v21, v26;
	v26 =	vadd.f32 v24, v23  }
0x1ed: {  	v27 =	vperm.xlane v25, v1;
	v24 =	vsub.f32 $1.500000000e+00, v28  }
0x1ee: {  	v23 =	vmul.f32 v29, v21;
	v28 =	vperm.xlane v26, v0  }
0x1ef: {  	_ = 	snop  }
0x1f0: {  	v25 =	vadd.f32 v25, v27;
	v26 =	vadd.f32 v26, v28;
	_ =	sdelay $0x1  }
0x1f1: {  	v27 =	vperm.xlane v25, v2;
	v28 =	vperm.xlane v26, v1;
	_ =	sdelay $0x1  }
0x1f2: {  	v25 =	vadd.f32 v25, v27;
	v26 =	vadd.f32 v26, v28;
	_ =	sdelay $0x1  }
0x1f3: {  	v27 =	vperm.xlane v25, v3;
	v28 =	vperm.xlane v26, v2;
	_ =	sdelay $0x1  }
0x1f4: {  	v25 =	vadd.f32 v25, v27;
	v26 =	vadd.f32 v26, v28;
	_ =	sdelay $0x1  }
0x1f5: {  	v27 =	vshrl.u32 v25, $0x1;
	v25 =	vmul.f32 $5.000000000e-01, v25;
	v28 =	vperm.xlane v26, v3  }
0x1f6: {  	v27 =	vsub.s32 $0x5F3759DF, v27  }
0x1f7: {  	v29 =	vmul.f32 v27, v25;
	v26 =	vadd.f32 v26, v28;
	_ =	sdelay $0x1  }
0x1f8: {  	v48 =	vmul.f32 v27, v29;
	v49 =	vshrl.u32 v26, $0x1;
	v26 =	vmul.f32 $5.000000000e-01, v26  }
0x1f9: {  	v29 =	vsub.s32 $0x5F3759DF, v49  }
0x1fa: {  	v28 =	vsub.f32 $1.500000000e+00, v48;
	v30 =	vmul.f32 v29, v26;
	_ =	sdelay $0x1  }
0x1fb: {  	v27 =	vmul.f32 v27, v28;
	v50 =	vmul.f32 v29, v30;
	_ =	sdelay $0x1  }
0x1fc: {  	v51 =	vmul.f32 v27, v25;
	v28 =	vsub.f32 $1.500000000e+00, v50  }
0x1fd: {  	v22 =	vmul.f32 v24, v22  }
0x1fe: {  	v52 =	vmul.f32 v51, v27;
	v28 =	vmul.f32 v29, v28  }
0x1ff: {  	v23 =	vsub.f32 $1.500000000e+00, v23;
	v20 =	vmul.f32 v22, v20  }
0x200: {  	v24 =	vsub.f32 $1.500000000e+00, v52;
	v29 =	vmul.f32 v28, v26  }
0x201: {  	v21 =	vmul.f32 v23, v21;
	v20 =	vmul.f32 v20, v22  }
0x202: {  	v53 =	vmul.f32 v24, v27;
	v54 =	vmul.f32 v29, v28  }
0x203: {  	v16 =	vmul.f32 v21, v16;
	v20 =	vsub.f32 $1.500000000e+00, v20  }
0x204: {  	v7 =	vmul.f32 v21, v7;
	v25 =	vmul.f32 v53, v25;
	v24 =	vsub.f32 $1.500000000e+00, v54  }
0x205: {  	v6 =	vmul.f32 v21, v6;
	v20 =	vmul.f32 v20, v22  }
0x206: {  	[tilespmem:s17+$0x6430] =	vst v16;
	v55 =	vmul.f32 v25, v53;
	v56 =	vmul.f32 v24, v28  }
0x207: {  	v10 =	vmul.f32 v21, v10;
	[tilespmem:s17+$0x6400] =	vst v7  }
0x208: {  	[tilespmem:s17+$0x6410] =	vst v6;
	v4 =	vmul.f32 v20, v4;
	v57 =	vsub.f32 $1.500000000e+00, v55;
	v58 =	vmul.f32 v56, v26  }
0x209: {  	[tilespmem:s17+$0x6420] =	vst v10;
	v9 =	vmul.f32 v20, v9;
	v5 =	vmul.f32 v20, v5  }
0x20a: {  	[tilespmem:s17+$0x64C0] =	vst v4;
	v4 =	vmul.f32 v57, v53;
	v59 =	vmul.f32 v58, v56  }
0x20b: {  	v60 =	vmul.f32 v20, v8;
	[tilespmem:s17+$0x64E0] =	vst v9  }
0x20c: {  	[tilespmem:s17+$0x64D0] =	vst v5;
	v5 =	vmul.f32 v4, v17;
	v6 =	vsub.f32 $1.500000000e+00, v59  }
0x20d: {  	[tilespmem:s17+$0x64F0] =	vst v60;
	v61 =	vmul.f32 v4, v11  }
0x20e: {  	v62 =	vmul.f32 v4, v12;
	[tilespmem:s17+$0x6460] =	vst v5;
	v5 =	vmul.f32 v6, v56  }
0x20f: {  	v4 =	vmul.f32 v4, v15;
	[tilespmem:s17+$0x6440] =	vst v61  }
0x210: {  	s0 =	sadd.s32 $0x1, s0;
	[tilespmem:s17+$0x6450] =	vst v62;
	v6 =	vmul.f32 v5, v18  }
0x211: {  	p0 =	sne.s32 s0, $0x18;
	[tilespmem:s17+$0x6470] =	vst v4;
	v4 =	vmul.f32 v5, v13  }
.Ltmp3:
0x212: {  	s15 =	sadd.s32 s4, s15;
	v63 =	vmul.f32 v5, v14;
	[tilespmem:s17+$0x64A0] =	vst v6;
	(pc) =	sbr.rel @p0 .LBB2_4-.Ltmp3, $4  }
0x213: {  	s15 =	sshll.u32 s15, $0x3;
	v5 =	vmul.f32 v5, v19;
	[tilespmem:s17+$0x6480] =	vst v4  }
0x214: {  	s15 =	sand.u32 $0x1FFFE000, s15;
	[tilespmem:s17+$0x6490] =	vst v63  }
0x215: {  	s15 =	sadd.s32 s2, s15;
	[tilespmem:s17+$0x64B0] =	vst v5  }
0x216: {  	[hbm4b:s15+s3] =	stream.linear.scatter [tilespmem:s13], [sflag:$0x3], $0x8000, $0x38;
	[tilespmem:$0x16400] =	vst v63  }
0x217: {  	_ =	swait.ge [sflag:s30], $0x2000  }
0x218: {  	[sflag:s30] =	ssyncset.done $0x0  }
0x219: {  	[sflag:s30] =	ssyncadd.s32 $0xFFFFE000  }
0x21a: {  	_ =	swait.ge [sflag:s30], $0x2000  }
0x21b: {  	[sflag:s30] =	ssyncset.done $0x0  }
0x21c: {  	[sflag:s30] =	ssyncadd.s32 $0xFFFFE000  }
0x21d: {  	_ =	swait.ge [sflag:s30], $0x2000  }
0x21e: {  	[sflag:s30] =	ssyncset.done $0x0  }
0x21f: {  	[sflag:s30] =	ssyncadd.s32 $0xFFFFE000  }
0x220: {  	_ =	swait.ge [sflag:s30], $0x2000  }
0x221: {  	[sflag:s30] =	ssyncset.done $0x0  }
0x222: {  	s0 =	simm.s32 $0x0;
	[sflag:s30] =	ssyncadd.s32 $0xFFFFE000  }
0x223: {  	v7 =	vld [tilespmem:s0+$0xE400]  }
0x224: {  	v6 =	vld [tilespmem:s0+$0xE410];
	_ =	sdelay $0x1  }
0x225: {  	v10 =	vld [tilespmem:s0+$0xE420]  }
0x226: {  	v4 =	vld [tilespmem:s0+$0xE4C0]  }
0x227: {  	v16 =	vld [tilespmem:s0+$0xE430]  }
0x228: {  	v5 =	vld [tilespmem:s0+$0xE4D0];
	v8 =	vmul.f32 v7, v7;
	v9 =	vmul.f32 v6, v6;
	_ =	sdelay $0x1  }
0x229: {  	v11 =	vmul.f32 v10, v10;
	v8 =	vadd.f32 v9, v8;
	v9 =	vld [tilespmem:s0+$0xE4E0];
	_ =	sdelay $0x1  }
0x22a: {  	v12 =	vmul.f32 v16, v16;
	v11 =	vadd.f32 v11, v8;
	v8 =	vld [tilespmem:s0+$0xE4F0]  }
0x22b: {  	v13 =	vmul.f32 v4, v4;
	v14 =	vmul.f32 v5, v5  }
0x22c: {  	v11 =	vadd.f32 v12, v11  }
0x22d: {  	v12 =	vadd.f32 v14, v13;
	v13 =	vmul.f32 v9, v9  }
0x22e: {  	v14 =	vperm.xlane v11, v0  }
0x22f: {  	v12 =	vadd.f32 v13, v12;
	v13 =	vmul.f32 v8, v8  }
0x230: {  	v11 =	vadd.f32 v11, v14  }
0x231: {  	v12 =	vadd.f32 v13, v12  }
0x232: {  	v13 =	vperm.xlane v11, v1  }
0x233: {  	v14 =	vperm.xlane v12, v0  }
0x234: {  	v11 =	vadd.f32 v11, v13  }
0x235: {  	v12 =	vadd.f32 v12, v14  }
0x236: {  	v13 =	vperm.xlane v11, v2  }
0x237: {  	v14 =	vperm.xlane v12, v1  }
0x238: {  	v11 =	vadd.f32 v11, v13  }
0x239: {  	v12 =	vadd.f32 v12, v14  }
0x23a: {  	v13 =	vperm.xlane v11, v3  }
0x23b: {  	v14 =	vperm.xlane v12, v2  }
0x23c: {  	v11 =	vadd.f32 v11, v13  }
0x23d: {  	v13 =	vadd.f32 v12, v14  }
0x23e: {  	v12 =	vshrl.u32 v11, $0x1;
	v23 =	vmul.f32 $5.000000000e-01, v11  }
0x23f: {  	v11 =	vld [tilespmem:s0+$0xE440];
	v18 =	vsub.s32 $0x5F3759DF, v12;
	v14 =	vperm.xlane v13, v3  }
0x240: {  	v12 =	vld [tilespmem:s0+$0xE450];
	v15 =	vmul.f32 v18, v23  }
0x241: {  	v13 =	vadd.f32 v13, v14  }
0x242: {  	v17 =	vld [tilespmem:s0+$0xE460];
	v14 =	vmul.f32 v18, v15  }
0x243: {  	v15 =	vld [tilespmem:s0+$0xE470];
	v19 =	vshrl.u32 v13, $0x1;
	v20 =	vmul.f32 $5.000000000e-01, v13  }
0x244: {  	v22 =	vmul.f32 v11, v11;
	v13 =	vld [tilespmem:s0+$0xE480];
	v21 =	vsub.f32 $1.500000000e+00, v14;
	v24 =	vsub.s32 $0x5F3759DF, v19  }
0x245: {  	v19 =	vmul.f32 v12, v12;
	v14 =	vld [tilespmem:s0+$0xE490];
	v25 =	vmul.f32 v24, v20  }
0x246: {  	v21 =	vmul.f32 v18, v21  }
0x247: {  	v19 =	vadd.f32 v19, v22;
	v22 =	vmul.f32 v17, v17;
	v18 =	vld [tilespmem:s0+$0xE4A0];
	v25 =	vmul.f32 v24, v25  }
0x248: {  	v27 =	vmul.f32 v15, v15;
	v26 =	vmul.f32 v21, v23  }
0x249: {  	v22 =	vadd.f32 v22, v19;
	v19 =	vld [tilespmem:s0+$0xE4B0];
	v28 =	vmul.f32 v13, v13;
	v25 =	vsub.f32 $1.500000000e+00, v25  }
0x24a: {  	v29 =	vmul.f32 v14, v14;
	v26 =	vmul.f32 v26, v21  }
0x24b: {  	v27 =	vadd.f32 v27, v22;
	v22 =	vmul.f32 v24, v25  }
0x24c: {  	v25 =	vadd.f32 v29, v28;
	v24 =	vsub.f32 $1.500000000e+00, v26;
	v26 =	vmul.f32 v18, v18  }
0x24d: {  	v28 =	vperm.xlane v27, v0;
	v29 =	vmul.f32 v22, v20  }
0x24e: {  	v21 =	vmul.f32 v24, v21;
	v24 =	vadd.f32 v26, v25;
	v26 =	vmul.f32 v19, v19  }
0x24f: {  	v25 =	vadd.f32 v27, v28;
	v28 =	vmul.f32 v29, v22  }
0x250: {  	v23 =	vmul.f32 v21, v23;
	v26 =	vadd.f32 v26, v24  }
0x251: {  	v27 =	vperm.xlane v25, v1;
	v24 =	vsub.f32 $1.500000000e+00, v28  }
0x252: {  	s15 =	simm.s32 $0x400;
	v23 =	vmul.f32 v23, v21;
	v28 =	vperm.xlane v26, v0  }
.LBB2_10:
0x253: {  	p0 =	sne.s32 s15, $0x1FC00;
	v25 =	vadd.f32 v25, v27;
	v22 =	vmul.f32 v24, v22;
	s17 =	smov.u32 s15;
	s15 =	sadd.s32 $0x400, s15  }
0x254: {  	v23 =	vsub.f32 $1.500000000e+00, v23;
	v24 =	vadd.f32 v26, v28  }
0x255: {  	s17 =	sshra.s32 s17, $0x2;
	v26 =	vperm.xlane v25, v2;
	v20 =	vmul.f32 v22, v20  }
0x256: {  	v21 =	vmul.f32 v23, v21;
	v23 =	vperm.xlane v24, v1  }
0x257: {  	v25 =	vadd.f32 v25, v26;
	v20 =	vmul.f32 v20, v22  }
0x258: {  	v10 =	vmul.f32 v21, v10;
	v16 =	vmul.f32 v21, v16;
	v23 =	vadd.f32 v24, v23  }
0x259: {  	v7 =	vmul.f32 v21, v7;
	v24 =	vperm.xlane v25, v3;
	v20 =	vsub.f32 $1.500000000e+00, v20  }
0x25a: {  	v6 =	vmul.f32 v21, v6;
	[tilespmem:s0+$0xE430] =	vst v16;
	v16 =	vperm.xlane v23, v2  }
0x25b: {  	[tilespmem:s0+$0xE400] =	vst v7;
	v21 =	vadd.f32 v25, v24;
	v20 =	vmul.f32 v20, v22  }
0x25c: {  	v7 =	vld [tilespmem:s17+$0xE400];
	[tilespmem:s0+$0xE410] =	vst v6;
	v16 =	vadd.f32 v23, v16  }
0x25d: {  	v6 =	vld [tilespmem:s17+$0xE410];
	[tilespmem:s0+$0xE420] =	vst v10;
	v10 =	vshrl.u32 v21, $0x1;
	v21 =	vmul.f32 $5.000000000e-01, v21;
	v4 =	vmul.f32 v20, v4  }
0x25e: {  	v9 =	vmul.f32 v20, v9;
	v22 =	vsub.s32 $0x5F3759DF, v10;
	v23 =	vperm.xlane v16, v3  }
0x25f: {  	v5 =	vmul.f32 v20, v5;
	v10 =	vld [tilespmem:s17+$0xE420];
	v24 =	vmul.f32 v22, v21;
	[tilespmem:s0+$0xE4C0] =	vst v4  }
0x260: {  	v8 =	vmul.f32 v20, v8;
	v4 =	vld [tilespmem:s17+$0xE4C0];
	v23 =	vadd.f32 v16, v23;
	[tilespmem:s0+$0xE4E0] =	vst v9  }
0x261: {  	v16 =	vld [tilespmem:s17+$0xE430];
	v9 =	vmul.f32 v7, v7;
	v20 =	vmul.f32 v22, v24;
	[tilespmem:s0+$0xE4D0] =	vst v5  }
0x262: {  	v24 =	vmul.f32 v6, v6;
	v5 =	vld [tilespmem:s17+$0xE4D0];
	v25 =	vshrl.u32 v23, $0x1;
	v23 =	vmul.f32 $5.000000000e-01, v23;
	[tilespmem:s0+$0xE4F0] =	vst v8  }
0x263: {  	v8 =	vsub.f32 $1.500000000e+00, v20;
	v20 =	vsub.s32 $0x5F3759DF, v25  }
0x264: {  	v24 =	vadd.f32 v24, v9;
	v25 =	vmul.f32 v10, v10;
	v9 =	vld [tilespmem:s17+$0xE4E0];
	v26 =	vmul.f32 v20, v23  }
0x265: {  	v27 =	vmul.f32 v4, v4;
	v22 =	vmul.f32 v22, v8  }
0x266: {  	v24 =	vadd.f32 v25, v24;
	v25 =	vmul.f32 v16, v16;
	v8 =	vld [tilespmem:s17+$0xE4F0];
	v26 =	vmul.f32 v20, v26  }
0x267: {  	v28 =	vmul.f32 v5, v5;
	v29 =	vmul.f32 v22, v21  }
0x268: {  	v24 =	vadd.f32 v25, v24;
	v25 =	vsub.f32 $1.500000000e+00, v26  }
0x269: {  	v26 =	vadd.f32 v28, v27;
	v27 =	vmul.f32 v9, v9;
	v28 =	vmul.f32 v29, v22  }
0x26a: {  	v29 =	vperm.xlane v24, v0;
	v20 =	vmul.f32 v20, v25  }
0x26b: {  	v25 =	vadd.f32 v27, v26;
	v26 =	vmul.f32 v8, v8;
	v27 =	vsub.f32 $1.500000000e+00, v28  }
0x26c: {  	v24 =	vadd.f32 v24, v29;
	v28 =	vmul.f32 v20, v23  }
0x26d: {  	v25 =	vadd.f32 v26, v25;
	v22 =	vmul.f32 v27, v22  }
0x26e: {  	v26 =	vperm.xlane v24, v1;
	v27 =	vmul.f32 v28, v20  }
0x26f: {  	v28 =	vperm.xlane v25, v0;
	v21 =	vmul.f32 v22, v21  }
0x270: {  	v24 =	vadd.f32 v24, v26;
	v26 =	vsub.f32 $1.500000000e+00, v27  }
0x271: {  	v25 =	vadd.f32 v25, v28;
	v21 =	vmul.f32 v21, v22  }
0x272: {  	v27 =	vperm.xlane v24, v2;
	v20 =	vmul.f32 v26, v20  }
0x273: {  	v26 =	vperm.xlane v25, v1;
	v21 =	vsub.f32 $1.500000000e+00, v21  }
0x274: {  	v24 =	vadd.f32 v24, v27;
	v23 =	vmul.f32 v20, v23  }
0x275: {  	v25 =	vadd.f32 v25, v26;
	v21 =	vmul.f32 v21, v22  }
0x276: {  	v22 =	vperm.xlane v24, v3;
	v23 =	vmul.f32 v23, v20  }
0x277: {  	v26 =	vperm.xlane v25, v2;
	v17 =	vmul.f32 v21, v17  }
0x278: {  	v11 =	vmul.f32 v21, v11;
	v22 =	vadd.f32 v24, v22;
	v23 =	vsub.f32 $1.500000000e+00, v23  }
0x279: {  	v12 =	vmul.f32 v21, v12;
	v15 =	vmul.f32 v21, v15;
	v24 =	vadd.f32 v25, v26;
	[tilespmem:s0+$0xE460] =	vst v17  }
0x27a: {  	v17 =	vshrl.u32 v22, $0x1;
	v26 =	vmul.f32 $5.000000000e-01, v22;
	[tilespmem:s0+$0xE440] =	vst v11;
	v20 =	vmul.f32 v23, v20  }
0x27b: {  	v21 =	vsub.s32 $0x5F3759DF, v17;
	v11 =	vld [tilespmem:s17+$0xE440];
	v17 =	vperm.xlane v24, v3;
	[tilespmem:s0+$0xE450] =	vst v12  }
0x27c: {  	v22 =	vmul.f32 v21, v26;
	v12 =	vld [tilespmem:s17+$0xE450];
	[tilespmem:s0+$0xE470] =	vst v15;
	v15 =	vmul.f32 v20, v18  }
0x27d: {  	v13 =	vmul.f32 v20, v13;
	v19 =	vmul.f32 v20, v19;
	v18 =	vadd.f32 v24, v17  }
0x27e: {  	v14 =	vmul.f32 v20, v14;
	v22 =	vmul.f32 v21, v22;
	v17 =	vld [tilespmem:s17+$0xE460];
	[tilespmem:s0+$0xE4A0] =	vst v15  }
0x27f: {  	v15 =	vld [tilespmem:s17+$0xE470];
	v23 =	vshrl.u32 v18, $0x1;
	v20 =	vmul.f32 $5.000000000e-01, v18;
	[tilespmem:s0+$0xE480] =	vst v13  }
0x280: {  	v18 =	vsub.f32 $1.500000000e+00, v22;
	v22 =	vmul.f32 v11, v11;
	v13 =	vld [tilespmem:s17+$0xE480];
	v23 =	vsub.s32 $0x5F3759DF, v23;
	[tilespmem:s0+$0xE490] =	vst v14  }
0x281: {  	v24 =	vmul.f32 v12, v12;
	v14 =	vld [tilespmem:s17+$0xE490];
	v25 =	vmul.f32 v23, v20;
	[tilespmem:s0+$0xE4B0] =	vst v19;
	s0 =	smov.u32 s17  }
0x282: {  	v21 =	vmul.f32 v21, v18  }
0x283: {  	v19 =	vadd.f32 v24, v22;
	v22 =	vmul.f32 v17, v17;
	v18 =	vld [tilespmem:s0+$0xE4A0];
	v24 =	vmul.f32 v23, v25  }
0x284: {  	v25 =	vmul.f32 v21, v26;
	v27 =	vmul.f32 v15, v15  }
0x285: {  	v22 =	vadd.f32 v22, v19;
	v19 =	vld [tilespmem:s0+$0xE4B0];
	v28 =	vmul.f32 v13, v13;
	v24 =	vsub.f32 $1.500000000e+00, v24  }
0x286: {  	v25 =	vmul.f32 v25, v21;
	v29 =	vmul.f32 v14, v14  }
0x287: {  	v27 =	vadd.f32 v27, v22;
	v22 =	vmul.f32 v23, v24  }
0x288: {  	v23 =	vsub.f32 $1.500000000e+00, v25;
	v24 =	vadd.f32 v29, v28;
	v25 =	vmul.f32 v18, v18  }
0x289: {  	v28 =	vperm.xlane v27, v0;
	v29 =	vmul.f32 v22, v20  }
.Ltmp4:
0x28a: {  	v21 =	vmul.f32 v23, v21;
	v23 =	vadd.f32 v25, v24;
	v24 =	vmul.f32 v19, v19;
	(pc) =	sbr.rel @p0 .LBB2_10-.Ltmp4, $4  }
0x28b: {  	v25 =	vadd.f32 v27, v28;
	v28 =	vmul.f32 v29, v22  }
0x28c: {  	v29 =	vmul.f32 v21, v26;
	v26 =	vadd.f32 v24, v23  }
0x28d: {  	v27 =	vperm.xlane v25, v1;
	v24 =	vsub.f32 $1.500000000e+00, v28  }
0x28e: {  	v23 =	vmul.f32 v29, v21;
	v28 =	vperm.xlane v26, v0  }
0x28f: {  	_ = 	snop  }
0x290: {  	v25 =	vadd.f32 v25, v27;
	v26 =	vadd.f32 v26, v28;
	_ =	sdelay $0x1  }
0x291: {  	v27 =	vperm.xlane v25, v2;
	v28 =	vperm.xlane v26, v1;
	_ =	sdelay $0x1  }
0x292: {  	v25 =	vadd.f32 v25, v27;
	v26 =	vadd.f32 v26, v28;
	_ =	sdelay $0x1  }
0x293: {  	v27 =	vperm.xlane v25, v3;
	v28 =	vperm.xlane v26, v2;
	_ =	sdelay $0x1  }
0x294: {  	v25 =	vadd.f32 v25, v27;
	v26 =	vadd.f32 v26, v28;
	_ =	sdelay $0x1  }
0x295: {  	v27 =	vshrl.u32 v25, $0x1;
	v25 =	vmul.f32 $5.000000000e-01, v25;
	v28 =	vperm.xlane v26, v3  }
0x296: {  	v27 =	vsub.s32 $0x5F3759DF, v27  }
0x297: {  	v29 =	vmul.f32 v27, v25;
	v26 =	vadd.f32 v26, v28;
	_ =	sdelay $0x1  }
0x298: {  	v48 =	vmul.f32 v27, v29;
	v49 =	vshrl.u32 v26, $0x1;
	v26 =	vmul.f32 $5.000000000e-01, v26  }
0x299: {  	v29 =	vsub.s32 $0x5F3759DF, v49  }
0x29a: {  	v28 =	vsub.f32 $1.500000000e+00, v48;
	v30 =	vmul.f32 v29, v26;
	_ =	sdelay $0x1  }
0x29b: {  	v27 =	vmul.f32 v27, v28;
	v50 =	vmul.f32 v29, v30;
	_ =	sdelay $0x1  }
0x29c: {  	v51 =	vmul.f32 v27, v25;
	v28 =	vsub.f32 $1.500000000e+00, v50  }
0x29d: {  	v22 =	vmul.f32 v24, v22  }
0x29e: {  	v52 =	vmul.f32 v51, v27;
	v28 =	vmul.f32 v29, v28  }
0x29f: {  	v23 =	vsub.f32 $1.500000000e+00, v23;
	v20 =	vmul.f32 v22, v20  }
0x2a0: {  	v24 =	vsub.f32 $1.500000000e+00, v52;
	v29 =	vmul.f32 v28, v26  }
0x2a1: {  	v21 =	vmul.f32 v23, v21;
	v20 =	vmul.f32 v20, v22  }
0x2a2: {  	v53 =	vmul.f32 v24, v27;
	v54 =	vmul.f32 v29, v28  }
0x2a3: {  	v16 =	vmul.f32 v21, v16;
	v20 =	vsub.f32 $1.500000000e+00, v20  }
0x2a4: {  	v7 =	vmul.f32 v21, v7;
	v25 =	vmul.f32 v53, v25;
	v24 =	vsub.f32 $1.500000000e+00, v54  }
0x2a5: {  	v6 =	vmul.f32 v21, v6;
	v20 =	vmul.f32 v20, v22  }
0x2a6: {  	[tilespmem:s0+$0xE430] =	vst v16;
	v55 =	vmul.f32 v25, v53;
	v56 =	vmul.f32 v24, v28  }
0x2a7: {  	v10 =	vmul.f32 v21, v10;
	[tilespmem:s0+$0xE400] =	vst v7  }
0x2a8: {  	[tilespmem:s0+$0xE410] =	vst v6;
	v4 =	vmul.f32 v20, v4;
	v57 =	vsub.f32 $1.500000000e+00, v55;
	v58 =	vmul.f32 v56, v26  }
0x2a9: {  	[tilespmem:s0+$0xE420] =	vst v10;
	v9 =	vmul.f32 v20, v9;
	v5 =	vmul.f32 v20, v5  }
0x2aa: {  	[tilespmem:s0+$0xE4C0] =	vst v4;
	v4 =	vmul.f32 v57, v53;
	v59 =	vmul.f32 v58, v56  }
0x2ab: {  	v60 =	vmul.f32 v20, v8;
	[tilespmem:s0+$0xE4E0] =	vst v9  }
0x2ac: {  	[tilespmem:s0+$0xE4D0] =	vst v5;
	v5 =	vmul.f32 v4, v17;
	v6 =	vsub.f32 $1.500000000e+00, v59  }
0x2ad: {  	[tilespmem:s0+$0xE4F0] =	vst v60;
	v61 =	vmul.f32 v4, v11  }
0x2ae: {  	v62 =	vmul.f32 v4, v12;
	[tilespmem:s0+$0xE460] =	vst v5;
	v5 =	vmul.f32 v6, v56  }
0x2af: {  	v4 =	vmul.f32 v4, v15;
	[tilespmem:s0+$0xE440] =	vst v61  }
0x2b0: {  	[tilespmem:s0+$0xE450] =	vst v62;
	v6 =	vmul.f32 v5, v18  }
0x2b1: {  	[tilespmem:s0+$0xE470] =	vst v4;
	v4 =	vmul.f32 v5, v13  }
0x2b2: {  	v63 =	vmul.f32 v5, v14;
	[tilespmem:s0+$0xE4A0] =	vst v6  }
0x2b3: {  	v5 =	vmul.f32 v5, v19;
	[tilespmem:s0+$0xE480] =	vst v4  }
0x2b4: {  	[tilespmem:s0+$0xE490] =	vst v63  }
0x2b5: {  	s1 =	sadd.s32 $0x1, s1;
	[tilespmem:s0+$0xE4B0] =	vst v5  }
0x2b6: {  	[hbm4b:s8+s3] =	stream.linear.scatter [tilespmem:s20], [sflag:$0x4], $0x8000, $0x38;
	[tilespmem:$0x16400] =	vst v63  }
0x2b7: {  	p0 =	sne.s32 s1, s10;
	_ =	swait.ge [sflag:s29], $0x8000  }
.Ltmp5:
0x2b8: {  	[sflag:s29] =	ssyncset.done $0x0;
	(pc) =	sbr.rel @p0 .LBB2_1-.Ltmp5, $4  }
0x2b9: {  	[sflag:s29] =	ssyncadd.s32 $0xFFFF8000  }
0x2ba: {  	_ =	swait.ge [sflag:s31], $0x8000  }
0x2bb: {  	[sflag:s31] =	ssyncset.done $0x0  }
0x2bc: {  	[sflag:s31] =	ssyncadd.s32 $0xFFFF8000  }
0x2bd: {  	_ =	sfence.sel $0x180000  }
0x2be: {  	[bflag:$0x0] =	sbarrier.arrive $0xFFFF  }
0x2bf: {  	_ =	strace $0x90000047  }
0x2c0: {  	s0 =	stileid.u32;
	[bflag:$0x2] =	sbarrier.arrive $0xFFFF  }
0x2c1: {  	p0 =	sne.s32 s0, $0x0;
	s0 =	rddreg [dreg:$0x2]  }
0x2c2: {  	s0 =	sadd.s32 @!p0 $0x100000, s0  }
0x2c3: {  	[sflag:s0] =	ssyncadd.tile.s32 @!p0 $0x1;
	_ =	shalt  }
.Lfunc_end2:
_tile_overlayer_lowered:
.L_overlay_start_2:
0x2c4: {  	(tag) =	ssettag $0x2  }
0x2c5: {  	s0 =	rddreg [dreg:$0x0];
	s2 =	stileid.u32  }
0x2c6: {  	s1 =	rddreg [dreg:$0x1];
	p0 =	sne.s32 s2, $0x0  }
0x2c7: {  	s3 =	rddreg [dreg:$0x2];
	[bflag:$0x3] =	sbarrier.arrive $0xFFFF;
	s2 =	simm.s32 @!p0 $0x1C05  }
0x2c8: {  	[timem:s3], [sflag:s2] =	dma.local @!p0 [hbm:s0], s1  }
0x2c9: {  	s0 =	simm.s32 @!p0 $0x5  }
0x2ca: {  	_ =	swait.ge @!p0 [sflag:s0], s1  }
0x2cb: {  	s1 =	ssub.s32 @!p0 $0x0, s1;
	[sflag:s0] =	ssyncset.done @!p0 $0x0  }
0x2cc: {  	[sflag:s0] =	ssyncadd.s32 @!p0 s1  }
0x2cd: {  	[bflag:$0x3] =	sbarrier.arrive $0xFFFF  }
0x2ce: {  	_ =	shalt  }

// kernel: sparse-core-data-format-call.cloned.1.call-start
scs
called_computation_lowered:
.L_overlay_start_0:
0x0: {  	s2 =	sld [smem:$0x3FD9]  }
0x1: {  	s3 =	sld [smem:$0x3FFE];
	_ =	sdelay $0x1  }
0x2: {  	s1 =	srdreg.scid  }
0x3: {  	s0 =	sand.u32 $0x1, s1  }
0x4: {  	s18 =	sshll.u32 s0, $0xA;
	s2 =	sadd.s32 s3, s2  }
0x5: {  	s2 =	sadd.s32 s2, s18  }
0x6: {  	[smem:$0x3FC6] =	sst s2  }
0x7: {  	_ = 	snop  }
0x8: {  	s2 =	sld [smem:$0x3FD0];
	(tm) =	ssettm $0x1  }
0x9: {  	s19 =	sld [smem:$0x3FFB];
	_ =	sdelay $0x3  }
0xa: {  	_ =	strace s19  }
0xb: {  	s3 =	sld [smem:$0x3FFC];
	_ =	sdelay $0x3  }
0xc: {  	_ =	strace s3  }
0xd: {  	s3 =	sld [smem:$0x3FFD];
	_ =	sdelay $0x3  }
0xe: {  	_ =	strace s3  }
0xf: {  	_ =	strace $0x8FFFFFFF  }
0x10: {  	s20 =	sld [smem:$0x3FDB];
	_ =	sdelay $0x1  }
0x11: {  	s4 =	simm.s32 $_scs_section_size  }
0x12: {  	s5 =	simm.s32 $_size__tile_overlayer_lowered;
	s6 =	simm.s32 $_tile_overlayer_lowered  }
0x13: {  	s23 =	simm.s32 $0x1BFF;
	s22 =	sshll.u32 s6, $0x1;
	s3 =	sadd.s32 s4, s20  }
0x14: {  	s7 =	simm.s32 $0x0;
	s21 =	sshll.u32 s5, $0x1;
	s5 =	sadd.s32 s22, s3  }
0x15: {  	[timem:s7], [sflag:s23] =	dma.local [hbm:s5], s21  }
0x16: {  	_ =	swait.ge [sflag:s23], s21  }
0x17: {  	s4 =	ssub.s32 $0x0, s21;
	[sflag:s23] =	ssyncset.done $0x0  }
0x18: {  	[sflag:s23] =	ssyncadd.s32 s4;
	_ =	sdelay $0x1  }
0x19: {  	s24 =	simm.s32 $0x1B8B  }
0x1a: {  	_ =	swait.ge [sflag:s24], $0x1  }
0x1b: {  	[sflag:s24] =	ssyncset.done $0x0  }
0x1c: {  	s26 =	simm.s32 $0x1B8E;
	s25 =	sld [smem:$0x3FFE];
	[sflag:s24] =	ssyncadd.s32 $0xFFFFFFFF  }
0x1d: {  	s27 =	simm.s32 $execute0_lowered;
	[smem:$0x3FD2] =	sst s26  }
0x1e: {  	s5 =	sshll.u32 s27, $0x1;
	_ =	strace $0x80000049;
	[dreg:$0x1] =	wrdreg $0xFFFFFFFF  }
0x1f: {  	s28 =	simm.s32 $_size_execute0_lowered;
	s3 =	sadd.s32 s3, s5;
	[dreg:$0x0] =	wrdreg $0x0  }
0x20: {  	s5 =	sshll.u32 s28, $0x1;
	[dreg:$0x2] =	wrdreg s3  }
0x21: {  	[dreg:$0x3] =	wrdreg s5  }
0x22: {  	[dreg:$0x4] =	wrdreg $0xC0  }
0x23: {  	_ =	task [dreg:s7], $0x5FFFF  }
0x24: {  	[dreg:$0x1] =	wrdreg $0xFFFFFFFF  }
0x25: {  	[dreg:$0x0] =	wrdreg $0x60  }
0x26: {  	[dreg:$0x2] =	wrdreg s25  }
0x27: {  	[dreg:$0x3] =	wrdreg s2  }
0x28: {  	[dreg:$0x4] =	wrdreg $0x9  }
0x29: {  	_ =	task.clear_ibuf [dreg:s7], $0x5FFFF;
	_ =	strace $0x90000049  }
0x2a: {  	s29 =	simm.s32 $0x9;
	_ =	strace $0x8000004B  }
0x2b: {  	_ =	swait.ge [sflag:s29], $0x1  }
0x2c: {  	[sflag:s29] =	ssyncadd.s32 $0xFFFFFFFF  }
0x2d: {  	_ =	strace $0x9000004B  }
0x2e: {  	_ =	sfence  }
0x2f: {  	s30 =	sld [smem:$0x0];
	_ =	sdelay $0x2  }
0x30: {  	s31 =	sshll.u32 s1, $0xD;
	s1 =	sshrl.u32 s1, $0x2  }
0x31: {  	s3 =	sand.u32 $0x4000, s31;
	s1 =	sadd.s32 s1, s30  }
0x32: {  	s0 =	sor.u32 s3, s0;
	s1 =	sshll.u32 s1, $0x11  }
0x33: {  	s0 =	sor.u32 s1, s0  }
0x34: {  	s0 =	sadd.s32 $0x8F2B, s0  }
0x35: {  	[sflag:s0] =	ssyncadd.remote.s32 $0x1  }
0x36: {  	_ =	sfence.sel $0xFFFF  }
0x37: {  	[dreg:$0x0] =	wrdreg $0xFFFFFFFF;
	(pc) =	sbr.abs _section_cstart, $3  }
0x38: {  	[dreg:$0x1] =	wrdreg $0xFFFFFFFF  }
0x39: {  	_ =	task.clear_ibuf [dreg:s7], $0x2FFFF;
	_ =	strace $0x9FFFFFFF  }
0x3a: {  	(tm) =	ssettm $0x7FFFFFFF  }
0x3b: {  	_ =	shalt  }
tec
execute0_lowered:
.L_overlay_start_1:
0x0: {  	(tag) =	ssettag $0x1  }
0x1: {  	s0 =	srdreg.scid  }
0x2: {  	s1 =	sshll.u32 s0, $0x4  }
0x3: {  	s0 =	stileid.u32;
	s1 =	sand.u32 $0x10, s1  }
0x4: {  	s1 =	sor.u32 s0, s1  }
0x5: {  	s6 =	rddreg [dreg:$0x0];
	s4 =	simm.s32 $0x1;
	s2 =	sshll.u32 s1, $0x7  }
0x6: {  	s7 =	simm.s32 $0x2;
	s12 =	simm.s32 $0x0;
	s1 =	ssub.s32 $0x1000, s2  }
0x7: {  	s8 =	simm.s32 $0x8000;
	s13 =	simm.s32 $0x0;
	s3 =	sand.u32 $0xF80, s1  }
0x8: {  	s9 =	simm.s32 $0x0;
	s5 =	sshrl.u32 s1, $0xC;
	p0 =	sne.s32 s3, $0x0  }
.Ltmp0:
0x9: {  	s1 =	rddreg [dreg:$0x2];
	s4 =	simm.s32 @!p0 $0x0;
	(pc) =	sbr.rel .LBB1_1-.Ltmp0, $4  }
0xa: {  	s11 =	simm.s32 $0x0;
	s3 =	rddreg [dreg:$0x1];
	s5 =	sadd.s32 s4, s5  }
0xb: {  	_ =	strace $0x8000004A;
	s4 =	simm.s32 $0x1;
	s5 =	smul.u32 $0xC8, s5  }
0xc: {  	s6 =	sadd.s32 $0xA00, s6;
	s10 =	smov.u32 s2;
	[sflag:s4] =	ssyncpa.u1 $0x0  }
0xd: {  	p0 =	por $0x0, $0x0;
	[sflag:s7] =	ssyncpa.u1 $0x0;
	s7 =	sor.u32 $0x1, s5  }
.LBB1_4:
0xe: {  	s16 =	sshll.u32 s13, $0x3;
	s17 =	sand.u32 $0x78, s13  }
0xf: {  	s30 =	sand.u32 $0x7E00, s13;
	s12 =	sshll.u32 s12, $0xF;
	s16 =	sand.u32 $0xC00, s16  }
0x10: {  	[tilespmem:s15+$0x810 ss:$0x81] =	vst.msk $0xffff, v2;
	s31 =	sand.u32 $0x7, s13;
	s16 =	sor.u32 s17, s16;
	s17 =	sadd.s32 s3, s30  }
0x11: {  	[tilespmem:s15+$0x1020 ss:$0x81] =	vst.msk $0xffff, v0;
	s13 =	sshll.u32 s31, $0x12;
	s12 =	sadd.s32 s12, s17;
	s16 =	sshrl.u32 s16, $0x3  }
0x12: {  	[tilespmem:s15+$0x0 ss:$0x81] =	vst.msk $0xffff, v1;
	s13 =	sor.u32 $0x400, s13;
	s12 =	sadd.s32 s16, s12  }
0x13: {  	[hbm4b:s12+s13] =	stream.strided.scatter [tilespmem:s14], [sflag:$0x2], $0x2000, s8, s13, $0x20;
	[tilespmem:$0x8080] =	vst v63  }
.LBB1_5:
0x14: {  	s14 =	sadd.s32 $0x1, s9  }
0x15: {  	s12 =	sadd.s32 $0x1000, s10;
	s16 =	smov.u32 s10;
	p2 =	sgt.s32 s14, $0xC7  }
0x16: {  	s16 =	smov.u32 @p2 s12  }
0x17: {  	s14 =	simm.s32 @p2 $0x0;
	p2 =	sgt.s32 s16, $0xFFF  }
0x18: {  	s16 =	smov.u32 @p2 s2;
	p2 =	sne.s32 s11, s7  }
.Ltmp1:
0x19: {  	p1 =	slt.u32 s11, $0x2;
	(pc) =	sbr.rel @!p2 .LBB1_6-.Ltmp1, $4  }
0x1a: {  	s15 =	simm.s32 @!p1 $0x2  }
0x1b: {  	s13 =	smov.u32 s10;
	p0 =	por !p0, !p0;
	_ =	swait.ge @!p1 [sflag:s15], $0x2000  }
0x1c: {  	s12 =	smov.u32 s9;
	[sflag:s15] =	ssyncset.done @!p1 $0x0;
	s9 =	smov.u32 s14  }
0x1d: {  	s11 =	sadd.s32 $0x1, s11;
	[sflag:s15] =	ssyncadd.s32 @!p1 $0xFFFFE000;
	s10 =	smov.u32 s16  }
.LBB1_1:
0x1e: {  	p1 =	sge.u32 s11, s5  }
0x1f: {  	s14 =	sand.u32 @!p1 $0x1FFFFFF, s9  }
0x20: {  	s15 =	smulhi.u32 @!p1 $0x147AE15, s14;
	_ =	sdelay $0x1  }
0x21: {  	s15 =	smul.u32 @!p1 $0xC8, s15  }
0x22: {  	s16 =	sxor.u32 @!p1 $0xFFFFFFFF, s11;
	s17 =	smul.u32 @!p1 $0xC80, s10  }
0x23: {  	s31 =	sadd.s32 $0xFFFFFFFF, s11;
	s16 =	sshll.u32 @!p1 s16, $0xD;
	s14 =	ssub.s32 @!p1 s14, s15  }
0x24: {  	s15 =	sand.u32 @!p1 $0x2000, s16;
	s16 =	sadd.s32 @!p1 s6, s17;
	s14 =	sshll.u32 @!p1 s14, $0x4  }
0x25: {  	s17 =	simm.s32 @!p1 $0x6400;
	s14 =	sadd.s32 @!p1 s14, s16;
	s16 =	simm.s32 @!p1 $0x40  }
0x26: {  	[tilespmem:s15], [sflag:$0x1] =	stream.strided.gather @!p1 [hbm4b:s14+s16], $0x2000, s17, s16, $0x38;
	[tilespmem:$0x8080] =	vst v63  }
0x27: {  	p1 =	sge.u32 s31, s5  }
.Ltmp2:
0x28: {  	_ = 	snop;
	(pc) =	sbr.rel @p1 .LBB1_5-.Ltmp2, $1  }
0x29: {  	_ =	sdelay $0x3  }
0x2a: {  	s14 =	simm.s32 $0x1  }
0x2b: {  	_ =	swait.ge [sflag:s4], $0x2000;
	s14 =	simm.s32 @!p0 $0x0  }
0x2c: {  	[sflag:s4] =	ssyncset.done $0x0;
	s15 =	sshll.u32 s14, $0xD  }
0x2d: {  	[sflag:s4] =	ssyncadd.s32 $0xFFFFE000;
	s18 =	sor.u32 $0x20, s15  }
0x2e: {  	s14 =	smul.u32 $0x8100, s14;
	v3 =	vld [tilespmem:s18+$0x10]  }
0x2f: {  	s30 =	sand.u32 $0x1, s11;
	v2 =	vld [tilespmem:s18+$0xFFFFFFF0]  }
0x30: {  	s15 =	smul.u32 $0x8100, s30;
	s14 =	sshrl.u32 s14, $0x2;
	v0 =	vld [tilespmem:s18+$0x0]  }
0x31: {  	v1 =	vld [tilespmem:s18+$0xFFFFFFE0];
	s16 =	sor.u32 $0x4000, s14  }
0x32: {  	s31 =	sshrl.u32 s15, $0x2;
	s15 =	sadd.s32 $0x0, s16  }
0x33: {  	s17 =	simm.s32 $0x4;
	s18 =	sadd.s32 $0x40, s18;
	s14 =	sor.u32 $0x4000, s31;
	[tilespmem:s15+$0x1830 ss:$0x81] =	vst.msk $0xffff, v3  }
.LBB1_3:
0x34: {  	v3 =	vld [tilespmem:s18+$0x10];
	p1 =	sne.s32 s17, $0x1FC;
	[tilespmem:s15+$0x810 ss:$0x81] =	vst.msk $0xffff, v2;
	s19 =	smov.u32 s17;
	s17 =	sadd.s32 $0x4, s17  }
.Ltmp3:
0x35: {  	v2 =	vld [tilespmem:s18+$0xFFFFFFF0];
	[tilespmem:s15+$0x1020 ss:$0x81] =	vst.msk $0xffff, v0;
	(pc) =	sbr.rel @p1 .LBB1_3-.Ltmp3, $4  }
0x36: {  	v0 =	vld [tilespmem:s18+$0x0];
	[tilespmem:s15+$0x0 ss:$0x81] =	vst.msk $0xffff, v1  }
0x37: {  	s15 =	sshra.s32 s19, $0x2;
	v1 =	vld [tilespmem:s18+$0xFFFFFFE0]  }
0x38: {  	s15 =	sadd.s32 s15, s16  }
0x39: {  	s18 =	sadd.s32 $0x40, s18;
	[tilespmem:s15+$0x1830 ss:$0x81] =	vst.msk $0xffff, v3  }
.Ltmp4:
0x3a: {  	_ = 	snop;
	(pc) =	sbr.rel .LBB1_4-.Ltmp4, $1  }
0x3b: {  	_ =	sdelay $0x3  }
.LBB1_6:
0x3c: {  	_ =	sfence.sel $0x180000  }
0x3d: {  	s2 =	simm.s32 $0x1;
	[bflag:$0x0] =	sbarrier.arrive $0xFFFF  }
0x3e: {  	s31 =	simm.s32 $0x2;
	[sflag:s2] =	ssyncpa.u1 $0x1  }
0x3f: {  	[sflag:s31] =	ssyncpa.u1 $0x1  }
0x40: {  	p0 =	sne.s32 s0, $0x0;
	_ =	strace $0x9000004A  }
0x41: {  	s0 =	sadd.s32 @!p0 $0x100000, s1;
	[bflag:$0x2] =	sbarrier.arrive $0xFFFF  }
0x42: {  	[sflag:s0] =	ssyncadd.tile.s32 @!p0 $0x1;
	_ =	shalt  }
.Lfunc_end1:
_tile_overlayer_lowered:
.L_overlay_start_2:
0x43: {  	(tag) =	ssettag $0x2  }
0x44: {  	s0 =	rddreg [dreg:$0x0];
	s2 =	stileid.u32  }
0x45: {  	s1 =	rddreg [dreg:$0x1];
	p0 =	sne.s32 s2, $0x0  }
0x46: {  	s3 =	rddreg [dreg:$0x2];
	[bflag:$0x3] =	sbarrier.arrive $0xFFFF;
	s2 =	simm.s32 @!p0 $0x1C01  }
0x47: {  	[timem:s3], [sflag:s2] =	dma.local @!p0 [hbm:s0], s1  }
0x48: {  	s0 =	simm.s32 @!p0 $0x1  }
0x49: {  	_ =	swait.ge @!p0 [sflag:s0], s1  }
0x4a: {  	s1 =	ssub.s32 @!p0 $0x0, s1;
	[sflag:s0] =	ssyncset.done @!p0 $0x0  }
0x4b: {  	[sflag:s0] =	ssyncadd.s32 @!p0 s1  }
0x4c: {  	[bflag:$0x3] =	sbarrier.arrive $0xFFFF  }
0x4d: {  	_ =	shalt  }

</sc_bundles>
